<compile_context>
chip_gen: v7x
topology: tpu7x:2x2x1
jax: 0.10.2.dev20260603
libtpu: 0.0.44.dev20260713+nightly
codegen_flags: <defaults>
</compile_context>

<pallas_src>
import functools

import jax
import jax.numpy as jnp
from jax import lax
from jax.experimental import pallas as pl
from jax.experimental.pallas import tpu as pltpu
from jax.experimental.pallas import tpu_sc as plsc

N = 10000
E = 320000
D = 128
DOUT = 12

NC = 2
NS = 16
NW = NC * NS
K = 128
NBUF = 2
CHUNKS = ((-(-E // (NW * K)) + NBUF - 1) // NBUF) * NBUF
EPAD = CHUNKS * NW * K
NPAD = (N // 128 + 1) * 128
RPT = NPAD // NS

_mesh = plsc.VectorSubcoreMesh(core_axis_name="c", subcore_axis_name="s")

def _fill_2d(ref, rows, val):
    val16 = jnp.full((16,), val, jnp.float32)
    def body(i, _):
        r = i // (D // 16)
        col = (i % (D // 16)) * 16
        ref[r, pl.ds(col, 16)] = val16
        return 0
    lax.fori_loop(0, rows * (D // 16), body, 0)


def _fill_1d(ref, n, val):
    val16 = jnp.full((16,), val, jnp.float32)
    def body(i, _):
        ref[pl.ds(i * 16, 16)] = val16
        return 0
    lax.fori_loop(0, n // 16, body, 0)




@functools.partial(
    pl.kernel,
    out_type=jax.ShapeDtypeStruct((NC * NPAD,), jnp.float32),
    mesh=_mesh,
    scratch_types=[
        pltpu.VMEM((CHUNKS, K), jnp.int32),
        pltpu.VMEM((K,), jnp.float32),
        pltpu.VMEM((((RPT + 15) // 16) * 16,), jnp.float32),
        pltpu.VMEM_SHARED((NPAD,), jnp.float32),
        pltpu.SemaphoreType.DMA,
        pltpu.SemaphoreType.DMA,
    ],
)
def _sc_degree(dst_hbm, out_hbm, didx_v, ones_v, zrow_v, acc, semi, sems):
    c = lax.axis_index("c")
    s = lax.axis_index("s")
    wid = s * NC + c

    pltpu.async_copy(dst_hbm.at[pl.ds(wid * CHUNKS, CHUNKS)], didx_v, semi)
    _fill_1d(ones_v, K, 1.0)
    _fill_1d(zrow_v, ((RPT + 15) // 16) * 16, 0.0)
    pltpu.sync_copy(zrow_v.at[pl.ds(0, RPT)], acc.at[pl.ds(s * RPT, RPT)])
    pltpu.make_async_copy(dst_hbm.at[pl.ds(0, CHUNKS)], didx_v, semi).wait()
    plsc.subcore_barrier()

    def body(j, _):
        pltpu.async_copy(ones_v, acc.at[didx_v.at[j]], sems, add=True)
        return 0

    lax.fori_loop(0, CHUNKS, body, 0)

    def drain(j, _):
        pltpu.make_async_copy(ones_v, acc.at[didx_v.at[0]], sems).wait()
        return 0

    lax.fori_loop(0, CHUNKS, drain, 0)
    plsc.subcore_barrier()
    pltpu.sync_copy(acc.at[pl.ds(s * RPT, RPT)], zrow_v.at[pl.ds(0, RPT)])
    pltpu.sync_copy(zrow_v.at[pl.ds(0, RPT)],
                    out_hbm.at[pl.ds(c * NPAD + s * RPT, RPT)])


@functools.partial(
    pl.kernel,
    out_type=jax.ShapeDtypeStruct((NC, NPAD, D), jnp.float32),
    mesh=_mesh,
    scratch_types=[
        pltpu.VMEM((2, NBUF, K), jnp.int32),
        pltpu.VMEM((2, NBUF, K), jnp.int32),
        pltpu.VMEM((NBUF, K, D), jnp.float32),
        pltpu.VMEM_SHARED((NPAD, D), jnp.float32),
        pltpu.SemaphoreType.DMA,
        [pltpu.SemaphoreType.DMA] * NBUF,
    ],
)
def _sc_segsum(y_hbm, src_hbm, dst_hbm, out_hbm, sidx_v, didx_v, rows_v, acc,
               semi, semg):
    c = lax.axis_index("c")
    s = lax.axis_index("s")
    wid = s * NC + c
    base = wid * CHUNKS
    G = CHUNKS // NBUF

    def istart(g, p):
        pltpu.async_copy(src_hbm.at[pl.ds(base + g * NBUF, NBUF)],
                         sidx_v.at[p], semi)
        pltpu.async_copy(dst_hbm.at[pl.ds(base + g * NBUF, NBUF)],
                         didx_v.at[p], semi)

    def iwait():
        pltpu.make_async_copy(src_hbm.at[pl.ds(0, NBUF)], sidx_v.at[0],
                              semi).wait()
        pltpu.make_async_copy(dst_hbm.at[pl.ds(0, NBUF)], didx_v.at[0],
                              semi).wait()

    istart(0, 0)

    val16 = jnp.zeros((16,), jnp.float32)

    def zbody(i, _):
        r = i // (D // 16)
        col = (i % (D // 16)) * 16
        rows_v[0, r, pl.ds(col, 16)] = val16
        return 0

    lax.fori_loop(0, K * (D // 16), zbody, 0)
    rbase = s * RPT
    for j in range(RPT // K):
        pltpu.sync_copy(rows_v.at[0], acc.at[pl.ds(rbase + j * K, K)])
    rem = RPT % K
    if rem:
        pltpu.sync_copy(rows_v.at[0, pl.ds(0, rem)],
                        acc.at[pl.ds(rbase + (RPT // K) * K, rem)])
    iwait()
    plsc.subcore_barrier()

    def gstart(p, b):
        pltpu.async_copy(y_hbm.at[sidx_v.at[p, b]], rows_v.at[b], semg[b])

    def gwait(b):
        pltpu.make_async_copy(y_hbm.at[sidx_v.at[0, 0]], rows_v.at[b],
                              semg[b]).wait()

    for b in range(NBUF):
        gstart(0, b)

    def outer(g, _):
        p = lax.rem(g, 2)
        pn = 1 - p
        more = g + 1 < G

        @pl.when(more)
        def _():
            istart(g + 1, pn)

        gwait(0)
        pltpu.sync_copy(rows_v.at[0], acc.at[didx_v.at[p, 0]], add=True)

        @pl.when(more)
        def _():
            iwait()
            gstart(pn, 0)

        gwait(1)
        pltpu.sync_copy(rows_v.at[1], acc.at[didx_v.at[p, 1]], add=True)

        @pl.when(more)
        def _():
            gstart(pn, 1)
        return 0

    lax.fori_loop(0, G, outer, 0)
    plsc.subcore_barrier()
    pltpu.sync_copy(acc.at[pl.ds(rbase, RPT)], out_hbm.at[c, pl.ds(rbase, RPT)])



_R = 1000


def _tc_dense1_body(x_ref, w_ref, c0_ref, c1_ref, y_ref, dinv_ref):
    deg = c0_ref[...] + c1_ref[...] + 1.0
    dinv = lax.rsqrt(deg)
    dinv_ref[...] = dinv
    y_ref[...] = jnp.dot(x_ref[...], w_ref[...],
                         preferred_element_type=jnp.float32) * dinv


def _tc_dense_mid_body(z0_ref, z1_ref, y_ref, dinv_ref, b_ref, w_ref, out_ref):
    dinv = dinv_ref[...]
    h = dinv * (z0_ref[...] + z1_ref[...] + y_ref[...]) + b_ref[...]
    h = jnp.maximum(h, 0.0)
    out_ref[...] = jnp.dot(h, w_ref[...],
                           preferred_element_type=jnp.float32) * dinv


def _tc_dense_out_body(z0_ref, z1_ref, y_ref, dinv_ref, b_ref, m_ref,
                       wr_ref, br_ref, out_ref):
    h = dinv_ref[...] * (z0_ref[...] + z1_ref[...] + y_ref[...]) + b_ref[...]
    h = jnp.maximum(h, 0.0) * m_ref[...]
    out_ref[...] = jnp.dot(h, wr_ref[...],
                           preferred_element_type=jnp.float32) + br_ref[...]


def _rows_spec(width):
    return pl.BlockSpec((_R, width), lambda i: (i, 0))


def _full_spec(shape):
    return pl.BlockSpec(shape, lambda i: (0,) * len(shape))


def kernel(x, edge_index, target_mask, W1, b1, W2, b2, Wr, br):
    ept = E // NW
    ppt = CHUNKS * K - ept
    pad_src = jnp.zeros((NW, ppt), jnp.int32)
    pad_dst = (jnp.arange(NW * ppt, dtype=jnp.int32) % (NPAD - N) + N
               ).reshape(NW, ppt)
    src_p = jnp.concatenate([edge_index[0].reshape(NW, ept), pad_src], axis=1)
    src_p = src_p.reshape(NW * CHUNKS, K)
    dst_p = jnp.concatenate([edge_index[1].reshape(NW, ept), pad_dst], axis=1)
    dst_p = dst_p.reshape(NW * CHUNKS, K)

    cnt = _sc_degree(dst_p)
    c0 = cnt[:N, None]
    c1 = cnt[NPAD:NPAD + N, None]

    grid = N // _R
    y1, dinv = pl.pallas_call(
        _tc_dense1_body,
        grid=(grid,),
        in_specs=[_rows_spec(D), _full_spec((D, D)), _rows_spec(1), _rows_spec(1)],
        out_specs=[_rows_spec(D), _rows_spec(1)],
        out_shape=[jax.ShapeDtypeStruct((N, D), jnp.float32),
                   jax.ShapeDtypeStruct((N, 1), jnp.float32)],
    )(x, W1, c0, c1)

    z = _sc_segsum(y1, src_p, dst_p)

    y2 = pl.pallas_call(
        _tc_dense_mid_body,
        grid=(grid,),
        in_specs=[_rows_spec(D), _rows_spec(D), _rows_spec(D), _rows_spec(1),
                  _full_spec((1, D)), _full_spec((D, D))],
        out_specs=_rows_spec(D),
        out_shape=jax.ShapeDtypeStruct((N, D), jnp.float32),
    )(z[0, :N], z[1, :N], y1, dinv, b1[None, :], W2)

    z2 = _sc_segsum(y2, src_p, dst_p)

    mask_f = target_mask.astype(jnp.float32)[:, None]
    pred = pl.pallas_call(
        _tc_dense_out_body,
        grid=(grid,),
        in_specs=[_rows_spec(D), _rows_spec(D), _rows_spec(D), _rows_spec(1),
                  _full_spec((1, D)), _rows_spec(1),
                  _full_spec((D, DOUT)), _full_spec((1, DOUT))],
        out_specs=_rows_spec(DOUT),
        out_shape=jax.ShapeDtypeStruct((N, DOUT), jnp.float32),
    )(z2[0, :N], z2[1, :N], y2, dinv, b2[None, :], mask_f, Wr, br[None, :])

    return pred

# --- scband reference (transcript-rebuilt; emitter-appended) ---
"""Pipeline reference for scband-bridged-stgnn-63737314673106 (READ-ONLY COPY).

The authoritative reference and input builder live on the scoring server;
editing this copy changes nothing except your own understanding.
"""

import jax, jax.numpy as jnp
import numpy as np

N_NODES = 10000
N_EDGES = 320000
D_IN = 128
D_HID = 128
D_OUT = 12


def setup_inputs(seed: int = 0) -> dict:
    key = jax.random.key(seed)
    ks = jax.random.split(key, 10)
    x = jax.random.normal(ks[0], (N_NODES, D_IN), dtype=jnp.float32)
    edge_index = jax.random.randint(ks[1], (2, N_EDGES), 0, N_NODES, dtype=jnp.int64 if jax.config.jax_enable_x64 else jnp.int32).astype(jnp.int32)
    target_mask = jnp.ones((N_NODES,), dtype=bool)
    s1 = 1.0 / np.sqrt(D_IN)
    s2 = 1.0 / np.sqrt(D_HID)
    W1 = jax.random.uniform(ks[2], (D_IN, D_HID), jnp.float32, -s1, s1)
    b1 = jnp.zeros((D_HID,), jnp.float32)
    W2 = jax.random.uniform(ks[3], (D_HID, D_HID), jnp.float32, -s2, s2)
    b2 = jnp.zeros((D_HID,), jnp.float32)
    Wr = jax.random.uniform(ks[4], (D_HID, D_OUT), jnp.float32, -s2, s2)
    br = jnp.zeros((D_OUT,), jnp.float32)
    return {"x": x, "edge_index": edge_index, "target_mask": target_mask,
            "W1": W1, "b1": b1, "W2": W2, "b2": b2, "Wr": Wr, "br": br}


def _gcn_conv(x, edge_index, W, b):
    # PyG-style GCNConv: add self-loops, symmetric normalization D^-1/2 A D^-1/2 x W + b
    N = x.shape[0]
    loop = jnp.arange(N, dtype=edge_index.dtype)
    src = jnp.concatenate([edge_index[0], loop])
    dst = jnp.concatenate([edge_index[1], loop])
    deg = jnp.zeros((N,), jnp.float32).at[dst].add(1.0)
    dinv = jnp.where(deg > 0, 1.0 / jnp.sqrt(deg), 0.0)
    xw = x @ W
    norm = (dinv[src] * dinv[dst])[:, None]
    msg = jnp.take(xw, src, axis=0) * norm
    out = jnp.zeros((N, W.shape[1]), jnp.float32).at[dst].add(msg)
    return out + b


def reference(x, edge_index, target_mask, W1, b1, W2, b2, Wr, br):
    # GKTGNN.forward: two GCN layers + regressor on masked (target) nodes
    h = jax.nn.relu(_gcn_conv(x, edge_index, W1, b1))
    h = jax.nn.relu(_gcn_conv(h, edge_index, W2, b2))
    h_t = jnp.where(target_mask[:, None], h, 0.0)
    pred = h_t @ Wr + br
    return pred

if __name__ == "__main__":
    import jax
    _d = setup_inputs()
    print(jax.jit(kernel)(*tuple(_d.values())))

</pallas_src>

<mosaic_0001>
#map = affine_map<(d0, d1) -> (0, 0)>
#map1 = affine_map<(d0, d1) -> (0, 0, 0)>
module attributes {stable_mosaic.version = 14 : i64} {
  func.func @_sc_segsum(%arg0: i32, %arg1: i32, %arg2: memref<10000x128xf32, #tpu.memory_space<hbm>>, %arg3: memref<2560x128xi32, #tpu.memory_space<hbm>>, %arg4: memref<2560x128xi32, #tpu.memory_space<hbm>>, %arg5: memref<2x10112x128xf32, #tpu.memory_space<hbm>>, %arg6: memref<2x2x128xi32, #tpu.memory_space<vmem>>, %arg7: memref<2x2x128xi32, #tpu.memory_space<vmem>>, %arg8: memref<2x128x128xf32, #tpu.memory_space<vmem>>, %arg9: memref<10112x128xf32, #tpu.memory_space<vmem_shared>>, %arg10: memref<!tpu.dma_semaphore, #tpu.memory_space<semaphore_mem>>, %arg11: memref<!tpu.dma_semaphore, #tpu.memory_space<semaphore_mem>>, %arg12: memref<!tpu.dma_semaphore, #tpu.memory_space<semaphore_mem>>) attributes {dimension_semantics = [#tpu.dimension_semantics<core_parallel>, #tpu.dimension_semantics<subcore_parallel>], iteration_bounds = array<i64: 2, 16>, scalar_prefetch = 0 : i64, scratch_operands = 7 : i64, tpu.core_type = #tpu.core_type<sc_vector_subcore>, window_params = [{transform_indices = #map}, {transform_indices = #map}, {transform_indices = #map}, {transform_indices = #map1}]} {
    %mul3A = arith.constant 2 : i32
    %mul3A_0 = arith.muli %arg1, %mul3A : i32
    %add3A = arith.addi %mul3A_0, %arg0 : i32
    %mul3A_1 = arith.constant 80 : i32
    %mul3A_2 = arith.muli %add3A, %mul3A_1 : i32
    %add3A_3 = arith.constant 0 : i32
    %add3A_4 = arith.addi %mul3A_2, %add3A_3 : i32
    %dma_start3A = arith.constant 0 : i32
    %dma_start3A_5 = arith.constant 0 : i32
    %dma_start3A_6 = arith.constant 0 : i32
    %dma_start3A_7 = tpu.memref_slice %arg6[%dma_start3A, %dma_start3A_5, %dma_start3A_6] : memref<2x2x128xi32, #tpu.memory_space<vmem>> -> memref<1x2x128xi32, #tpu.memory_space<vmem>>
    %dma_start3A_8 = tpu.memref_squeeze %dma_start3A_7 : memref<1x2x128xi32, #tpu.memory_space<vmem>> -> memref<2x128xi32, #tpu.memory_space<vmem>>
    %dma_start3A_9 = arith.constant 0 : i32
    %dma_start3A_10 = tpu.memref_slice %arg3[%add3A_4, %dma_start3A_9] : memref<2560x128xi32, #tpu.memory_space<hbm>> -> memref<2x128xi32, #tpu.memory_space<hbm>>
    %dma_start3A_11 = arith.constant 0 : i32
    %dma_start3A_12 = arith.constant 0 : i32
    %dma_start3A_13 = tpu.memref_slice %arg6[%dma_start3A, %dma_start3A_11, %dma_start3A_12] : memref<2x2x128xi32, #tpu.memory_space<vmem>> -> memref<1x2x128xi32, #tpu.memory_space<vmem>>
    %dma_start3A_14 = tpu.memref_squeeze %dma_start3A_13 : memref<1x2x128xi32, #tpu.memory_space<vmem>> -> memref<2x128xi32, #tpu.memory_space<vmem>>
    %dma_start3A_15 = arith.constant 0 : i32
    %dma_start3A_16 = tpu.memref_slice %arg3[%add3A_4, %dma_start3A_15] : memref<2560x128xi32, #tpu.memory_space<hbm>> -> memref<2x128xi32, #tpu.memory_space<hbm>>
    tpu.enqueue_dma source(%dma_start3A_16 : memref<2x128xi32, #tpu.memory_space<hbm>>) target(%dma_start3A_14 : memref<2x128xi32, #tpu.memory_space<vmem>>) target_semaphore(%arg10 : memref<!tpu.dma_semaphore, #tpu.memory_space<semaphore_mem>>)
    %add3A_17 = arith.constant 0 : i32
    %add3A_18 = arith.addi %mul3A_2, %add3A_17 : i32
    %dma_start3A_19 = arith.constant 0 : i32
    %dma_start3A_20 = arith.constant 0 : i32
    %dma_start3A_21 = arith.constant 0 : i32
    %dma_start3A_22 = tpu.memref_slice %arg7[%dma_start3A_19, %dma_start3A_20, %dma_start3A_21] : memref<2x2x128xi32, #tpu.memory_space<vmem>> -> memref<1x2x128xi32, #tpu.memory_space<vmem>>
    %dma_start3A_23 = tpu.memref_squeeze %dma_start3A_22 : memref<1x2x128xi32, #tpu.memory_space<vmem>> -> memref<2x128xi32, #tpu.memory_space<vmem>>
    %dma_start3A_24 = arith.constant 0 : i32
    %dma_start3A_25 = tpu.memref_slice %arg4[%add3A_18, %dma_start3A_24] : memref<2560x128xi32, #tpu.memory_space<hbm>> -> memref<2x128xi32, #tpu.memory_space<hbm>>
    %dma_start3A_26 = arith.constant 0 : i32
    %dma_start3A_27 = arith.constant 0 : i32
    %dma_start3A_28 = tpu.memref_slice %arg7[%dma_start3A_19, %dma_start3A_26, %dma_start3A_27] : memref<2x2x128xi32, #tpu.memory_space<vmem>> -> memref<1x2x128xi32, #tpu.memory_space<vmem>>
    %dma_start3A_29 = tpu.memref_squeeze %dma_start3A_28 : memref<1x2x128xi32, #tpu.memory_space<vmem>> -> memref<2x128xi32, #tpu.memory_space<vmem>>
    %dma_start3A_30 = arith.constant 0 : i32
    %dma_start3A_31 = tpu.memref_slice %arg4[%add3A_18, %dma_start3A_30] : memref<2560x128xi32, #tpu.memory_space<hbm>> -> memref<2x128xi32, #tpu.memory_space<hbm>>
    tpu.enqueue_dma source(%dma_start3A_31 : memref<2x128xi32, #tpu.memory_space<hbm>>) target(%dma_start3A_29 : memref<2x128xi32, #tpu.memory_space<vmem>>) target_semaphore(%arg10 : memref<!tpu.dma_semaphore, #tpu.memory_space<semaphore_mem>>)
    %broadcast_in_dim3A = arith.constant 0.000000e+00 : f32
    %broadcast_in_dim3A_32 = vector.broadcast %broadcast_in_dim3A : f32 to vector<16xf32>
    %scan3A = arith.constant 0 : i32
    %scan3A_33 = arith.constant 0 : i32
    %scan3A_34 = arith.constant 1024 : i32
    %scan3A_35 = arith.addi %scan3A_33, %scan3A_34 : i32
    %scan3A_36 = arith.constant 1 : i32
    %scan3A_37 = scf.for %scan3A_118 = %scan3A_33 to %scan3A_35 step %scan3A_36 iter_args(%scan3A_119 = %scan3A) -> (i32)  : i32 {
      %jit3A = arith.constant 8 : i32
      %div3A = arith.divsi %scan3A_118, %jit3A : i32
      %sign3A = arith.constant 0 : i32
      %sign3A_120 = arith.cmpi sgt, %scan3A_118, %sign3A : i32
      %sign3A_121 = arith.extui %sign3A_120 : i1 to i32
      %sign3A_122 = arith.constant 0 : i32
      %sign3A_123 = arith.cmpi slt, %scan3A_118, %sign3A_122 : i32
      %sign3A_124 = arith.extui %sign3A_123 : i1 to i32
      %sign3A_125 = arith.subi %sign3A_121, %sign3A_124 : i32
      %sign3A_126 = arith.constant 0 : i32
      %sign3A_127 = arith.cmpi sgt, %jit3A, %sign3A_126 : i32
      %sign3A_128 = arith.extui %sign3A_127 : i1 to i32
      %sign3A_129 = arith.constant 0 : i32
      %sign3A_130 = arith.cmpi slt, %jit3A, %sign3A_129 : i32
      %sign3A_131 = arith.extui %sign3A_130 : i1 to i32
      %sign3A_132 = arith.subi %sign3A_128, %sign3A_131 : i32
      %ne3A = arith.cmpi ne, %sign3A_125, %sign3A_132 : i32
      %rem3A = arith.remsi %scan3A_118, %jit3A : i32
      %ne3A_133 = arith.constant 0 : i32
      %ne3A_134 = arith.cmpi ne, %rem3A, %ne3A_133 : i32
      %and3A = arith.andi %ne3A, %ne3A_134 : i1
      %sub3A = arith.constant 1 : i32
      %sub3A_135 = arith.subi %div3A, %sub3A : i32
      %select_n3A = arith.select %and3A, %sub3A_135, %div3A : i32
      %jit3A_136 = arith.constant 8 : i32
      %eq3A = arith.constant 0 : i32
      %eq3A_137 = arith.cmpi eq, %jit3A_136, %eq3A : i32
      %jit3A_138 = arith.constant 1 : i32
      %select_n3A_139 = arith.select %eq3A_137, %jit3A_138, %jit3A_136 : i32
      %rem3A_140 = arith.remsi %scan3A_118, %select_n3A_139 : i32
      %ne3A_141 = arith.constant 0 : i32
      %ne3A_142 = arith.cmpi ne, %rem3A_140, %ne3A_141 : i32
      %lt3A = arith.constant 0 : i32
      %lt3A_143 = arith.cmpi slt, %rem3A_140, %lt3A : i32
      %lt3A_144 = arith.constant 0 : i32
      %lt3A_145 = arith.cmpi slt, %select_n3A_139, %lt3A_144 : i32
      %ne3A_146 = arith.xori %lt3A_143, %lt3A_145 : i1
      %and3A_147 = arith.andi %ne3A_146, %ne3A_142 : i1
      %add3A_148 = arith.addi %rem3A_140, %select_n3A_139 : i32
      %select_n3A_149 = arith.select %and3A_147, %add3A_148, %rem3A_140 : i32
      %mul3A_150 = arith.constant 16 : i32
      %mul3A_151 = arith.muli %select_n3A_149, %mul3A_150 : i32
      %swap3A = arith.constant 0 : i32
      %swap3A_152 = arith.index_cast %swap3A : i32 to index
      %swap3A_153 = arith.index_cast %select_n3A : i32 to index
      %swap3A_154 = arith.index_cast %mul3A_151 : i32 to index
      %swap3A_155 = tpu.vector_load %arg8[%swap3A_152, %swap3A_153, %swap3A_154] {strides = array<i32>} : memref<2x128x128xf32, #tpu.memory_space<vmem>>, vector<1x1x16xf32>,
      %swap3A_156 = vector.shape_cast %swap3A_155 : vector<1x1x16xf32> to vector<16xf32>
      %swap3A_157 = vector.shape_cast %broadcast_in_dim3A_32 : vector<16xf32> to vector<1x1x16xf32>
      tpu.vector_store %arg8[%swap3A_152, %swap3A_153, %swap3A_154], %swap3A_157 {strides = array<i32>} : memref<2x128x128xf32, #tpu.memory_space<vmem>>, vector<1x1x16xf32>,
      %scan3A_158 = arith.constant 0 : i32
      scf.yield %scan3A_158 : i32
    }
    %scan3A_38 = arith.constant 1024 : i32
    %mul3A_39 = arith.constant 632 : i32
    %mul3A_40 = arith.muli %arg1, %mul3A_39 : i32
    %add3A_41 = arith.constant 0 : i32
    %add3A_42 = arith.addi %mul3A_40, %add3A_41 : i32
    %run_scoped3A = arith.constant 0 : i32
    "tpu.region"() ({
      %run_scoped3A_118 = tpu.sem_alloc : memref<!tpu.dma_semaphore, #tpu.memory_space<semaphore_mem>>
      %dma_start3A_119 = arith.constant 0 : i32
      %dma_start3A_120 = arith.constant 0 : i32
      %dma_start3A_121 = tpu.memref_slice %arg8[%run_scoped3A, %dma_start3A_119, %dma_start3A_120] : memref<2x128x128xf32, #tpu.memory_space<vmem>> -> memref<1x128x128xf32, #tpu.memory_space<vmem>>
      %dma_start3A_122 = tpu.memref_squeeze %dma_start3A_121 : memref<1x128x128xf32, #tpu.memory_space<vmem>> -> memref<128x128xf32, #tpu.memory_space<vmem>>
      %dma_start3A_123 = arith.constant 0 : i32
      %dma_start3A_124 = tpu.memref_slice %arg9[%add3A_42, %dma_start3A_123] : memref<10112x128xf32, #tpu.memory_space<vmem_shared>> -> memref<128x128xf32, #tpu.memory_space<vmem_shared>>
      %dma_start3A_125 = arith.constant 0 : i32
      %dma_start3A_126 = tpu.memref_slice %arg9[%add3A_42, %dma_start3A_125] : memref<10112x128xf32, #tpu.memory_space<vmem_shared>> -> memref<128x128xf32, #tpu.memory_space<vmem_shared>>
      %dma_start3A_127 = arith.constant 0 : i32
      %dma_start3A_128 = arith.constant 0 : i32
      %dma_start3A_129 = tpu.memref_slice %arg8[%run_scoped3A, %dma_start3A_127, %dma_start3A_128] : memref<2x128x128xf32, #tpu.memory_space<vmem>> -> memref<1x128x128xf32, #tpu.memory_space<vmem>>
      %dma_start3A_130 = tpu.memref_squeeze %dma_start3A_129 : memref<1x128x128xf32, #tpu.memory_space<vmem>> -> memref<128x128xf32, #tpu.memory_space<vmem>>
      tpu.enqueue_dma source(%dma_start3A_130 : memref<128x128xf32, #tpu.memory_space<vmem>>) target(%dma_start3A_126 : memref<128x128xf32, #tpu.memory_space<vmem_shared>>) target_semaphore(%run_scoped3A_118 : memref<!tpu.dma_semaphore, #tpu.memory_space<semaphore_mem>>)
      %dma_wait3A_131 = arith.constant 0 : i32
      %dma_wait3A_132 = arith.constant 0 : i32
      %dma_wait3A_133 = tpu.memref_slice %arg8[%run_scoped3A, %dma_wait3A_131, %dma_wait3A_132] : memref<2x128x128xf32, #tpu.memory_space<vmem>> -> memref<1x128x128xf32, #tpu.memory_space<vmem>>
      %dma_wait3A_134 = tpu.memref_squeeze %dma_wait3A_133 : memref<1x128x128xf32, #tpu.memory_space<vmem>> -> memref<128x128xf32, #tpu.memory_space<vmem>>
      %dma_wait3A_135 = arith.constant 0 : i32
      %dma_wait3A_136 = tpu.memref_slice %arg9[%add3A_42, %dma_wait3A_135] : memref<10112x128xf32, #tpu.memory_space<vmem_shared>> -> memref<128x128xf32, #tpu.memory_space<vmem_shared>>
      %dma_wait3A_137 = arith.constant 0 : i32
      %dma_wait3A_138 = tpu.memref_slice %arg9[%add3A_42, %dma_wait3A_137] : memref<10112x128xf32, #tpu.memory_space<vmem_shared>> -> memref<128x128xf32, #tpu.memory_space<vmem_shared>>
      %dma_wait3A_139 = arith.constant 0 : i32
      %dma_wait3A_140 = arith.constant 0 : i32
      %dma_wait3A_141 = tpu.memref_slice %arg8[%run_scoped3A, %dma_wait3A_139, %dma_wait3A_140] : memref<2x128x128xf32, #tpu.memory_space<vmem>> -> memref<1x128x128xf32, #tpu.memory_space<vmem>>
      %dma_wait3A_142 = tpu.memref_squeeze %dma_wait3A_141 : memref<1x128x128xf32, #tpu.memory_space<vmem>> -> memref<128x128xf32, #tpu.memory_space<vmem>>
      tpu.wait_dma2 semaphore(%run_scoped3A_118 : memref<!tpu.dma_semaphore, #tpu.memory_space<semaphore_mem>>) src(%dma_wait3A_142 : memref<128x128xf32, #tpu.memory_space<vmem>>) dst(%dma_wait3A_138 : memref<128x128xf32, #tpu.memory_space<vmem_shared>>)
      tpu.yield
    }) : () -> ()
    %add3A_43 = arith.constant 128 : i32
    %add3A_44 = arith.addi %mul3A_40, %add3A_43 : i32
    %run_scoped3A_45 = arith.constant 0 : i32
    "tpu.region"() ({
      %run_scoped3A_118 = tpu.sem_alloc : memref<!tpu.dma_semaphore, #tpu.memory_space<semaphore_mem>>
      %dma_start3A_119 = arith.constant 0 : i32
      %dma_start3A_120 = arith.constant 0 : i32
      %dma_start3A_121 = tpu.memref_slice %arg8[%run_scoped3A_45, %dma_start3A_119, %dma_start3A_120] : memref<2x128x128xf32, #tpu.memory_space<vmem>> -> memref<1x128x128xf32, #tpu.memory_space<vmem>>
      %dma_start3A_122 = tpu.memref_squeeze %dma_start3A_121 : memref<1x128x128xf32, #tpu.memory_space<vmem>> -> memref<128x128xf32, #tpu.memory_space<vmem>>
      %dma_start3A_123 = arith.constant 0 : i32
      %dma_start3A_124 = tpu.memref_slice %arg9[%add3A_44, %dma_start3A_123] : memref<10112x128xf32, #tpu.memory_space<vmem_shared>> -> memref<128x128xf32, #tpu.memory_space<vmem_shared>>
      %dma_start3A_125 = arith.constant 0 : i32
      %dma_start3A_126 = tpu.memref_slice %arg9[%add3A_44, %dma_start3A_125] : memref<10112x128xf32, #tpu.memory_space<vmem_shared>> -> memref<128x128xf32, #tpu.memory_space<vmem_shared>>
      %dma_start3A_127 = arith.constant 0 : i32
      %dma_start3A_128 = arith.constant 0 : i32
      %dma_start3A_129 = tpu.memref_slice %arg8[%run_scoped3A_45, %dma_start3A_127, %dma_start3A_128] : memref<2x128x128xf32, #tpu.memory_space<vmem>> -> memref<1x128x128xf32, #tpu.memory_space<vmem>>
      %dma_start3A_130 = tpu.memref_squeeze %dma_start3A_129 : memref<1x128x128xf32, #tpu.memory_space<vmem>> -> memref<128x128xf32, #tpu.memory_space<vmem>>
      tpu.enqueue_dma source(%dma_start3A_130 : memref<128x128xf32, #tpu.memory_space<vmem>>) target(%dma_start3A_126 : memref<128x128xf32, #tpu.memory_space<vmem_shared>>) target_semaphore(%run_scoped3A_118 : memref<!tpu.dma_semaphore, #tpu.memory_space<semaphore_mem>>)
      %dma_wait3A_131 = arith.constant 0 : i32
      %dma_wait3A_132 = arith.constant 0 : i32
      %dma_wait3A_133 = tpu.memref_slice %arg8[%run_scoped3A_45, %dma_wait3A_131, %dma_wait3A_132] : memref<2x128x128xf32, #tpu.memory_space<vmem>> -> memref<1x128x128xf32, #tpu.memory_space<vmem>>
      %dma_wait3A_134 = tpu.memref_squeeze %dma_wait3A_133 : memref<1x128x128xf32, #tpu.memory_space<vmem>> -> memref<128x128xf32, #tpu.memory_space<vmem>>
      %dma_wait3A_135 = arith.constant 0 : i32
      %dma_wait3A_136 = tpu.memref_slice %arg9[%add3A_44, %dma_wait3A_135] : memref<10112x128xf32, #tpu.memory_space<vmem_shared>> -> memref<128x128xf32, #tpu.memory_space<vmem_shared>>
      %dma_wait3A_137 = arith.constant 0 : i32
      %dma_wait3A_138 = tpu.memref_slice %arg9[%add3A_44, %dma_wait3A_137] : memref<10112x128xf32, #tpu.memory_space<vmem_shared>> -> memref<128x128xf32, #tpu.memory_space<vmem_shared>>
      %dma_wait3A_139 = arith.constant 0 : i32
      %dma_wait3A_140 = arith.constant 0 : i32
      %dma_wait3A_141 = tpu.memref_slice %arg8[%run_scoped3A_45, %dma_wait3A_139, %dma_wait3A_140] : memref<2x128x128xf32, #tpu.memory_space<vmem>> -> memref<1x128x128xf32, #tpu.memory_space<vmem>>
      %dma_wait3A_142 = tpu.memref_squeeze %dma_wait3A_141 : memref<1x128x128xf32, #tpu.memory_space<vmem>> -> memref<128x128xf32, #tpu.memory_space<vmem>>
      tpu.wait_dma2 semaphore(%run_scoped3A_118 : memref<!tpu.dma_semaphore, #tpu.memory_space<semaphore_mem>>) src(%dma_wait3A_142 : memref<128x128xf32, #tpu.memory_space<vmem>>) dst(%dma_wait3A_138 : memref<128x128xf32, #tpu.memory_space<vmem_shared>>)
      tpu.yield
    }) : () -> ()
    %add3A_46 = arith.constant 256 : i32
    %add3A_47 = arith.addi %mul3A_40, %add3A_46 : i32
    %run_scoped3A_48 = arith.constant 0 : i32
    "tpu.region"() ({
      %run_scoped3A_118 = tpu.sem_alloc : memref<!tpu.dma_semaphore, #tpu.memory_space<semaphore_mem>>
      %dma_start3A_119 = arith.constant 0 : i32
      %dma_start3A_120 = arith.constant 0 : i32
      %dma_start3A_121 = tpu.memref_slice %arg8[%run_scoped3A_48, %dma_start3A_119, %dma_start3A_120] : memref<2x128x128xf32, #tpu.memory_space<vmem>> -> memref<1x128x128xf32, #tpu.memory_space<vmem>>
      %dma_start3A_122 = tpu.memref_squeeze %dma_start3A_121 : memref<1x128x128xf32, #tpu.memory_space<vmem>> -> memref<128x128xf32, #tpu.memory_space<vmem>>
      %dma_start3A_123 = arith.constant 0 : i32
      %dma_start3A_124 = tpu.memref_slice %arg9[%add3A_47, %dma_start3A_123] : memref<10112x128xf32, #tpu.memory_space<vmem_shared>> -> memref<128x128xf32, #tpu.memory_space<vmem_shared>>
      %dma_start3A_125 = arith.constant 0 : i32
      %dma_start3A_126 = tpu.memref_slice %arg9[%add3A_47, %dma_start3A_125] : memref<10112x128xf32, #tpu.memory_space<vmem_shared>> -> memref<128x128xf32, #tpu.memory_space<vmem_shared>>
      %dma_start3A_127 = arith.constant 0 : i32
      %dma_start3A_128 = arith.constant 0 : i32
      %dma_start3A_129 = tpu.memref_slice %arg8[%run_scoped3A_48, %dma_start3A_127, %dma_start3A_128] : memref<2x128x128xf32, #tpu.memory_space<vmem>> -> memref<1x128x128xf32, #tpu.memory_space<vmem>>
      %dma_start3A_130 = tpu.memref_squeeze %dma_start3A_129 : memref<1x128x128xf32, #tpu.memory_space<vmem>> -> memref<128x128xf32, #tpu.memory_space<vmem>>
      tpu.enqueue_dma source(%dma_start3A_130 : memref<128x128xf32, #tpu.memory_space<vmem>>) target(%dma_start3A_126 : memref<128x128xf32, #tpu.memory_space<vmem_shared>>) target_semaphore(%run_scoped3A_118 : memref<!tpu.dma_semaphore, #tpu.memory_space<semaphore_mem>>)
      %dma_wait3A_131 = arith.constant 0 : i32
      %dma_wait3A_132 = arith.constant 0 : i32
      %dma_wait3A_133 = tpu.memref_slice %arg8[%run_scoped3A_48, %dma_wait3A_131, %dma_wait3A_132] : memref<2x128x128xf32, #tpu.memory_space<vmem>> -> memref<1x128x128xf32, #tpu.memory_space<vmem>>
      %dma_wait3A_134 = tpu.memref_squeeze %dma_wait3A_133 : memref<1x128x128xf32, #tpu.memory_space<vmem>> -> memref<128x128xf32, #tpu.memory_space<vmem>>
      %dma_wait3A_135 = arith.constant 0 : i32
      %dma_wait3A_136 = tpu.memref_slice %arg9[%add3A_47, %dma_wait3A_135] : memref<10112x128xf32, #tpu.memory_space<vmem_shared>> -> memref<128x128xf32, #tpu.memory_space<vmem_shared>>
      %dma_wait3A_137 = arith.constant 0 : i32
      %dma_wait3A_138 = tpu.memref_slice %arg9[%add3A_47, %dma_wait3A_137] : memref<10112x128xf32, #tpu.memory_space<vmem_shared>> -> memref<128x128xf32, #tpu.memory_space<vmem_shared>>
      %dma_wait3A_139 = arith.constant 0 : i32
      %dma_wait3A_140 = arith.constant 0 : i32
      %dma_wait3A_141 = tpu.memref_slice %arg8[%run_scoped3A_48, %dma_wait3A_139, %dma_wait3A_140] : memref<2x128x128xf32, #tpu.memory_space<vmem>> -> memref<1x128x128xf32, #tpu.memory_space<vmem>>
      %dma_wait3A_142 = tpu.memref_squeeze %dma_wait3A_141 : memref<1x128x128xf32, #tpu.memory_space<vmem>> -> memref<128x128xf32, #tpu.memory_space<vmem>>
      tpu.wait_dma2 semaphore(%run_scoped3A_118 : memref<!tpu.dma_semaphore, #tpu.memory_space<semaphore_mem>>) src(%dma_wait3A_142 : memref<128x128xf32, #tpu.memory_space<vmem>>) dst(%dma_wait3A_138 : memref<128x128xf32, #tpu.memory_space<vmem_shared>>)
      tpu.yield
    }) : () -> ()
    %add3A_49 = arith.constant 384 : i32
    %add3A_50 = arith.addi %mul3A_40, %add3A_49 : i32
    %run_scoped3A_51 = arith.constant 0 : i32
    "tpu.region"() ({
      %run_scoped3A_118 = tpu.sem_alloc : memref<!tpu.dma_semaphore, #tpu.memory_space<semaphore_mem>>
      %dma_start3A_119 = arith.constant 0 : i32
      %dma_start3A_120 = arith.constant 0 : i32
      %dma_start3A_121 = tpu.memref_slice %arg8[%run_scoped3A_51, %dma_start3A_119, %dma_start3A_120] : memref<2x128x128xf32, #tpu.memory_space<vmem>> -> memref<1x128x128xf32, #tpu.memory_space<vmem>>
      %dma_start3A_122 = tpu.memref_squeeze %dma_start3A_121 : memref<1x128x128xf32, #tpu.memory_space<vmem>> -> memref<128x128xf32, #tpu.memory_space<vmem>>
      %dma_start3A_123 = arith.constant 0 : i32
      %dma_start3A_124 = tpu.memref_slice %arg9[%add3A_50, %dma_start3A_123] : memref<10112x128xf32, #tpu.memory_space<vmem_shared>> -> memref<128x128xf32, #tpu.memory_space<vmem_shared>>
      %dma_start3A_125 = arith.constant 0 : i32
      %dma_start3A_126 = tpu.memref_slice %arg9[%add3A_50, %dma_start3A_125] : memref<10112x128xf32, #tpu.memory_space<vmem_shared>> -> memref<128x128xf32, #tpu.memory_space<vmem_shared>>
      %dma_start3A_127 = arith.constant 0 : i32
      %dma_start3A_128 = arith.constant 0 : i32
      %dma_start3A_129 = tpu.memref_slice %arg8[%run_scoped3A_51, %dma_start3A_127, %dma_start3A_128] : memref<2x128x128xf32, #tpu.memory_space<vmem>> -> memref<1x128x128xf32, #tpu.memory_space<vmem>>
      %dma_start3A_130 = tpu.memref_squeeze %dma_start3A_129 : memref<1x128x128xf32, #tpu.memory_space<vmem>> -> memref<128x128xf32, #tpu.memory_space<vmem>>
      tpu.enqueue_dma source(%dma_start3A_130 : memref<128x128xf32, #tpu.memory_space<vmem>>) target(%dma_start3A_126 : memref<128x128xf32, #tpu.memory_space<vmem_shared>>) target_semaphore(%run_scoped3A_118 : memref<!tpu.dma_semaphore, #tpu.memory_space<semaphore_mem>>)
      %dma_wait3A_131 = arith.constant 0 : i32
      %dma_wait3A_132 = arith.constant 0 : i32
      %dma_wait3A_133 = tpu.memref_slice %arg8[%run_scoped3A_51, %dma_wait3A_131, %dma_wait3A_132] : memref<2x128x128xf32, #tpu.memory_space<vmem>> -> memref<1x128x128xf32, #tpu.memory_space<vmem>>
      %dma_wait3A_134 = tpu.memref_squeeze %dma_wait3A_133 : memref<1x128x128xf32, #tpu.memory_space<vmem>> -> memref<128x128xf32, #tpu.memory_space<vmem>>
      %dma_wait3A_135 = arith.constant 0 : i32
      %dma_wait3A_136 = tpu.memref_slice %arg9[%add3A_50, %dma_wait3A_135] : memref<10112x128xf32, #tpu.memory_space<vmem_shared>> -> memref<128x128xf32, #tpu.memory_space<vmem_shared>>
      %dma_wait3A_137 = arith.constant 0 : i32
      %dma_wait3A_138 = tpu.memref_slice %arg9[%add3A_50, %dma_wait3A_137] : memref<10112x128xf32, #tpu.memory_space<vmem_shared>> -> memref<128x128xf32, #tpu.memory_space<vmem_shared>>
      %dma_wait3A_139 = arith.constant 0 : i32
      %dma_wait3A_140 = arith.constant 0 : i32
      %dma_wait3A_141 = tpu.memref_slice %arg8[%run_scoped3A_51, %dma_wait3A_139, %dma_wait3A_140] : memref<2x128x128xf32, #tpu.memory_space<vmem>> -> memref<1x128x128xf32, #tpu.memory_space<vmem>>
      %dma_wait3A_142 = tpu.memref_squeeze %dma_wait3A_141 : memref<1x128x128xf32, #tpu.memory_space<vmem>> -> memref<128x128xf32, #tpu.memory_space<vmem>>
      tpu.wait_dma2 semaphore(%run_scoped3A_118 : memref<!tpu.dma_semaphore, #tpu.memory_space<semaphore_mem>>) src(%dma_wait3A_142 : memref<128x128xf32, #tpu.memory_space<vmem>>) dst(%dma_wait3A_138 : memref<128x128xf32, #tpu.memory_space<vmem_shared>>)
      tpu.yield
    }) : () -> ()
    %add3A_52 = arith.constant 512 : i32
    %add3A_53 = arith.addi %mul3A_40, %add3A_52 : i32
    %run_scoped3A_54 = arith.constant 0 : i32
    "tpu.region"() ({
      %run_scoped3A_118 = tpu.sem_alloc : memref<!tpu.dma_semaphore, #tpu.memory_space<semaphore_mem>>
      %dma_start3A_119 = arith.constant 0 : i32
      %dma_start3A_120 = arith.constant 0 : i32
      %dma_start3A_121 = tpu.memref_slice %arg8[%run_scoped3A_54, %dma_start3A_119, %dma_start3A_120] : memref<2x128x128xf32, #tpu.memory_space<vmem>> -> memref<1x120x128xf32, #tpu.memory_space<vmem>>
      %dma_start3A_122 = tpu.memref_squeeze %dma_start3A_121 : memref<1x120x128xf32, #tpu.memory_space<vmem>> -> memref<120x128xf32, #tpu.memory_space<vmem>>
      %dma_start3A_123 = arith.constant 0 : i32
      %dma_start3A_124 = tpu.memref_slice %arg9[%add3A_53, %dma_start3A_123] : memref<10112x128xf32, #tpu.memory_space<vmem_shared>> -> memref<120x128xf32, #tpu.memory_space<vmem_shared>>
      %dma_start3A_125 = arith.constant 0 : i32
      %dma_start3A_126 = tpu.memref_slice %arg9[%add3A_53, %dma_start3A_125] : memref<10112x128xf32, #tpu.memory_space<vmem_shared>> -> memref<120x128xf32, #tpu.memory_space<vmem_shared>>
      %dma_start3A_127 = arith.constant 0 : i32
      %dma_start3A_128 = arith.constant 0 : i32
      %dma_start3A_129 = tpu.memref_slice %arg8[%run_scoped3A_54, %dma_start3A_127, %dma_start3A_128] : memref<2x128x128xf32, #tpu.memory_space<vmem>> -> memref<1x120x128xf32, #tpu.memory_space<vmem>>
      %dma_start3A_130 = tpu.memref_squeeze %dma_start3A_129 : memref<1x120x128xf32, #tpu.memory_space<vmem>> -> memref<120x128xf32, #tpu.memory_space<vmem>>
      tpu.enqueue_dma source(%dma_start3A_130 : memref<120x128xf32, #tpu.memory_space<vmem>>) target(%dma_start3A_126 : memref<120x128xf32, #tpu.memory_space<vmem_shared>>) target_semaphore(%run_scoped3A_118 : memref<!tpu.dma_semaphore, #tpu.memory_space<semaphore_mem>>)
      %dma_wait3A_131 = arith.constant 0 : i32
      %dma_wait3A_132 = arith.constant 0 : i32
      %dma_wait3A_133 = tpu.memref_slice %arg8[%run_scoped3A_54, %dma_wait3A_131, %dma_wait3A_132] : memref<2x128x128xf32, #tpu.memory_space<vmem>> -> memref<1x120x128xf32, #tpu.memory_space<vmem>>
      %dma_wait3A_134 = tpu.memref_squeeze %dma_wait3A_133 : memref<1x120x128xf32, #tpu.memory_space<vmem>> -> memref<120x128xf32, #tpu.memory_space<vmem>>
      %dma_wait3A_135 = arith.constant 0 : i32
      %dma_wait3A_136 = tpu.memref_slice %arg9[%add3A_53, %dma_wait3A_135] : memref<10112x128xf32, #tpu.memory_space<vmem_shared>> -> memref<120x128xf32, #tpu.memory_space<vmem_shared>>
      %dma_wait3A_137 = arith.constant 0 : i32
      %dma_wait3A_138 = tpu.memref_slice %arg9[%add3A_53, %dma_wait3A_137] : memref<10112x128xf32, #tpu.memory_space<vmem_shared>> -> memref<120x128xf32, #tpu.memory_space<vmem_shared>>
      %dma_wait3A_139 = arith.constant 0 : i32
      %dma_wait3A_140 = arith.constant 0 : i32
      %dma_wait3A_141 = tpu.memref_slice %arg8[%run_scoped3A_54, %dma_wait3A_139, %dma_wait3A_140] : memref<2x128x128xf32, #tpu.memory_space<vmem>> -> memref<1x120x128xf32, #tpu.memory_space<vmem>>
      %dma_wait3A_142 = tpu.memref_squeeze %dma_wait3A_141 : memref<1x120x128xf32, #tpu.memory_space<vmem>> -> memref<120x128xf32, #tpu.memory_space<vmem>>
      tpu.wait_dma2 semaphore(%run_scoped3A_118 : memref<!tpu.dma_semaphore, #tpu.memory_space<semaphore_mem>>) src(%dma_wait3A_142 : memref<120x128xf32, #tpu.memory_space<vmem>>) dst(%dma_wait3A_138 : memref<120x128xf32, #tpu.memory_space<vmem_shared>>)
      tpu.yield
    }) : () -> ()
    %dma_wait3A = arith.constant 0 : i32
    %dma_wait3A_55 = arith.constant 0 : i32
    %dma_wait3A_56 = arith.constant 0 : i32
    %dma_wait3A_57 = tpu.memref_slice %arg6[%dma_wait3A, %dma_wait3A_55, %dma_wait3A_56] : memref<2x2x128xi32, #tpu.memory_space<vmem>> -> memref<1x2x128xi32, #tpu.memory_space<vmem>>
    %dma_wait3A_58 = tpu.memref_squeeze %dma_wait3A_57 : memref<1x2x128xi32, #tpu.memory_space<vmem>> -> memref<2x128xi32, #tpu.memory_space<vmem>>
    %dma_wait3A_59 = arith.constant 0 : i32
    %dma_wait3A_60 = arith.constant 0 : i32
    %dma_wait3A_61 = tpu.memref_slice %arg3[%dma_wait3A_59, %dma_wait3A_60] : memref<2560x128xi32, #tpu.memory_space<hbm>> -> memref<2x128xi32, #tpu.memory_space<hbm>>
    %dma_wait3A_62 = arith.constant 0 : i32
    %dma_wait3A_63 = arith.constant 0 : i32
    %dma_wait3A_64 = tpu.memref_slice %arg6[%dma_wait3A, %dma_wait3A_62, %dma_wait3A_63] : memref<2x2x128xi32, #tpu.memory_space<vmem>> -> memref<1x2x128xi32, #tpu.memory_space<vmem>>
    %dma_wait3A_65 = tpu.memref_squeeze %dma_wait3A_64 : memref<1x2x128xi32, #tpu.memory_space<vmem>> -> memref<2x128xi32, #tpu.memory_space<vmem>>
    %dma_wait3A_66 = arith.constant 0 : i32
    %dma_wait3A_67 = arith.constant 0 : i32
    %dma_wait3A_68 = tpu.memref_slice %arg3[%dma_wait3A_66, %dma_wait3A_67] : memref<2560x128xi32, #tpu.memory_space<hbm>> -> memref<2x128xi32, #tpu.memory_space<hbm>>
    tpu.wait_dma2 semaphore(%arg10 : memref<!tpu.dma_semaphore, #tpu.memory_space<semaphore_mem>>) src(%dma_wait3A_68 : memref<2x128xi32, #tpu.memory_space<hbm>>) dst(%dma_wait3A_65 : memref<2x128xi32, #tpu.memory_space<vmem>>)
    %dma_wait3A_69 = arith.constant 0 : i32
    %dma_wait3A_70 = arith.constant 0 : i32
    %dma_wait3A_71 = arith.constant 0 : i32
    %dma_wait3A_72 = tpu.memref_slice %arg7[%dma_wait3A_69, %dma_wait3A_70, %dma_wait3A_71] : memref<2x2x128xi32, #tpu.memory_space<vmem>> -> memref<1x2x128xi32, #tpu.memory_space<vmem>>
    %dma_wait3A_73 = tpu.memref_squeeze %dma_wait3A_72 : memref<1x2x128xi32, #tpu.memory_space<vmem>> -> memref<2x128xi32, #tpu.memory_space<vmem>>
    %dma_wait3A_74 = arith.constant 0 : i32
    %dma_wait3A_75 = arith.constant 0 : i32
    %dma_wait3A_76 = tpu.memref_slice %arg4[%dma_wait3A_74, %dma_wait3A_75] : memref<2560x128xi32, #tpu.memory_space<hbm>> -> memref<2x128xi32, #tpu.memory_space<hbm>>
    %dma_wait3A_77 = arith.constant 0 : i32
    %dma_wait3A_78 = arith.constant 0 : i32
    %dma_wait3A_79 = tpu.memref_slice %arg7[%dma_wait3A_69, %dma_wait3A_77, %dma_wait3A_78] : memref<2x2x128xi32, #tpu.memory_space<vmem>> -> memref<1x2x128xi32, #tpu.memory_space<vmem>>
    %dma_wait3A_80 = tpu.memref_squeeze %dma_wait3A_79 : memref<1x2x128xi32, #tpu.memory_space<vmem>> -> memref<2x128xi32, #tpu.memory_space<vmem>>
    %dma_wait3A_81 = arith.constant 0 : i32
    %dma_wait3A_82 = arith.constant 0 : i32
    %dma_wait3A_83 = tpu.memref_slice %arg4[%dma_wait3A_81, %dma_wait3A_82] : memref<2560x128xi32, #tpu.memory_space<hbm>> -> memref<2x128xi32, #tpu.memory_space<hbm>>
    tpu.wait_dma2 semaphore(%arg10 : memref<!tpu.dma_semaphore, #tpu.memory_space<semaphore_mem>>) src(%dma_wait3A_83 : memref<2x128xi32, #tpu.memory_space<hbm>>) dst(%dma_wait3A_80 : memref<2x128xi32, #tpu.memory_space<vmem>>)
    %barrier3A = arith.constant 0 : index
    tpu.barrier barrier_id(%barrier3A)
    %dma_start3A_84 = arith.constant 0 : i32
    %dma_start3A_85 = arith.constant 0 : i32
    %dma_start3A_86 = arith.constant 0 : i32
    %dma_start3A_87 = arith.constant 0 : i32
    %dma_start3A_88 = arith.constant 0 : i32
    %dma_start3A_89 = tpu.memref_slice %arg8[%dma_start3A_86, %dma_start3A_87, %dma_start3A_88] : memref<2x128x128xf32, #tpu.memory_space<vmem>> -> memref<1x128x128xf32, #tpu.memory_space<vmem>>
    %dma_start3A_90 = tpu.memref_squeeze %dma_start3A_89 : memref<1x128x128xf32, #tpu.memory_space<vmem>> -> memref<128x128xf32, #tpu.memory_space<vmem>>
    %dma_start3A_91 = arith.constant 0 : i32
    %dma_start3A_92 = tpu.memref_slice %arg6[%dma_start3A_84, %dma_start3A_85, %dma_start3A_91] : memref<2x2x128xi32, #tpu.memory_space<vmem>> -> memref<1x1x128xi32, #tpu.memory_space<vmem>>
    %dma_start3A_93 = tpu.memref_squeeze %dma_start3A_92 : memref<1x1x128xi32, #tpu.memory_space<vmem>> -> memref<128xi32, #tpu.memory_space<vmem>>
    %dma_start3A_94 = arith.constant 0 : i32
    %dma_start3A_95 = arith.constant 0 : i32
    %dma_start3A_96 = tpu.memref_slice %arg2[%dma_start3A_94, %dma_start3A_95] : memref<10000x128xf32, #tpu.memory_space<hbm>> -> memref<10000x128xf32, #tpu.memory_space<hbm>>
    tpu.enqueue_indirect_dma source(%dma_start3A_96 : memref<10000x128xf32, #tpu.memory_space<hbm>>) target(%dma_start3A_90 : memref<128x128xf32, #tpu.memory_space<vmem>>) offsets(%dma_start3A_93 : memref<128xi32, #tpu.memory_space<vmem>>) semaphore(%arg11 : memref<!tpu.dma_semaphore, #tpu.memory_space<semaphore_mem>>)
    %dma_start3A_97 = arith.constant 0 : i32
    %dma_start3A_98 = arith.constant 1 : i32
    %dma_start3A_99 = arith.constant 1 : i32
    %dma_start3A_100 = arith.constant 0 : i32
    %dma_start3A_101 = arith.constant 0 : i32
    %dma_start3A_102 = tpu.memref_slice %arg8[%dma_start3A_99, %dma_start3A_100, %dma_start3A_101] : memref<2x128x128xf32, #tpu.memory_space<vmem>> -> memref<1x128x128xf32, #tpu.memory_space<vmem>>
    %dma_start3A_103 = tpu.memref_squeeze %dma_start3A_102 : memref<1x128x128xf32, #tpu.memory_space<vmem>> -> memref<128x128xf32, #tpu.memory_space<vmem>>
    %dma_start3A_104 = arith.constant 0 : i32
    %dma_start3A_105 = tpu.memref_slice %arg6[%dma_start3A_97, %dma_start3A_98, %dma_start3A_104] : memref<2x2x128xi32, #tpu.memory_space<vmem>> -> memref<1x1x128xi32, #tpu.memory_space<vmem>>
    %dma_start3A_106 = tpu.memref_squeeze %dma_start3A_105 : memref<1x1x128xi32, #tpu.memory_space<vmem>> -> memref<128xi32, #tpu.memory_space<vmem>>
    %dma_start3A_107 = arith.constant 0 : i32
    %dma_start3A_108 = arith.constant 0 : i32
    %dma_start3A_109 = tpu.memref_slice %arg2[%dma_start3A_107, %dma_start3A_108] : memref<10000x128xf32, #tpu.memory_space<hbm>> -> memref<10000x128xf32, #tpu.memory_space<hbm>>
    tpu.enqueue_indirect_dma source(%dma_start3A_109 : memref<10000x128xf32, #tpu.memory_space<hbm>>) target(%dma_start3A_103 : memref<128x128xf32, #tpu.memory_space<vmem>>) offsets(%dma_start3A_106 : memref<128xi32, #tpu.memory_space<vmem>>) semaphore(%arg12 : memref<!tpu.dma_semaphore, #tpu.memory_space<semaphore_mem>>)
    %scan3A_110 = arith.constant 0 : i32
    %scan3A_111 = arith.constant 0 : i32
    %scan3A_112 = arith.constant 40 : i32
    %scan3A_113 = arith.addi %scan3A_111, %scan3A_112 : i32
    %scan3A_114 = arith.constant 1 : i32
    %scan3A_115 = scf.for %scan3A_118 = %scan3A_111 to %scan3A_113 step %scan3A_114 iter_args(%scan3A_119 = %scan3A_110) -> (i32)  : i32 {
      %rem3A = arith.constant 2 : i32
      %rem3A_120 = arith.remsi %scan3A_118, %rem3A : i32
      %sub3A = arith.constant 1 : i32
      %sub3A_121 = arith.subi %sub3A, %rem3A_120 : i32
      %add3A_122 = arith.constant 1 : i32
      %add3A_123 = arith.addi %scan3A_118, %add3A_122 : i32
      %lt3A = arith.constant 40 : i32
      %lt3A_124 = arith.cmpi slt, %add3A_123, %lt3A : i32
      %convert_element_type3A = arith.extui %lt3A_124 : i1 to i32
      %cond3A = arith.constant 0 : i32
      %cond3A_125 = arith.cmpi ne, %convert_element_type3A, %cond3A : i32
      scf.if %cond3A_125 {
        %add3A_163 = arith.constant 1 : i32
        %add3A_164 = arith.addi %scan3A_118, %add3A_163 : i32
        %mul3A_165 = arith.constant 2 : i32
        %mul3A_166 = arith.muli %add3A_164, %mul3A_165 : i32
        %add3A_167 = arith.addi %mul3A_2, %mul3A_166 : i32
        %dma_start3A_168 = arith.constant 0 : i32
        %dma_start3A_169 = arith.constant 0 : i32
        %dma_start3A_170 = tpu.memref_slice %arg6[%sub3A_121, %dma_start3A_168, %dma_start3A_169] : memref<2x2x128xi32, #tpu.memory_space<vmem>> -> memref<1x2x128xi32, #tpu.memory_space<vmem>>
        %dma_start3A_171 = tpu.memref_squeeze %dma_start3A_170 : memref<1x2x128xi32, #tpu.memory_space<vmem>> -> memref<2x128xi32, #tpu.memory_space<vmem>>
        %dma_start3A_172 = arith.constant 0 : i32
        %dma_start3A_173 = tpu.memref_slice %arg3[%add3A_167, %dma_start3A_172] : memref<2560x128xi32, #tpu.memory_space<hbm>> -> memref<2x128xi32, #tpu.memory_space<hbm>>
        %dma_start3A_174 = arith.constant 0 : i32
        %dma_start3A_175 = arith.constant 0 : i32
        %dma_start3A_176 = tpu.memref_slice %arg6[%sub3A_121, %dma_start3A_174, %dma_start3A_175] : memref<2x2x128xi32, #tpu.memory_space<vmem>> -> memref<1x2x128xi32, #tpu.memory_space<vmem>>
        %dma_start3A_177 = tpu.memref_squeeze %dma_start3A_176 : memref<1x2x128xi32, #tpu.memory_space<vmem>> -> memref<2x128xi32, #tpu.memory_space<vmem>>
        %dma_start3A_178 = arith.constant 0 : i32
        %dma_start3A_179 = tpu.memref_slice %arg3[%add3A_167, %dma_start3A_178] : memref<2560x128xi32, #tpu.memory_space<hbm>> -> memref<2x128xi32, #tpu.memory_space<hbm>>
        tpu.enqueue_dma source(%dma_start3A_179 : memref<2x128xi32, #tpu.memory_space<hbm>>) target(%dma_start3A_177 : memref<2x128xi32, #tpu.memory_space<vmem>>) target_semaphore(%arg10 : memref<!tpu.dma_semaphore, #tpu.memory_space<semaphore_mem>>)
        %mul3A_180 = arith.constant 2 : i32
        %mul3A_181 = arith.muli %add3A_164, %mul3A_180 : i32
        %add3A_182 = arith.addi %mul3A_2, %mul3A_181 : i32
        %dma_start3A_183 = arith.constant 0 : i32
        %dma_start3A_184 = arith.constant 0 : i32
        %dma_start3A_185 = tpu.memref_slice %arg7[%sub3A_121, %dma_start3A_183, %dma_start3A_184] : memref<2x2x128xi32, #tpu.memory_space<vmem>> -> memref<1x2x128xi32, #tpu.memory_space<vmem>>
        %dma_start3A_186 = tpu.memref_squeeze %dma_start3A_185 : memref<1x2x128xi32, #tpu.memory_space<vmem>> -> memref<2x128xi32, #tpu.memory_space<vmem>>
        %dma_start3A_187 = arith.constant 0 : i32
        %dma_start3A_188 = tpu.memref_slice %arg4[%add3A_182, %dma_start3A_187] : memref<2560x128xi32, #tpu.memory_space<hbm>> -> memref<2x128xi32, #tpu.memory_space<hbm>>
        %dma_start3A_189 = arith.constant 0 : i32
        %dma_start3A_190 = arith.constant 0 : i32
        %dma_start3A_191 = tpu.memref_slice %arg7[%sub3A_121, %dma_start3A_189, %dma_start3A_190] : memref<2x2x128xi32, #tpu.memory_space<vmem>> -> memref<1x2x128xi32, #tpu.memory_space<vmem>>
        %dma_start3A_192 = tpu.memref_squeeze %dma_start3A_191 : memref<1x2x128xi32, #tpu.memory_space<vmem>> -> memref<2x128xi32, #tpu.memory_space<vmem>>
        %dma_start3A_193 = arith.constant 0 : i32
        %dma_start3A_194 = tpu.memref_slice %arg4[%add3A_182, %dma_start3A_193] : memref<2560x128xi32, #tpu.memory_space<hbm>> -> memref<2x128xi32, #tpu.memory_space<hbm>>
        tpu.enqueue_dma source(%dma_start3A_194 : memref<2x128xi32, #tpu.memory_space<hbm>>) target(%dma_start3A_192 : memref<2x128xi32, #tpu.memory_space<vmem>>) target_semaphore(%arg10 : memref<!tpu.dma_semaphore, #tpu.memory_space<semaphore_mem>>)
      } else {
      }
      %dma_wait3A_126 = arith.constant 0 : i32
      %dma_wait3A_127 = arith.constant 0 : i32
      %dma_wait3A_128 = arith.constant 0 : i32
      %dma_wait3A_129 = arith.constant 0 : i32
      %dma_wait3A_130 = arith.constant 0 : i32
      %dma_wait3A_131 = tpu.memref_slice %arg8[%dma_wait3A_128, %dma_wait3A_129, %dma_wait3A_130] : memref<2x128x128xf32, #tpu.memory_space<vmem>> -> memref<1x128x128xf32, #tpu.memory_space<vmem>>
      %dma_wait3A_132 = tpu.memref_squeeze %dma_wait3A_131 : memref<1x128x128xf32, #tpu.memory_space<vmem>> -> memref<128x128xf32, #tpu.memory_space<vmem>>
      %dma_wait3A_133 = arith.constant 0 : i32
      %dma_wait3A_134 = tpu.memref_slice %arg6[%dma_wait3A_126, %dma_wait3A_127, %dma_wait3A_133] : memref<2x2x128xi32, #tpu.memory_space<vmem>> -> memref<1x1x128xi32, #tpu.memory_space<vmem>>
      %dma_wait3A_135 = tpu.memref_squeeze %dma_wait3A_134 : memref<1x1x128xi32, #tpu.memory_space<vmem>> -> memref<128xi32, #tpu.memory_space<vmem>>
      %dma_wait3A_136 = arith.constant 0 : i32
      %dma_wait3A_137 = arith.constant 0 : i32
      %dma_wait3A_138 = tpu.memref_slice %arg2[%dma_wait3A_136, %dma_wait3A_137] : memref<10000x128xf32, #tpu.memory_space<hbm>> -> memref<10000x128xf32, #tpu.memory_space<hbm>>
      tpu.wait_indirect_dma semaphore(%arg11 : memref<!tpu.dma_semaphore, #tpu.memory_space<semaphore_mem>>) src(%dma_wait3A_138 : memref<10000x128xf32, #tpu.memory_space<hbm>>) dst(%dma_wait3A_132 : memref<128x128xf32, #tpu.memory_space<vmem>>)
      %run_scoped3A_139 = arith.constant 0 : i32
      %run_scoped3A_140 = arith.constant 0 : i32
      "tpu.region"() ({
        %run_scoped3A_163 = tpu.sem_alloc : memref<!tpu.dma_semaphore, #tpu.memory_space<semaphore_mem>>
        %dma_start3A_164 = arith.constant 0 : i32
        %dma_start3A_165 = arith.constant 0 : i32
        %dma_start3A_166 = tpu.memref_slice %arg8[%run_scoped3A_139, %dma_start3A_164, %dma_start3A_165] : memref<2x128x128xf32, #tpu.memory_space<vmem>> -> memref<1x128x128xf32, #tpu.memory_space<vmem>>
        %dma_start3A_167 = tpu.memref_squeeze %dma_start3A_166 : memref<1x128x128xf32, #tpu.memory_space<vmem>> -> memref<128x128xf32, #tpu.memory_space<vmem>>
        %dma_start3A_168 = arith.constant 0 : i32
        %dma_start3A_169 = tpu.memref_slice %arg7[%rem3A_120, %run_scoped3A_140, %dma_start3A_168] : memref<2x2x128xi32, #tpu.memory_space<vmem>> -> memref<1x1x128xi32, #tpu.memory_space<vmem>>
        %dma_start3A_170 = tpu.memref_squeeze %dma_start3A_169 : memref<1x1x128xi32, #tpu.memory_space<vmem>> -> memref<128xi32, #tpu.memory_space<vmem>>
        %dma_start3A_171 = arith.constant 0 : i32
        %dma_start3A_172 = arith.constant 0 : i32
        %dma_start3A_173 = tpu.memref_slice %arg9[%dma_start3A_171, %dma_start3A_172] : memref<10112x128xf32, #tpu.memory_space<vmem_shared>> -> memref<10112x128xf32, #tpu.memory_space<vmem_shared>>
        tpu.enqueue_indirect_dma source(%dma_start3A_167 : memref<128x128xf32, #tpu.memory_space<vmem>>) target(%dma_start3A_173 : memref<10112x128xf32, #tpu.memory_space<vmem_shared>>) offsets(%dma_start3A_170 : memref<128xi32, #tpu.memory_space<vmem>>) semaphore(%run_scoped3A_163 : memref<!tpu.dma_semaphore, #tpu.memory_space<semaphore_mem>>) {add = true}
        %dma_wait3A_174 = arith.constant 0 : i32
        %dma_wait3A_175 = arith.constant 0 : i32
        %dma_wait3A_176 = tpu.memref_slice %arg8[%run_scoped3A_139, %dma_wait3A_174, %dma_wait3A_175] : memref<2x128x128xf32, #tpu.memory_space<vmem>> -> memref<1x128x128xf32, #tpu.memory_space<vmem>>
        %dma_wait3A_177 = tpu.memref_squeeze %dma_wait3A_176 : memref<1x128x128xf32, #tpu.memory_space<vmem>> -> memref<128x128xf32, #tpu.memory_space<vmem>>
        %dma_wait3A_178 = arith.constant 0 : i32
        %dma_wait3A_179 = tpu.memref_slice %arg7[%rem3A_120, %run_scoped3A_140, %dma_wait3A_178] : memref<2x2x128xi32, #tpu.memory_space<vmem>> -> memref<1x1x128xi32, #tpu.memory_space<vmem>>
        %dma_wait3A_180 = tpu.memref_squeeze %dma_wait3A_179 : memref<1x1x128xi32, #tpu.memory_space<vmem>> -> memref<128xi32, #tpu.memory_space<vmem>>
        %dma_wait3A_181 = arith.constant 0 : i32
        %dma_wait3A_182 = arith.constant 0 : i32
        %dma_wait3A_183 = tpu.memref_slice %arg9[%dma_wait3A_181, %dma_wait3A_182] : memref<10112x128xf32, #tpu.memory_space<vmem_shared>> -> memref<10112x128xf32, #tpu.memory_space<vmem_shared>>
        tpu.wait_indirect_dma semaphore(%run_scoped3A_163 : memref<!tpu.dma_semaphore, #tpu.memory_space<semaphore_mem>>) src(%dma_wait3A_177 : memref<128x128xf32, #tpu.memory_space<vmem>>) dst(%dma_wait3A_183 : memref<10112x128xf32, #tpu.memory_space<vmem_shared>>)
        tpu.yield
      }) : () -> ()
      %convert_element_type3A_141 = arith.extui %lt3A_124 : i1 to i32
      %cond3A_142 = arith.constant 0 : i32
      %cond3A_143 = arith.cmpi ne, %convert_element_type3A_141, %cond3A_142 : i32
      scf.if %cond3A_143 {
        %dma_wait3A_163 = arith.constant 0 : i32
        %dma_wait3A_164 = arith.constant 0 : i32
        %dma_wait3A_165 = arith.constant 0 : i32
        %dma_wait3A_166 = tpu.memref_slice %arg6[%dma_wait3A_163, %dma_wait3A_164, %dma_wait3A_165] : memref<2x2x128xi32, #tpu.memory_space<vmem>> -> memref<1x2x128xi32, #tpu.memory_space<vmem>>
        %dma_wait3A_167 = tpu.memref_squeeze %dma_wait3A_166 : memref<1x2x128xi32, #tpu.memory_space<vmem>> -> memref<2x128xi32, #tpu.memory_space<vmem>>
        %dma_wait3A_168 = arith.constant 0 : i32
        %dma_wait3A_169 = arith.constant 0 : i32
        %dma_wait3A_170 = tpu.memref_slice %arg3[%dma_wait3A_168, %dma_wait3A_169] : memref<2560x128xi32, #tpu.memory_space<hbm>> -> memref<2x128xi32, #tpu.memory_space<hbm>>
        %dma_wait3A_171 = arith.constant 0 : i32
        %dma_wait3A_172 = arith.constant 0 : i32
        %dma_wait3A_173 = tpu.memref_slice %arg6[%dma_wait3A_163, %dma_wait3A_171, %dma_wait3A_172] : memref<2x2x128xi32, #tpu.memory_space<vmem>> -> memref<1x2x128xi32, #tpu.memory_space<vmem>>
        %dma_wait3A_174 = tpu.memref_squeeze %dma_wait3A_173 : memref<1x2x128xi32, #tpu.memory_space<vmem>> -> memref<2x128xi32, #tpu.memory_space<vmem>>
        %dma_wait3A_175 = arith.constant 0 : i32
        %dma_wait3A_176 = arith.constant 0 : i32
        %dma_wait3A_177 = tpu.memref_slice %arg3[%dma_wait3A_175, %dma_wait3A_176] : memref<2560x128xi32, #tpu.memory_space<hbm>> -> memref<2x128xi32, #tpu.memory_space<hbm>>
        tpu.wait_dma2 semaphore(%arg10 : memref<!tpu.dma_semaphore, #tpu.memory_space<semaphore_mem>>) src(%dma_wait3A_177 : memref<2x128xi32, #tpu.memory_space<hbm>>) dst(%dma_wait3A_174 : memref<2x128xi32, #tpu.memory_space<vmem>>)
        %dma_wait3A_178 = arith.constant 0 : i32
        %dma_wait3A_179 = arith.constant 0 : i32
        %dma_wait3A_180 = arith.constant 0 : i32
        %dma_wait3A_181 = tpu.memref_slice %arg7[%dma_wait3A_178, %dma_wait3A_179, %dma_wait3A_180] : memref<2x2x128xi32, #tpu.memory_space<vmem>> -> memref<1x2x128xi32, #tpu.memory_space<vmem>>
        %dma_wait3A_182 = tpu.memref_squeeze %dma_wait3A_181 : memref<1x2x128xi32, #tpu.memory_space<vmem>> -> memref<2x128xi32, #tpu.memory_space<vmem>>
        %dma_wait3A_183 = arith.constant 0 : i32
        %dma_wait3A_184 = arith.constant 0 : i32
        %dma_wait3A_185 = tpu.memref_slice %arg4[%dma_wait3A_183, %dma_wait3A_184] : memref<2560x128xi32, #tpu.memory_space<hbm>> -> memref<2x128xi32, #tpu.memory_space<hbm>>
        %dma_wait3A_186 = arith.constant 0 : i32
        %dma_wait3A_187 = arith.constant 0 : i32
        %dma_wait3A_188 = tpu.memref_slice %arg7[%dma_wait3A_178, %dma_wait3A_186, %dma_wait3A_187] : memref<2x2x128xi32, #tpu.memory_space<vmem>> -> memref<1x2x128xi32, #tpu.memory_space<vmem>>
        %dma_wait3A_189 = tpu.memref_squeeze %dma_wait3A_188 : memref<1x2x128xi32, #tpu.memory_space<vmem>> -> memref<2x128xi32, #tpu.memory_space<vmem>>
        %dma_wait3A_190 = arith.constant 0 : i32
        %dma_wait3A_191 = arith.constant 0 : i32
        %dma_wait3A_192 = tpu.memref_slice %arg4[%dma_wait3A_190, %dma_wait3A_191] : memref<2560x128xi32, #tpu.memory_space<hbm>> -> memref<2x128xi32, #tpu.memory_space<hbm>>
        tpu.wait_dma2 semaphore(%arg10 : memref<!tpu.dma_semaphore, #tpu.memory_space<semaphore_mem>>) src(%dma_wait3A_192 : memref<2x128xi32, #tpu.memory_space<hbm>>) dst(%dma_wait3A_189 : memref<2x128xi32, #tpu.memory_space<vmem>>)
        %dma_start3A_193 = arith.constant 0 : i32
        %dma_start3A_194 = arith.constant 0 : i32
        %dma_start3A_195 = arith.constant 0 : i32
        %dma_start3A_196 = arith.constant 0 : i32
        %dma_start3A_197 = tpu.memref_slice %arg8[%dma_start3A_194, %dma_start3A_195, %dma_start3A_196] : memref<2x128x128xf32, #tpu.memory_space<vmem>> -> memref<1x128x128xf32, #tpu.memory_space<vmem>>
        %dma_start3A_198 = tpu.memref_squeeze %dma_start3A_197 : memref<1x128x128xf32, #tpu.memory_space<vmem>> -> memref<128x128xf32, #tpu.memory_space<vmem>>
        %dma_start3A_199 = arith.constant 0 : i32
        %dma_start3A_200 = tpu.memref_slice %arg6[%sub3A_121, %dma_start3A_193, %dma_start3A_199] : memref<2x2x128xi32, #tpu.memory_space<vmem>> -> memref<1x1x128xi32, #tpu.memory_space<vmem>>
        %dma_start3A_201 = tpu.memref_squeeze %dma_start3A_200 : memref<1x1x128xi32, #tpu.memory_space<vmem>> -> memref<128xi32, #tpu.memory_space<vmem>>
        %dma_start3A_202 = arith.constant 0 : i32
        %dma_start3A_203 = arith.constant 0 : i32
        %dma_start3A_204 = tpu.memref_slice %arg2[%dma_start3A_202, %dma_start3A_203] : memref<10000x128xf32, #tpu.memory_space<hbm>> -> memref<10000x128xf32, #tpu.memory_space<hbm>>
        tpu.enqueue_indirect_dma source(%dma_start3A_204 : memref<10000x128xf32, #tpu.memory_space<hbm>>) target(%dma_start3A_198 : memref<128x128xf32, #tpu.memory_space<vmem>>) offsets(%dma_start3A_201 : memref<128xi32, #tpu.memory_space<vmem>>) semaphore(%arg11 : memref<!tpu.dma_semaphore, #tpu.memory_space<semaphore_mem>>)
      } else {
      }
      %dma_wait3A_144 = arith.constant 0 : i32
      %dma_wait3A_145 = arith.constant 0 : i32
      %dma_wait3A_146 = arith.constant 1 : i32
      %dma_wait3A_147 = arith.constant 0 : i32
      %dma_wait3A_148 = arith.constant 0 : i32
      %dma_wait3A_149 = tpu.memref_slice %arg8[%dma_wait3A_146, %dma_wait3A_147, %dma_wait3A_148] : memref<2x128x128xf32, #tpu.memory_space<vmem>> -> memref<1x128x128xf32, #tpu.memory_space<vmem>>
      %dma_wait3A_150 = tpu.memref_squeeze %dma_wait3A_149 : memref<1x128x128xf32, #tpu.memory_space<vmem>> -> memref<128x128xf32, #tpu.memory_space<vmem>>
      %dma_wait3A_151 = arith.constant 0 : i32
      %dma_wait3A_152 = tpu.memref_slice %arg6[%dma_wait3A_144, %dma_wait3A_145, %dma_wait3A_151] : memref<2x2x128xi32, #tpu.memory_space<vmem>> -> memref<1x1x128xi32, #tpu.memory_space<vmem>>
      %dma_wait3A_153 = tpu.memref_squeeze %dma_wait3A_152 : memref<1x1x128xi32, #tpu.memory_space<vmem>> -> memref<128xi32, #tpu.memory_space<vmem>>
      %dma_wait3A_154 = arith.constant 0 : i32
      %dma_wait3A_155 = arith.constant 0 : i32
      %dma_wait3A_156 = tpu.memref_slice %arg2[%dma_wait3A_154, %dma_wait3A_155] : memref<10000x128xf32, #tpu.memory_space<hbm>> -> memref<10000x128xf32, #tpu.memory_space<hbm>>
      tpu.wait_indirect_dma semaphore(%arg12 : memref<!tpu.dma_semaphore, #tpu.memory_space<semaphore_mem>>) src(%dma_wait3A_156 : memref<10000x128xf32, #tpu.memory_space<hbm>>) dst(%dma_wait3A_150 : memref<128x128xf32, #tpu.memory_space<vmem>>)
      %run_scoped3A_157 = arith.constant 1 : i32
      %run_scoped3A_158 = arith.constant 1 : i32
      "tpu.region"() ({
        %run_scoped3A_163 = tpu.sem_alloc : memref<!tpu.dma_semaphore, #tpu.memory_space<semaphore_mem>>
        %dma_start3A_164 = arith.constant 0 : i32
        %dma_start3A_165 = arith.constant 0 : i32
        %dma_start3A_166 = tpu.memref_slice %arg8[%run_scoped3A_157, %dma_start3A_164, %dma_start3A_165] : memref<2x128x128xf32, #tpu.memory_space<vmem>> -> memref<1x128x128xf32, #tpu.memory_space<vmem>>
        %dma_start3A_167 = tpu.memref_squeeze %dma_start3A_166 : memref<1x128x128xf32, #tpu.memory_space<vmem>> -> memref<128x128xf32, #tpu.memory_space<vmem>>
        %dma_start3A_168 = arith.constant 0 : i32
        %dma_start3A_169 = tpu.memref_slice %arg7[%rem3A_120, %run_scoped3A_158, %dma_start3A_168] : memref<2x2x128xi32, #tpu.memory_space<vmem>> -> memref<1x1x128xi32, #tpu.memory_space<vmem>>
        %dma_start3A_170 = tpu.memref_squeeze %dma_start3A_169 : memref<1x1x128xi32, #tpu.memory_space<vmem>> -> memref<128xi32, #tpu.memory_space<vmem>>
        %dma_start3A_171 = arith.constant 0 : i32
        %dma_start3A_172 = arith.constant 0 : i32
        %dma_start3A_173 = tpu.memref_slice %arg9[%dma_start3A_171, %dma_start3A_172] : memref<10112x128xf32, #tpu.memory_space<vmem_shared>> -> memref<10112x128xf32, #tpu.memory_space<vmem_shared>>
        tpu.enqueue_indirect_dma source(%dma_start3A_167 : memref<128x128xf32, #tpu.memory_space<vmem>>) target(%dma_start3A_173 : memref<10112x128xf32, #tpu.memory_space<vmem_shared>>) offsets(%dma_start3A_170 : memref<128xi32, #tpu.memory_space<vmem>>) semaphore(%run_scoped3A_163 : memref<!tpu.dma_semaphore, #tpu.memory_space<semaphore_mem>>) {add = true}
        %dma_wait3A_174 = arith.constant 0 : i32
        %dma_wait3A_175 = arith.constant 0 : i32
        %dma_wait3A_176 = tpu.memref_slice %arg8[%run_scoped3A_157, %dma_wait3A_174, %dma_wait3A_175] : memref<2x128x128xf32, #tpu.memory_space<vmem>> -> memref<1x128x128xf32, #tpu.memory_space<vmem>>
        %dma_wait3A_177 = tpu.memref_squeeze %dma_wait3A_176 : memref<1x128x128xf32, #tpu.memory_space<vmem>> -> memref<128x128xf32, #tpu.memory_space<vmem>>
        %dma_wait3A_178 = arith.constant 0 : i32
        %dma_wait3A_179 = tpu.memref_slice %arg7[%rem3A_120, %run_scoped3A_158, %dma_wait3A_178] : memref<2x2x128xi32, #tpu.memory_space<vmem>> -> memref<1x1x128xi32, #tpu.memory_space<vmem>>
        %dma_wait3A_180 = tpu.memref_squeeze %dma_wait3A_179 : memref<1x1x128xi32, #tpu.memory_space<vmem>> -> memref<128xi32, #tpu.memory_space<vmem>>
        %dma_wait3A_181 = arith.constant 0 : i32
        %dma_wait3A_182 = arith.constant 0 : i32
        %dma_wait3A_183 = tpu.memref_slice %arg9[%dma_wait3A_181, %dma_wait3A_182] : memref<10112x128xf32, #tpu.memory_space<vmem_shared>> -> memref<10112x128xf32, #tpu.memory_space<vmem_shared>>
        tpu.wait_indirect_dma semaphore(%run_scoped3A_163 : memref<!tpu.dma_semaphore, #tpu.memory_space<semaphore_mem>>) src(%dma_wait3A_177 : memref<128x128xf32, #tpu.memory_space<vmem>>) dst(%dma_wait3A_183 : memref<10112x128xf32, #tpu.memory_space<vmem_shared>>)
        tpu.yield
      }) : () -> ()
      %convert_element_type3A_159 = arith.extui %lt3A_124 : i1 to i32
      %cond3A_160 = arith.constant 0 : i32
      %cond3A_161 = arith.cmpi ne, %convert_element_type3A_159, %cond3A_160 : i32
      scf.if %cond3A_161 {
        %dma_start3A_163 = arith.constant 1 : i32
        %dma_start3A_164 = arith.constant 1 : i32
        %dma_start3A_165 = arith.constant 0 : i32
        %dma_start3A_166 = arith.constant 0 : i32
        %dma_start3A_167 = tpu.memref_slice %arg8[%dma_start3A_164, %dma_start3A_165, %dma_start3A_166] : memref<2x128x128xf32, #tpu.memory_space<vmem>> -> memref<1x128x128xf32, #tpu.memory_space<vmem>>
        %dma_start3A_168 = tpu.memref_squeeze %dma_start3A_167 : memref<1x128x128xf32, #tpu.memory_space<vmem>> -> memref<128x128xf32, #tpu.memory_space<vmem>>
        %dma_start3A_169 = arith.constant 0 : i32
        %dma_start3A_170 = tpu.memref_slice %arg6[%sub3A_121, %dma_start3A_163, %dma_start3A_169] : memref<2x2x128xi32, #tpu.memory_space<vmem>> -> memref<1x1x128xi32, #tpu.memory_space<vmem>>
        %dma_start3A_171 = tpu.memref_squeeze %dma_start3A_170 : memref<1x1x128xi32, #tpu.memory_space<vmem>> -> memref<128xi32, #tpu.memory_space<vmem>>
        %dma_start3A_172 = arith.constant 0 : i32
        %dma_start3A_173 = arith.constant 0 : i32
        %dma_start3A_174 = tpu.memref_slice %arg2[%dma_start3A_172, %dma_start3A_173] : memref<10000x128xf32, #tpu.memory_space<hbm>> -> memref<10000x128xf32, #tpu.memory_space<hbm>>
        tpu.enqueue_indirect_dma source(%dma_start3A_174 : memref<10000x128xf32, #tpu.memory_space<hbm>>) target(%dma_start3A_168 : memref<128x128xf32, #tpu.memory_space<vmem>>) offsets(%dma_start3A_171 : memref<128xi32, #tpu.memory_space<vmem>>) semaphore(%arg12 : memref<!tpu.dma_semaphore, #tpu.memory_space<semaphore_mem>>)
      } else {
      }
      %scan3A_162 = arith.constant 0 : i32
      scf.yield %scan3A_162 : i32
    }
    %scan3A_116 = arith.constant 40 : i32
    %barrier3A_117 = arith.constant 0 : index
    tpu.barrier barrier_id(%barrier3A_117)
    "tpu.region"() ({
      %run_scoped3A_118 = tpu.sem_alloc : memref<!tpu.dma_semaphore, #tpu.memory_space<semaphore_mem>>
      %dma_start3A_119 = arith.constant 0 : i32
      %dma_start3A_120 = tpu.memref_slice %arg5[%arg0, %mul3A_40, %dma_start3A_119] : memref<2x10112x128xf32, #tpu.memory_space<hbm>> -> memref<1x632x128xf32, #tpu.memory_space<hbm>>
      %dma_start3A_121 = tpu.memref_squeeze %dma_start3A_120 : memref<1x632x128xf32, #tpu.memory_space<hbm>> -> memref<632x128xf32, #tpu.memory_space<hbm>>
      %dma_start3A_122 = arith.constant 0 : i32
      %dma_start3A_123 = tpu.memref_slice %arg9[%mul3A_40, %dma_start3A_122] : memref<10112x128xf32, #tpu.memory_space<vmem_shared>> -> memref<632x128xf32, #tpu.memory_space<vmem_shared>>
      tpu.enqueue_dma source(%dma_start3A_123 : memref<632x128xf32, #tpu.memory_space<vmem_shared>>) target(%dma_start3A_121 : memref<632x128xf32, #tpu.memory_space<hbm>>) target_semaphore(%run_scoped3A_118 : memref<!tpu.dma_semaphore, #tpu.memory_space<semaphore_mem>>)
      %dma_wait3A_124 = arith.constant 0 : i32
      %dma_wait3A_125 = tpu.memref_slice %arg5[%arg0, %mul3A_40, %dma_wait3A_124] : memref<2x10112x128xf32, #tpu.memory_space<hbm>> -> memref<1x632x128xf32, #tpu.memory_space<hbm>>
      %dma_wait3A_126 = tpu.memref_squeeze %dma_wait3A_125 : memref<1x632x128xf32, #tpu.memory_space<hbm>> -> memref<632x128xf32, #tpu.memory_space<hbm>>
      %dma_wait3A_127 = arith.constant 0 : i32
      %dma_wait3A_128 = tpu.memref_slice %arg9[%mul3A_40, %dma_wait3A_127] : memref<10112x128xf32, #tpu.memory_space<vmem_shared>> -> memref<632x128xf32, #tpu.memory_space<vmem_shared>>
      tpu.wait_dma2 semaphore(%run_scoped3A_118 : memref<!tpu.dma_semaphore, #tpu.memory_space<semaphore_mem>>) src(%dma_wait3A_128 : memref<632x128xf32, #tpu.memory_space<vmem_shared>>) dst(%dma_wait3A_126 : memref<632x128xf32, #tpu.memory_space<hbm>>)
      tpu.yield
    }) : () -> ()
    return
  }
}

#map = affine_map<(d0, d1) -> (0, 0)>
#map1 = affine_map<(d0, d1) -> (0)>
module attributes {stable_mosaic.version = 14 : i64} {
  func.func @_sc_degree(%arg0: i32, %arg1: i32, %arg2: memref<2560x128xi32, #tpu.memory_space<hbm>>, %arg3: memref<20224xf32, #tpu.memory_space<hbm>>, %arg4: memref<80x128xi32, #tpu.memory_space<vmem>>, %arg5: memref<128xf32, #tpu.memory_space<vmem>>, %arg6: memref<640xf32, #tpu.memory_space<vmem>>, %arg7: memref<10112xf32, #tpu.memory_space<vmem_shared>>, %arg8: memref<!tpu.dma_semaphore, #tpu.memory_space<semaphore_mem>>, %arg9: memref<!tpu.dma_semaphore, #tpu.memory_space<semaphore_mem>>) attributes {dimension_semantics = [#tpu.dimension_semantics<core_parallel>, #tpu.dimension_semantics<subcore_parallel>], iteration_bounds = array<i64: 2, 16>, scalar_prefetch = 0 : i64, scratch_operands = 6 : i64, tpu.core_type = #tpu.core_type<sc_vector_subcore>, window_params = [{transform_indices = #map}, {transform_indices = #map1}]} {
    %mul3A = arith.constant 2 : i32
    %mul3A_0 = arith.muli %arg1, %mul3A : i32
    %add3A = arith.addi %mul3A_0, %arg0 : i32
    %mul3A_1 = arith.constant 80 : i32
    %mul3A_2 = arith.muli %add3A, %mul3A_1 : i32
    %dma_start3A = arith.constant 0 : i32
    %dma_start3A_3 = tpu.memref_slice %arg2[%mul3A_2, %dma_start3A] : memref<2560x128xi32, #tpu.memory_space<hbm>> -> memref<80x128xi32, #tpu.memory_space<hbm>>
    %dma_start3A_4 = arith.constant 0 : i32
    %dma_start3A_5 = tpu.memref_slice %arg2[%mul3A_2, %dma_start3A_4] : memref<2560x128xi32, #tpu.memory_space<hbm>> -> memref<80x128xi32, #tpu.memory_space<hbm>>
    tpu.enqueue_dma source(%dma_start3A_5 : memref<80x128xi32, #tpu.memory_space<hbm>>) target(%arg4 : memref<80x128xi32, #tpu.memory_space<vmem>>) target_semaphore(%arg8 : memref<!tpu.dma_semaphore, #tpu.memory_space<semaphore_mem>>)
    %broadcast_in_dim3A = arith.constant 1.000000e+00 : f32
    %broadcast_in_dim3A_6 = vector.broadcast %broadcast_in_dim3A : f32 to vector<16xf32>
    %scan3A = arith.constant 0 : i32
    %scan3A_7 = arith.constant 0 : i32
    %scan3A_8 = arith.constant 8 : i32
    %scan3A_9 = arith.addi %scan3A_7, %scan3A_8 : i32
    %scan3A_10 = arith.constant 1 : i32
    %scan3A_11 = scf.for %scan3A_51 = %scan3A_7 to %scan3A_9 step %scan3A_10 iter_args(%scan3A_52 = %scan3A) -> (i32)  : i32 {
      %mul3A_53 = arith.constant 16 : i32
      %mul3A_54 = arith.muli %scan3A_51, %mul3A_53 : i32
      %swap3A = arith.index_cast %mul3A_54 : i32 to index
      %swap3A_55 = tpu.vector_load %arg5[%swap3A] {strides = array<i32>} : memref<128xf32, #tpu.memory_space<vmem>>, vector<16xf32>,
      %swap3A_56 = vector.shape_cast %swap3A_55 : vector<16xf32> to vector<16xf32>
      %swap3A_57 = vector.shape_cast %broadcast_in_dim3A_6 : vector<16xf32> to vector<16xf32>
      tpu.vector_store %arg5[%swap3A], %swap3A_57 {strides = array<i32>} : memref<128xf32, #tpu.memory_space<vmem>>, vector<16xf32>,
      %scan3A_58 = arith.constant 0 : i32
      scf.yield %scan3A_58 : i32
    }
    %scan3A_12 = arith.constant 8 : i32
    %broadcast_in_dim3A_13 = arith.constant 0.000000e+00 : f32
    %broadcast_in_dim3A_14 = vector.broadcast %broadcast_in_dim3A_13 : f32 to vector<16xf32>
    %scan3A_15 = arith.constant 0 : i32
    %scan3A_16 = arith.constant 0 : i32
    %scan3A_17 = arith.constant 40 : i32
    %scan3A_18 = arith.addi %scan3A_16, %scan3A_17 : i32
    %scan3A_19 = arith.constant 1 : i32
    %scan3A_20 = scf.for %scan3A_51 = %scan3A_16 to %scan3A_18 step %scan3A_19 iter_args(%scan3A_52 = %scan3A_15) -> (i32)  : i32 {
      %mul3A_53 = arith.constant 16 : i32
      %mul3A_54 = arith.muli %scan3A_51, %mul3A_53 : i32
      %swap3A = arith.index_cast %mul3A_54 : i32 to index
      %swap3A_55 = tpu.vector_load %arg6[%swap3A] {strides = array<i32>} : memref<640xf32, #tpu.memory_space<vmem>>, vector<16xf32>,
      %swap3A_56 = vector.shape_cast %swap3A_55 : vector<16xf32> to vector<16xf32>
      %swap3A_57 = vector.shape_cast %broadcast_in_dim3A_14 : vector<16xf32> to vector<16xf32>
      tpu.vector_store %arg6[%swap3A], %swap3A_57 {strides = array<i32>} : memref<640xf32, #tpu.memory_space<vmem>>, vector<16xf32>,
      %scan3A_58 = arith.constant 0 : i32
      scf.yield %scan3A_58 : i32
    }
    %scan3A_21 = arith.constant 40 : i32
    %mul3A_22 = arith.constant 632 : i32
    %mul3A_23 = arith.muli %arg1, %mul3A_22 : i32
    "tpu.region"() ({
      %run_scoped3A = tpu.sem_alloc : memref<!tpu.dma_semaphore, #tpu.memory_space<semaphore_mem>>
      %dma_start3A_51 = arith.constant 0 : i32
      %dma_start3A_52 = tpu.memref_slice %arg6[%dma_start3A_51] : memref<640xf32, #tpu.memory_space<vmem>> -> memref<632xf32, #tpu.memory_space<vmem>>
      %dma_start3A_53 = tpu.memref_slice %arg7[%mul3A_23] : memref<10112xf32, #tpu.memory_space<vmem_shared>> -> memref<632xf32, #tpu.memory_space<vmem_shared>>
      %dma_start3A_54 = tpu.memref_slice %arg7[%mul3A_23] : memref<10112xf32, #tpu.memory_space<vmem_shared>> -> memref<632xf32, #tpu.memory_space<vmem_shared>>
      %dma_start3A_55 = arith.constant 0 : i32
      %dma_start3A_56 = tpu.memref_slice %arg6[%dma_start3A_55] : memref<640xf32, #tpu.memory_space<vmem>> -> memref<632xf32, #tpu.memory_space<vmem>>
      tpu.enqueue_dma source(%dma_start3A_56 : memref<632xf32, #tpu.memory_space<vmem>>) target(%dma_start3A_54 : memref<632xf32, #tpu.memory_space<vmem_shared>>) target_semaphore(%run_scoped3A : memref<!tpu.dma_semaphore, #tpu.memory_space<semaphore_mem>>)
      %dma_wait3A_57 = arith.constant 0 : i32
      %dma_wait3A_58 = tpu.memref_slice %arg6[%dma_wait3A_57] : memref<640xf32, #tpu.memory_space<vmem>> -> memref<632xf32, #tpu.memory_space<vmem>>
      %dma_wait3A_59 = tpu.memref_slice %arg7[%mul3A_23] : memref<10112xf32, #tpu.memory_space<vmem_shared>> -> memref<632xf32, #tpu.memory_space<vmem_shared>>
      %dma_wait3A_60 = tpu.memref_slice %arg7[%mul3A_23] : memref<10112xf32, #tpu.memory_space<vmem_shared>> -> memref<632xf32, #tpu.memory_space<vmem_shared>>
      %dma_wait3A_61 = arith.constant 0 : i32
      %dma_wait3A_62 = tpu.memref_slice %arg6[%dma_wait3A_61] : memref<640xf32, #tpu.memory_space<vmem>> -> memref<632xf32, #tpu.memory_space<vmem>>
      tpu.wait_dma2 semaphore(%run_scoped3A : memref<!tpu.dma_semaphore, #tpu.memory_space<semaphore_mem>>) src(%dma_wait3A_62 : memref<632xf32, #tpu.memory_space<vmem>>) dst(%dma_wait3A_60 : memref<632xf32, #tpu.memory_space<vmem_shared>>)
      tpu.yield
    }) : () -> ()
    %dma_wait3A = arith.constant 0 : i32
    %dma_wait3A_24 = arith.constant 0 : i32
    %dma_wait3A_25 = tpu.memref_slice %arg2[%dma_wait3A, %dma_wait3A_24] : memref<2560x128xi32, #tpu.memory_space<hbm>> -> memref<80x128xi32, #tpu.memory_space<hbm>>
    %dma_wait3A_26 = arith.constant 0 : i32
    %dma_wait3A_27 = arith.constant 0 : i32
    %dma_wait3A_28 = tpu.memref_slice %arg2[%dma_wait3A_26, %dma_wait3A_27] : memref<2560x128xi32, #tpu.memory_space<hbm>> -> memref<80x128xi32, #tpu.memory_space<hbm>>
    tpu.wait_dma2 semaphore(%arg8 : memref<!tpu.dma_semaphore, #tpu.memory_space<semaphore_mem>>) src(%dma_wait3A_28 : memref<80x128xi32, #tpu.memory_space<hbm>>) dst(%arg4 : memref<80x128xi32, #tpu.memory_space<vmem>>)
    %barrier3A = arith.constant 0 : index
    tpu.barrier barrier_id(%barrier3A)
    %scan3A_29 = arith.constant 0 : i32
    %scan3A_30 = arith.constant 0 : i32
    %scan3A_31 = arith.constant 80 : i32
    %scan3A_32 = arith.addi %scan3A_30, %scan3A_31 : i32
    %scan3A_33 = arith.constant 1 : i32
    %scan3A_34 = scf.for %scan3A_51 = %scan3A_30 to %scan3A_32 step %scan3A_33 iter_args(%scan3A_52 = %scan3A_29) -> (i32)  : i32 {
      %dma_start3A_53 = arith.constant 0 : i32
      %dma_start3A_54 = tpu.memref_slice %arg4[%scan3A_51, %dma_start3A_53] : memref<80x128xi32, #tpu.memory_space<vmem>> -> memref<1x128xi32, #tpu.memory_space<vmem>>
      %dma_start3A_55 = tpu.memref_squeeze %dma_start3A_54 : memref<1x128xi32, #tpu.memory_space<vmem>> -> memref<128xi32, #tpu.memory_space<vmem>>
      %dma_start3A_56 = arith.constant 0 : i32
      %dma_start3A_57 = tpu.memref_slice %arg7[%dma_start3A_56] : memref<10112xf32, #tpu.memory_space<vmem_shared>> -> memref<10112xf32, #tpu.memory_space<vmem_shared>>
      tpu.enqueue_indirect_dma source(%arg5 : memref<128xf32, #tpu.memory_space<vmem>>) target(%dma_start3A_57 : memref<10112xf32, #tpu.memory_space<vmem_shared>>) offsets(%dma_start3A_55 : memref<128xi32, #tpu.memory_space<vmem>>) semaphore(%arg9 : memref<!tpu.dma_semaphore, #tpu.memory_space<semaphore_mem>>) {add = true}
      %scan3A_58 = arith.constant 0 : i32
      scf.yield %scan3A_58 : i32
    }
    %scan3A_35 = arith.constant 80 : i32
    %scan3A_36 = arith.constant 0 : i32
    %scan3A_37 = arith.constant 0 : i32
    %scan3A_38 = arith.constant 80 : i32
    %scan3A_39 = arith.addi %scan3A_37, %scan3A_38 : i32
    %scan3A_40 = arith.constant 1 : i32
    %scan3A_41 = scf.for %scan3A_51 = %scan3A_37 to %scan3A_39 step %scan3A_40 iter_args(%scan3A_52 = %scan3A_36) -> (i32)  : i32 {
      %dma_wait3A_53 = arith.constant 0 : i32
      %dma_wait3A_54 = arith.constant 0 : i32
      %dma_wait3A_55 = tpu.memref_slice %arg4[%dma_wait3A_53, %dma_wait3A_54] : memref<80x128xi32, #tpu.memory_space<vmem>> -> memref<1x128xi32, #tpu.memory_space<vmem>>
      %dma_wait3A_56 = tpu.memref_squeeze %dma_wait3A_55 : memref<1x128xi32, #tpu.memory_space<vmem>> -> memref<128xi32, #tpu.memory_space<vmem>>
      %dma_wait3A_57 = arith.constant 0 : i32
      %dma_wait3A_58 = tpu.memref_slice %arg7[%dma_wait3A_57] : memref<10112xf32, #tpu.memory_space<vmem_shared>> -> memref<10112xf32, #tpu.memory_space<vmem_shared>>
      tpu.wait_indirect_dma semaphore(%arg9 : memref<!tpu.dma_semaphore, #tpu.memory_space<semaphore_mem>>) src(%arg5 : memref<128xf32, #tpu.memory_space<vmem>>) dst(%dma_wait3A_58 : memref<10112xf32, #tpu.memory_space<vmem_shared>>)
      %scan3A_59 = arith.constant 0 : i32
      scf.yield %scan3A_59 : i32
    }
    %scan3A_42 = arith.constant 80 : i32
    %barrier3A_43 = arith.constant 0 : index
    tpu.barrier barrier_id(%barrier3A_43)
    %mul3A_44 = arith.constant 632 : i32
    %mul3A_45 = arith.muli %arg1, %mul3A_44 : i32
    "tpu.region"() ({
      %run_scoped3A = tpu.sem_alloc : memref<!tpu.dma_semaphore, #tpu.memory_space<semaphore_mem>>
      %dma_start3A_51 = arith.constant 0 : i32
      %dma_start3A_52 = tpu.memref_slice %arg6[%dma_start3A_51] : memref<640xf32, #tpu.memory_space<vmem>> -> memref<632xf32, #tpu.memory_space<vmem>>
      %dma_start3A_53 = tpu.memref_slice %arg7[%mul3A_45] : memref<10112xf32, #tpu.memory_space<vmem_shared>> -> memref<632xf32, #tpu.memory_space<vmem_shared>>
      %dma_start3A_54 = arith.constant 0 : i32
      %dma_start3A_55 = tpu.memref_slice %arg6[%dma_start3A_54] : memref<640xf32, #tpu.memory_space<vmem>> -> memref<632xf32, #tpu.memory_space<vmem>>
      %dma_start3A_56 = tpu.memref_slice %arg7[%mul3A_45] : memref<10112xf32, #tpu.memory_space<vmem_shared>> -> memref<632xf32, #tpu.memory_space<vmem_shared>>
      tpu.enqueue_dma source(%dma_start3A_56 : memref<632xf32, #tpu.memory_space<vmem_shared>>) target(%dma_start3A_55 : memref<632xf32, #tpu.memory_space<vmem>>) target_semaphore(%run_scoped3A : memref<!tpu.dma_semaphore, #tpu.memory_space<semaphore_mem>>)
      %dma_wait3A_57 = arith.constant 0 : i32
      %dma_wait3A_58 = tpu.memref_slice %arg6[%dma_wait3A_57] : memref<640xf32, #tpu.memory_space<vmem>> -> memref<632xf32, #tpu.memory_space<vmem>>
      %dma_wait3A_59 = tpu.memref_slice %arg7[%mul3A_45] : memref<10112xf32, #tpu.memory_space<vmem_shared>> -> memref<632xf32, #tpu.memory_space<vmem_shared>>
      %dma_wait3A_60 = arith.constant 0 : i32
      %dma_wait3A_61 = tpu.memref_slice %arg6[%dma_wait3A_60] : memref<640xf32, #tpu.memory_space<vmem>> -> memref<632xf32, #tpu.memory_space<vmem>>
      %dma_wait3A_62 = tpu.memref_slice %arg7[%mul3A_45] : memref<10112xf32, #tpu.memory_space<vmem_shared>> -> memref<632xf32, #tpu.memory_space<vmem_shared>>
      tpu.wait_dma2 semaphore(%run_scoped3A : memref<!tpu.dma_semaphore, #tpu.memory_space<semaphore_mem>>) src(%dma_wait3A_62 : memref<632xf32, #tpu.memory_space<vmem_shared>>) dst(%dma_wait3A_61 : memref<632xf32, #tpu.memory_space<vmem>>)
      tpu.yield
    }) : () -> ()
    %mul3A_46 = arith.constant 10112 : i32
    %mul3A_47 = arith.muli %arg0, %mul3A_46 : i32
    %mul3A_48 = arith.constant 632 : i32
    %mul3A_49 = arith.muli %arg1, %mul3A_48 : i32
    %add3A_50 = arith.addi %mul3A_47, %mul3A_49 : i32
    "tpu.region"() ({
      %run_scoped3A = tpu.sem_alloc : memref<!tpu.dma_semaphore, #tpu.memory_space<semaphore_mem>>
      %dma_start3A_51 = arith.constant 0 : i32
      %dma_start3A_52 = tpu.memref_slice %arg6[%dma_start3A_51] : memref<640xf32, #tpu.memory_space<vmem>> -> memref<632xf32, #tpu.memory_space<vmem>>
      %dma_start3A_53 = tpu.memref_slice %arg3[%add3A_50] : memref<20224xf32, #tpu.memory_space<hbm>> -> memref<632xf32, #tpu.memory_space<hbm>>
      %dma_start3A_54 = tpu.memref_slice %arg3[%add3A_50] : memref<20224xf32, #tpu.memory_space<hbm>> -> memref<632xf32, #tpu.memory_space<hbm>>
      %dma_start3A_55 = arith.constant 0 : i32
      %dma_start3A_56 = tpu.memref_slice %arg6[%dma_start3A_55] : memref<640xf32, #tpu.memory_space<vmem>> -> memref<632xf32, #tpu.memory_space<vmem>>
      tpu.enqueue_dma source(%dma_start3A_56 : memref<632xf32, #tpu.memory_space<vmem>>) target(%dma_start3A_54 : memref<632xf32, #tpu.memory_space<hbm>>) target_semaphore(%run_scoped3A : memref<!tpu.dma_semaphore, #tpu.memory_space<semaphore_mem>>)
      %dma_wait3A_57 = arith.constant 0 : i32
      %dma_wait3A_58 = tpu.memref_slice %arg6[%dma_wait3A_57] : memref<640xf32, #tpu.memory_space<vmem>> -> memref<632xf32, #tpu.memory_space<vmem>>
      %dma_wait3A_59 = tpu.memref_slice %arg3[%add3A_50] : memref<20224xf32, #tpu.memory_space<hbm>> -> memref<632xf32, #tpu.memory_space<hbm>>
      %dma_wait3A_60 = tpu.memref_slice %arg3[%add3A_50] : memref<20224xf32, #tpu.memory_space<hbm>> -> memref<632xf32, #tpu.memory_space<hbm>>
      %dma_wait3A_61 = arith.constant 0 : i32
      %dma_wait3A_62 = tpu.memref_slice %arg6[%dma_wait3A_61] : memref<640xf32, #tpu.memory_space<vmem>> -> memref<632xf32, #tpu.memory_space<vmem>>
      tpu.wait_dma2 semaphore(%run_scoped3A : memref<!tpu.dma_semaphore, #tpu.memory_space<semaphore_mem>>) src(%dma_wait3A_62 : memref<632xf32, #tpu.memory_space<vmem>>) dst(%dma_wait3A_60 : memref<632xf32, #tpu.memory_space<hbm>>)
      tpu.yield
    }) : () -> ()
    return
  }
}

#map = affine_map<(d0, d1) -> (0, 0)>
#map1 = affine_map<(d0, d1) -> (0, 0, 0)>
module attributes {stable_mosaic.version = 14 : i64} {
  func.func @_sc_segsum(%arg0: i32, %arg1: i32, %arg2: memref<10000x128xf32, #tpu.memory_space<hbm>>, %arg3: memref<2560x128xi32, #tpu.memory_space<hbm>>, %arg4: memref<2560x128xi32, #tpu.memory_space<hbm>>, %arg5: memref<2x10112x128xf32, #tpu.memory_space<hbm>>, %arg6: memref<2x2x128xi32, #tpu.memory_space<vmem>>, %arg7: memref<2x2x128xi32, #tpu.memory_space<vmem>>, %arg8: memref<2x128x128xf32, #tpu.memory_space<vmem>>, %arg9: memref<10112x128xf32, #tpu.memory_space<vmem_shared>>, %arg10: memref<!tpu.dma_semaphore, #tpu.memory_space<semaphore_mem>>, %arg11: memref<!tpu.dma_semaphore, #tpu.memory_space<semaphore_mem>>, %arg12: memref<!tpu.dma_semaphore, #tpu.memory_space<semaphore_mem>>) attributes {dimension_semantics = [#tpu.dimension_semantics<core_parallel>, #tpu.dimension_semantics<subcore_parallel>], iteration_bounds = array<i64: 2, 16>, scalar_prefetch = 0 : i64, scratch_operands = 7 : i64, tpu.core_type = #tpu.core_type<sc_vector_subcore>, window_params = [{transform_indices = #map}, {transform_indices = #map}, {transform_indices = #map}, {transform_indices = #map1}]} {
    %mul3A = arith.constant 2 : i32
    %mul3A_0 = arith.muli %arg1, %mul3A : i32
    %add3A = arith.addi %mul3A_0, %arg0 : i32
    %mul3A_1 = arith.constant 80 : i32
    %mul3A_2 = arith.muli %add3A, %mul3A_1 : i32
    %add3A_3 = arith.constant 0 : i32
    %add3A_4 = arith.addi %mul3A_2, %add3A_3 : i32
    %dma_start3A = arith.constant 0 : i32
    %dma_start3A_5 = arith.constant 0 : i32
    %dma_start3A_6 = arith.constant 0 : i32
    %dma_start3A_7 = tpu.memref_slice %arg6[%dma_start3A, %dma_start3A_5, %dma_start3A_6] : memref<2x2x128xi32, #tpu.memory_space<vmem>> -> memref<1x2x128xi32, #tpu.memory_space<vmem>>
    %dma_start3A_8 = tpu.memref_squeeze %dma_start3A_7 : memref<1x2x128xi32, #tpu.memory_space<vmem>> -> memref<2x128xi32, #tpu.memory_space<vmem>>
    %dma_start3A_9 = arith.constant 0 : i32
    %dma_start3A_10 = tpu.memref_slice %arg3[%add3A_4, %dma_start3A_9] : memref<2560x128xi32, #tpu.memory_space<hbm>> -> memref<2x128xi32, #tpu.memory_space<hbm>>
    %dma_start3A_11 = arith.constant 0 : i32
    %dma_start3A_12 = arith.constant 0 : i32
    %dma_start3A_13 = tpu.memref_slice %arg6[%dma_start3A, %dma_start3A_11, %dma_start3A_12] : memref<2x2x128xi32, #tpu.memory_space<vmem>> -> memref<1x2x128xi32, #tpu.memory_space<vmem>>
    %dma_start3A_14 = tpu.memref_squeeze %dma_start3A_13 : memref<1x2x128xi32, #tpu.memory_space<vmem>> -> memref<2x128xi32, #tpu.memory_space<vmem>>
    %dma_start3A_15 = arith.constant 0 : i32
    %dma_start3A_16 = tpu.memref_slice %arg3[%add3A_4, %dma_start3A_15] : memref<2560x128xi32, #tpu.memory_space<hbm>> -> memref<2x128xi32, #tpu.memory_space<hbm>>
    tpu.enqueue_dma source(%dma_start3A_16 : memref<2x128xi32, #tpu.memory_space<hbm>>) target(%dma_start3A_14 : memref<2x128xi32, #tpu.memory_space<vmem>>) target_semaphore(%arg10 : memref<!tpu.dma_semaphore, #tpu.memory_space<semaphore_mem>>)
    %add3A_17 = arith.constant 0 : i32
    %add3A_18 = arith.addi %mul3A_2, %add3A_17 : i32
    %dma_start3A_19 = arith.constant 0 : i32
    %dma_start3A_20 = arith.constant 0 : i32
    %dma_start3A_21 = arith.constant 0 : i32
    %dma_start3A_22 = tpu.memref_slice %arg7[%dma_start3A_19, %dma_start3A_20, %dma_start3A_21] : memref<2x2x128xi32, #tpu.memory_space<vmem>> -> memref<1x2x128xi32, #tpu.memory_space<vmem>>
    %dma_start3A_23 = tpu.memref_squeeze %dma_start3A_22 : memref<1x2x128xi32, #tpu.memory_space<vmem>> -> memref<2x128xi32, #tpu.memory_space<vmem>>
    %dma_start3A_24 = arith.constant 0 : i32
    %dma_start3A_25 = tpu.memref_slice %arg4[%add3A_18, %dma_start3A_24] : memref<2560x128xi32, #tpu.memory_space<hbm>> -> memref<2x128xi32, #tpu.memory_space<hbm>>
    %dma_start3A_26 = arith.constant 0 : i32
    %dma_start3A_27 = arith.constant 0 : i32
    %dma_start3A_28 = tpu.memref_slice %arg7[%dma_start3A_19, %dma_start3A_26, %dma_start3A_27] : memref<2x2x128xi32, #tpu.memory_space<vmem>> -> memref<1x2x128xi32, #tpu.memory_space<vmem>>
    %dma_start3A_29 = tpu.memref_squeeze %dma_start3A_28 : memref<1x2x128xi32, #tpu.memory_space<vmem>> -> memref<2x128xi32, #tpu.memory_space<vmem>>
    %dma_start3A_30 = arith.constant 0 : i32
    %dma_start3A_31 = tpu.memref_slice %arg4[%add3A_18, %dma_start3A_30] : memref<2560x128xi32, #tpu.memory_space<hbm>> -> memref<2x128xi32, #tpu.memory_space<hbm>>
    tpu.enqueue_dma source(%dma_start3A_31 : memref<2x128xi32, #tpu.memory_space<hbm>>) target(%dma_start3A_29 : memref<2x128xi32, #tpu.memory_space<vmem>>) target_semaphore(%arg10 : memref<!tpu.dma_semaphore, #tpu.memory_space<semaphore_mem>>)
    %broadcast_in_dim3A = arith.constant 0.000000e+00 : f32
    %broadcast_in_dim3A_32 = vector.broadcast %broadcast_in_dim3A : f32 to vector<16xf32>
    %scan3A = arith.constant 0 : i32
    %scan3A_33 = arith.constant 0 : i32
    %scan3A_34 = arith.constant 1024 : i32
    %scan3A_35 = arith.addi %scan3A_33, %scan3A_34 : i32
    %scan3A_36 = arith.constant 1 : i32
    %scan3A_37 = scf.for %scan3A_118 = %scan3A_33 to %scan3A_35 step %scan3A_36 iter_args(%scan3A_119 = %scan3A) -> (i32)  : i32 {
      %jit3A = arith.constant 8 : i32
      %div3A = arith.divsi %scan3A_118, %jit3A : i32
      %sign3A = arith.constant 0 : i32
      %sign3A_120 = arith.cmpi sgt, %scan3A_118, %sign3A : i32
      %sign3A_121 = arith.extui %sign3A_120 : i1 to i32
      %sign3A_122 = arith.constant 0 : i32
      %sign3A_123 = arith.cmpi slt, %scan3A_118, %sign3A_122 : i32
      %sign3A_124 = arith.extui %sign3A_123 : i1 to i32
      %sign3A_125 = arith.subi %sign3A_121, %sign3A_124 : i32
      %sign3A_126 = arith.constant 0 : i32
      %sign3A_127 = arith.cmpi sgt, %jit3A, %sign3A_126 : i32
      %sign3A_128 = arith.extui %sign3A_127 : i1 to i32
      %sign3A_129 = arith.constant 0 : i32
      %sign3A_130 = arith.cmpi slt, %jit3A, %sign3A_129 : i32
      %sign3A_131 = arith.extui %sign3A_130 : i1 to i32
      %sign3A_132 = arith.subi %sign3A_128, %sign3A_131 : i32
      %ne3A = arith.cmpi ne, %sign3A_125, %sign3A_132 : i32
      %rem3A = arith.remsi %scan3A_118, %jit3A : i32
      %ne3A_133 = arith.constant 0 : i32
      %ne3A_134 = arith.cmpi ne, %rem3A, %ne3A_133 : i32
      %and3A = arith.andi %ne3A, %ne3A_134 : i1
      %sub3A = arith.constant 1 : i32
      %sub3A_135 = arith.subi %div3A, %sub3A : i32
      %select_n3A = arith.select %and3A, %sub3A_135, %div3A : i32
      %jit3A_136 = arith.constant 8 : i32
      %eq3A = arith.constant 0 : i32
      %eq3A_137 = arith.cmpi eq, %jit3A_136, %eq3A : i32
      %jit3A_138 = arith.constant 1 : i32
      %select_n3A_139 = arith.select %eq3A_137, %jit3A_138, %jit3A_136 : i32
      %rem3A_140 = arith.remsi %scan3A_118, %select_n3A_139 : i32
      %ne3A_141 = arith.constant 0 : i32
      %ne3A_142 = arith.cmpi ne, %rem3A_140, %ne3A_141 : i32
      %lt3A = arith.constant 0 : i32
      %lt3A_143 = arith.cmpi slt, %rem3A_140, %lt3A : i32
      %lt3A_144 = arith.constant 0 : i32
      %lt3A_145 = arith.cmpi slt, %select_n3A_139, %lt3A_144 : i32
      %ne3A_146 = arith.xori %lt3A_143, %lt3A_145 : i1
      %and3A_147 = arith.andi %ne3A_146, %ne3A_142 : i1
      %add3A_148 = arith.addi %rem3A_140, %select_n3A_139 : i32
      %select_n3A_149 = arith.select %and3A_147, %add3A_148, %rem3A_140 : i32
      %mul3A_150 = arith.constant 16 : i32
      %mul3A_151 = arith.muli %select_n3A_149, %mul3A_150 : i32
      %swap3A = arith.constant 0 : i32
      %swap3A_152 = arith.index_cast %swap3A : i32 to index
      %swap3A_153 = arith.index_cast %select_n3A : i32 to index
      %swap3A_154 = arith.index_cast %mul3A_151 : i32 to index
      %swap3A_155 = tpu.vector_load %arg8[%swap3A_152, %swap3A_153, %swap3A_154] {strides = array<i32>} : memref<2x128x128xf32, #tpu.memory_space<vmem>>, vector<1x1x16xf32>,
      %swap3A_156 = vector.shape_cast %swap3A_155 : vector<1x1x16xf32> to vector<16xf32>
      %swap3A_157 = vector.shape_cast %broadcast_in_dim3A_32 : vector<16xf32> to vector<1x1x16xf32>
      tpu.vector_store %arg8[%swap3A_152, %swap3A_153, %swap3A_154], %swap3A_157 {strides = array<i32>} : memref<2x128x128xf32, #tpu.memory_space<vmem>>, vector<1x1x16xf32>,
      %scan3A_158 = arith.constant 0 : i32
      scf.yield %scan3A_158 : i32
    }
    %scan3A_38 = arith.constant 1024 : i32
    %mul3A_39 = arith.constant 632 : i32
    %mul3A_40 = arith.muli %arg1, %mul3A_39 : i32
    %add3A_41 = arith.constant 0 : i32
    %add3A_42 = arith.addi %mul3A_40, %add3A_41 : i32
    %run_scoped3A = arith.constant 0 : i32
    "tpu.region"() ({
      %run_scoped3A_118 = tpu.sem_alloc : memref<!tpu.dma_semaphore, #tpu.memory_space<semaphore_mem>>
      %dma_start3A_119 = arith.constant 0 : i32
      %dma_start3A_120 = arith.constant 0 : i32
      %dma_start3A_121 = tpu.memref_slice %arg8[%run_scoped3A, %dma_start3A_119, %dma_start3A_120] : memref<2x128x128xf32, #tpu.memory_space<vmem>> -> memref<1x128x128xf32, #tpu.memory_space<vmem>>
      %dma_start3A_122 = tpu.memref_squeeze %dma_start3A_121 : memref<1x128x128xf32, #tpu.memory_space<vmem>> -> memref<128x128xf32, #tpu.memory_space<vmem>>
      %dma_start3A_123 = arith.constant 0 : i32
      %dma_start3A_124 = tpu.memref_slice %arg9[%add3A_42, %dma_start3A_123] : memref<10112x128xf32, #tpu.memory_space<vmem_shared>> -> memref<128x128xf32, #tpu.memory_space<vmem_shared>>
      %dma_start3A_125 = arith.constant 0 : i32
      %dma_start3A_126 = tpu.memref_slice %arg9[%add3A_42, %dma_start3A_125] : memref<10112x128xf32, #tpu.memory_space<vmem_shared>> -> memref<128x128xf32, #tpu.memory_space<vmem_shared>>
      %dma_start3A_127 = arith.constant 0 : i32
      %dma_start3A_128 = arith.constant 0 : i32
      %dma_start3A_129 = tpu.memref_slice %arg8[%run_scoped3A, %dma_start3A_127, %dma_start3A_128] : memref<2x128x128xf32, #tpu.memory_space<vmem>> -> memref<1x128x128xf32, #tpu.memory_space<vmem>>
      %dma_start3A_130 = tpu.memref_squeeze %dma_start3A_129 : memref<1x128x128xf32, #tpu.memory_space<vmem>> -> memref<128x128xf32, #tpu.memory_space<vmem>>
      tpu.enqueue_dma source(%dma_start3A_130 : memref<128x128xf32, #tpu.memory_space<vmem>>) target(%dma_start3A_126 : memref<128x128xf32, #tpu.memory_space<vmem_shared>>) target_semaphore(%run_scoped3A_118 : memref<!tpu.dma_semaphore, #tpu.memory_space<semaphore_mem>>)
      %dma_wait3A_131 = arith.constant 0 : i32
      %dma_wait3A_132 = arith.constant 0 : i32
      %dma_wait3A_133 = tpu.memref_slice %arg8[%run_scoped3A, %dma_wait3A_131, %dma_wait3A_132] : memref<2x128x128xf32, #tpu.memory_space<vmem>> -> memref<1x128x128xf32, #tpu.memory_space<vmem>>
      %dma_wait3A_134 = tpu.memref_squeeze %dma_wait3A_133 : memref<1x128x128xf32, #tpu.memory_space<vmem>> -> memref<128x128xf32, #tpu.memory_space<vmem>>
      %dma_wait3A_135 = arith.constant 0 : i32
      %dma_wait3A_136 = tpu.memref_slice %arg9[%add3A_42, %dma_wait3A_135] : memref<10112x128xf32, #tpu.memory_space<vmem_shared>> -> memref<128x128xf32, #tpu.memory_space<vmem_shared>>
      %dma_wait3A_137 = arith.constant 0 : i32
      %dma_wait3A_138 = tpu.memref_slice %arg9[%add3A_42, %dma_wait3A_137] : memref<10112x128xf32, #tpu.memory_space<vmem_shared>> -> memref<128x128xf32, #tpu.memory_space<vmem_shared>>
      %dma_wait3A_139 = arith.constant 0 : i32
      %dma_wait3A_140 = arith.constant 0 : i32
      %dma_wait3A_141 = tpu.memref_slice %arg8[%run_scoped3A, %dma_wait3A_139, %dma_wait3A_140] : memref<2x128x128xf32, #tpu.memory_space<vmem>> -> memref<1x128x128xf32, #tpu.memory_space<vmem>>
      %dma_wait3A_142 = tpu.memref_squeeze %dma_wait3A_141 : memref<1x128x128xf32, #tpu.memory_space<vmem>> -> memref<128x128xf32, #tpu.memory_space<vmem>>
      tpu.wait_dma2 semaphore(%run_scoped3A_118 : memref<!tpu.dma_semaphore, #tpu.memory_space<semaphore_mem>>) src(%dma_wait3A_142 : memref<128x128xf32, #tpu.memory_space<vmem>>) dst(%dma_wait3A_138 : memref<128x128xf32, #tpu.memory_space<vmem_shared>>)
      tpu.yield
    }) : () -> ()
    %add3A_43 = arith.constant 128 : i32
    %add3A_44 = arith.addi %mul3A_40, %add3A_43 : i32
    %run_scoped3A_45 = arith.constant 0 : i32
    "tpu.region"() ({
      %run_scoped3A_118 = tpu.sem_alloc : memref<!tpu.dma_semaphore, #tpu.memory_space<semaphore_mem>>
      %dma_start3A_119 = arith.constant 0 : i32
      %dma_start3A_120 = arith.constant 0 : i32
      %dma_start3A_121 = tpu.memref_slice %arg8[%run_scoped3A_45, %dma_start3A_119, %dma_start3A_120] : memref<2x128x128xf32, #tpu.memory_space<vmem>> -> memref<1x128x128xf32, #tpu.memory_space<vmem>>
      %dma_start3A_122 = tpu.memref_squeeze %dma_start3A_121 : memref<1x128x128xf32, #tpu.memory_space<vmem>> -> memref<128x128xf32, #tpu.memory_space<vmem>>
      %dma_start3A_123 = arith.constant 0 : i32
      %dma_start3A_124 = tpu.memref_slice %arg9[%add3A_44, %dma_start3A_123] : memref<10112x128xf32, #tpu.memory_space<vmem_shared>> -> memref<128x128xf32, #tpu.memory_space<vmem_shared>>
      %dma_start3A_125 = arith.constant 0 : i32
      %dma_start3A_126 = tpu.memref_slice %arg9[%add3A_44, %dma_start3A_125] : memref<10112x128xf32, #tpu.memory_space<vmem_shared>> -> memref<128x128xf32, #tpu.memory_space<vmem_shared>>
      %dma_start3A_127 = arith.constant 0 : i32
      %dma_start3A_128 = arith.constant 0 : i32
      %dma_start3A_129 = tpu.memref_slice %arg8[%run_scoped3A_45, %dma_start3A_127, %dma_start3A_128] : memref<2x128x128xf32, #tpu.memory_space<vmem>> -> memref<1x128x128xf32, #tpu.memory_space<vmem>>
      %dma_start3A_130 = tpu.memref_squeeze %dma_start3A_129 : memref<1x128x128xf32, #tpu.memory_space<vmem>> -> memref<128x128xf32, #tpu.memory_space<vmem>>
      tpu.enqueue_dma source(%dma_start3A_130 : memref<128x128xf32, #tpu.memory_space<vmem>>) target(%dma_start3A_126 : memref<128x128xf32, #tpu.memory_space<vmem_shared>>) target_semaphore(%run_scoped3A_118 : memref<!tpu.dma_semaphore, #tpu.memory_space<semaphore_mem>>)
      %dma_wait3A_131 = arith.constant 0 : i32
      %dma_wait3A_132 = arith.constant 0 : i32
      %dma_wait3A_133 = tpu.memref_slice %arg8[%run_scoped3A_45, %dma_wait3A_131, %dma_wait3A_132] : memref<2x128x128xf32, #tpu.memory_space<vmem>> -> memref<1x128x128xf32, #tpu.memory_space<vmem>>
      %dma_wait3A_134 = tpu.memref_squeeze %dma_wait3A_133 : memref<1x128x128xf32, #tpu.memory_space<vmem>> -> memref<128x128xf32, #tpu.memory_space<vmem>>
      %dma_wait3A_135 = arith.constant 0 : i32
      %dma_wait3A_136 = tpu.memref_slice %arg9[%add3A_44, %dma_wait3A_135] : memref<10112x128xf32, #tpu.memory_space<vmem_shared>> -> memref<128x128xf32, #tpu.memory_space<vmem_shared>>
      %dma_wait3A_137 = arith.constant 0 : i32
      %dma_wait3A_138 = tpu.memref_slice %arg9[%add3A_44, %dma_wait3A_137] : memref<10112x128xf32, #tpu.memory_space<vmem_shared>> -> memref<128x128xf32, #tpu.memory_space<vmem_shared>>
      %dma_wait3A_139 = arith.constant 0 : i32
      %dma_wait3A_140 = arith.constant 0 : i32
      %dma_wait3A_141 = tpu.memref_slice %arg8[%run_scoped3A_45, %dma_wait3A_139, %dma_wait3A_140] : memref<2x128x128xf32, #tpu.memory_space<vmem>> -> memref<1x128x128xf32, #tpu.memory_space<vmem>>
      %dma_wait3A_142 = tpu.memref_squeeze %dma_wait3A_141 : memref<1x128x128xf32, #tpu.memory_space<vmem>> -> memref<128x128xf32, #tpu.memory_space<vmem>>
      tpu.wait_dma2 semaphore(%run_scoped3A_118 : memref<!tpu.dma_semaphore, #tpu.memory_space<semaphore_mem>>) src(%dma_wait3A_142 : memref<128x128xf32, #tpu.memory_space<vmem>>) dst(%dma_wait3A_138 : memref<128x128xf32, #tpu.memory_space<vmem_shared>>)
      tpu.yield
    }) : () -> ()
    %add3A_46 = arith.constant 256 : i32
    %add3A_47 = arith.addi %mul3A_40, %add3A_46 : i32
    %run_scoped3A_48 = arith.constant 0 : i32
    "tpu.region"() ({
      %run_scoped3A_118 = tpu.sem_alloc : memref<!tpu.dma_semaphore, #tpu.memory_space<semaphore_mem>>
      %dma_start3A_119 = arith.constant 0 : i32
      %dma_start3A_120 = arith.constant 0 : i32
      %dma_start3A_121 = tpu.memref_slice %arg8[%run_scoped3A_48, %dma_start3A_119, %dma_start3A_120] : memref<2x128x128xf32, #tpu.memory_space<vmem>> -> memref<1x128x128xf32, #tpu.memory_space<vmem>>
      %dma_start3A_122 = tpu.memref_squeeze %dma_start3A_121 : memref<1x128x128xf32, #tpu.memory_space<vmem>> -> memref<128x128xf32, #tpu.memory_space<vmem>>
      %dma_start3A_123 = arith.constant 0 : i32
      %dma_start3A_124 = tpu.memref_slice %arg9[%add3A_47, %dma_start3A_123] : memref<10112x128xf32, #tpu.memory_space<vmem_shared>> -> memref<128x128xf32, #tpu.memory_space<vmem_shared>>
      %dma_start3A_125 = arith.constant 0 : i32
      %dma_start3A_126 = tpu.memref_slice %arg9[%add3A_47, %dma_start3A_125] : memref<10112x128xf32, #tpu.memory_space<vmem_shared>> -> memref<128x128xf32, #tpu.memory_space<vmem_shared>>
      %dma_start3A_127 = arith.constant 0 : i32
      %dma_start3A_128 = arith.constant 0 : i32
      %dma_start3A_129 = tpu.memref_slice %arg8[%run_scoped3A_48, %dma_start3A_127, %dma_start3A_128] : memref<2x128x128xf32, #tpu.memory_space<vmem>> -> memref<1x128x128xf32, #tpu.memory_space<vmem>>
      %dma_start3A_130 = tpu.memref_squeeze %dma_start3A_129 : memref<1x128x128xf32, #tpu.memory_space<vmem>> -> memref<128x128xf32, #tpu.memory_space<vmem>>
      tpu.enqueue_dma source(%dma_start3A_130 : memref<128x128xf32, #tpu.memory_space<vmem>>) target(%dma_start3A_126 : memref<128x128xf32, #tpu.memory_space<vmem_shared>>) target_semaphore(%run_scoped3A_118 : memref<!tpu.dma_semaphore, #tpu.memory_space<semaphore_mem>>)
      %dma_wait3A_131 = arith.constant 0 : i32
      %dma_wait3A_132 = arith.constant 0 : i32
      %dma_wait3A_133 = tpu.memref_slice %arg8[%run_scoped3A_48, %dma_wait3A_131, %dma_wait3A_132] : memref<2x128x128xf32, #tpu.memory_space<vmem>> -> memref<1x128x128xf32, #tpu.memory_space<vmem>>
      %dma_wait3A_134 = tpu.memref_squeeze %dma_wait3A_133 : memref<1x128x128xf32, #tpu.memory_space<vmem>> -> memref<128x128xf32, #tpu.memory_space<vmem>>
      %dma_wait3A_135 = arith.constant 0 : i32
      %dma_wait3A_136 = tpu.memref_slice %arg9[%add3A_47, %dma_wait3A_135] : memref<10112x128xf32, #tpu.memory_space<vmem_shared>> -> memref<128x128xf32, #tpu.memory_space<vmem_shared>>
      %dma_wait3A_137 = arith.constant 0 : i32
      %dma_wait3A_138 = tpu.memref_slice %arg9[%add3A_47, %dma_wait3A_137] : memref<10112x128xf32, #tpu.memory_space<vmem_shared>> -> memref<128x128xf32, #tpu.memory_space<vmem_shared>>
      %dma_wait3A_139 = arith.constant 0 : i32
      %dma_wait3A_140 = arith.constant 0 : i32
      %dma_wait3A_141 = tpu.memref_slice %arg8[%run_scoped3A_48, %dma_wait3A_139, %dma_wait3A_140] : memref<2x128x128xf32, #tpu.memory_space<vmem>> -> memref<1x128x128xf32, #tpu.memory_space<vmem>>
      %dma_wait3A_142 = tpu.memref_squeeze %dma_wait3A_141 : memref<1x128x128xf32, #tpu.memory_space<vmem>> -> memref<128x128xf32, #tpu.memory_space<vmem>>
      tpu.wait_dma2 semaphore(%run_scoped3A_118 : memref<!tpu.dma_semaphore, #tpu.memory_space<semaphore_mem>>) src(%dma_wait3A_142 : memref<128x128xf32, #tpu.memory_space<vmem>>) dst(%dma_wait3A_138 : memref<128x128xf32, #tpu.memory_space<vmem_shared>>)
      tpu.yield
    }) : () -> ()
    %add3A_49 = arith.constant 384 : i32
    %add3A_50 = arith.addi %mul3A_40, %add3A_49 : i32
    %run_scoped3A_51 = arith.constant 0 : i32
    "tpu.region"() ({
      %run_scoped3A_118 = tpu.sem_alloc : memref<!tpu.dma_semaphore, #tpu.memory_space<semaphore_mem>>
      %dma_start3A_119 = arith.constant 0 : i32
      %dma_start3A_120 = arith.constant 0 : i32
      %dma_start3A_121 = tpu.memref_slice %arg8[%run_scoped3A_51, %dma_start3A_119, %dma_start3A_120] : memref<2x128x128xf32, #tpu.memory_space<vmem>> -> memref<1x128x128xf32, #tpu.memory_space<vmem>>
      %dma_start3A_122 = tpu.memref_squeeze %dma_start3A_121 : memref<1x128x128xf32, #tpu.memory_space<vmem>> -> memref<128x128xf32, #tpu.memory_space<vmem>>
      %dma_start3A_123 = arith.constant 0 : i32
      %dma_start3A_124 = tpu.memref_slice %arg9[%add3A_50, %dma_start3A_123] : memref<10112x128xf32, #tpu.memory_space<vmem_shared>> -> memref<128x128xf32, #tpu.memory_space<vmem_shared>>
      %dma_start3A_125 = arith.constant 0 : i32
      %dma_start3A_126 = tpu.memref_slice %arg9[%add3A_50, %dma_start3A_125] : memref<10112x128xf32, #tpu.memory_space<vmem_shared>> -> memref<128x128xf32, #tpu.memory_space<vmem_shared>>
      %dma_start3A_127 = arith.constant 0 : i32
      %dma_start3A_128 = arith.constant 0 : i32
      %dma_start3A_129 = tpu.memref_slice %arg8[%run_scoped3A_51, %dma_start3A_127, %dma_start3A_128] : memref<2x128x128xf32, #tpu.memory_space<vmem>> -> memref<1x128x128xf32, #tpu.memory_space<vmem>>
      %dma_start3A_130 = tpu.memref_squeeze %dma_start3A_129 : memref<1x128x128xf32, #tpu.memory_space<vmem>> -> memref<128x128xf32, #tpu.memory_space<vmem>>
      tpu.enqueue_dma source(%dma_start3A_130 : memref<128x128xf32, #tpu.memory_space<vmem>>) target(%dma_start3A_126 : memref<128x128xf32, #tpu.memory_space<vmem_shared>>) target_semaphore(%run_scoped3A_118 : memref<!tpu.dma_semaphore, #tpu.memory_space<semaphore_mem>>)
      %dma_wait3A_131 = arith.constant 0 : i32
      %dma_wait3A_132 = arith.constant 0 : i32
      %dma_wait3A_133 = tpu.memref_slice %arg8[%run_scoped3A_51, %dma_wait3A_131, %dma_wait3A_132] : memref<2x128x128xf32, #tpu.memory_space<vmem>> -> memref<1x128x128xf32, #tpu.memory_space<vmem>>
      %dma_wait3A_134 = tpu.memref_squeeze %dma_wait3A_133 : memref<1x128x128xf32, #tpu.memory_space<vmem>> -> memref<128x128xf32, #tpu.memory_space<vmem>>
      %dma_wait3A_135 = arith.constant 0 : i32
      %dma_wait3A_136 = tpu.memref_slice %arg9[%add3A_50, %dma_wait3A_135] : memref<10112x128xf32, #tpu.memory_space<vmem_shared>> -> memref<128x128xf32, #tpu.memory_space<vmem_shared>>
      %dma_wait3A_137 = arith.constant 0 : i32
      %dma_wait3A_138 = tpu.memref_slice %arg9[%add3A_50, %dma_wait3A_137] : memref<10112x128xf32, #tpu.memory_space<vmem_shared>> -> memref<128x128xf32, #tpu.memory_space<vmem_shared>>
      %dma_wait3A_139 = arith.constant 0 : i32
      %dma_wait3A_140 = arith.constant 0 : i32
      %dma_wait3A_141 = tpu.memref_slice %arg8[%run_scoped3A_51, %dma_wait3A_139, %dma_wait3A_140] : memref<2x128x128xf32, #tpu.memory_space<vmem>> -> memref<1x128x128xf32, #tpu.memory_space<vmem>>
      %dma_wait3A_142 = tpu.memref_squeeze %dma_wait3A_141 : memref<1x128x128xf32, #tpu.memory_space<vmem>> -> memref<128x128xf32, #tpu.memory_space<vmem>>
      tpu.wait_dma2 semaphore(%run_scoped3A_118 : memref<!tpu.dma_semaphore, #tpu.memory_space<semaphore_mem>>) src(%dma_wait3A_142 : memref<128x128xf32, #tpu.memory_space<vmem>>) dst(%dma_wait3A_138 : memref<128x128xf32, #tpu.memory_space<vmem_shared>>)
      tpu.yield
    }) : () -> ()
    %add3A_52 = arith.constant 512 : i32
    %add3A_53 = arith.addi %mul3A_40, %add3A_52 : i32
    %run_scoped3A_54 = arith.constant 0 : i32
    "tpu.region"() ({
      %run_scoped3A_118 = tpu.sem_alloc : memref<!tpu.dma_semaphore, #tpu.memory_space<semaphore_mem>>
      %dma_start3A_119 = arith.constant 0 : i32
      %dma_start3A_120 = arith.constant 0 : i32
      %dma_start3A_121 = tpu.memref_slice %arg8[%run_scoped3A_54, %dma_start3A_119, %dma_start3A_120] : memref<2x128x128xf32, #tpu.memory_space<vmem>> -> memref<1x120x128xf32, #tpu.memory_space<vmem>>
      %dma_start3A_122 = tpu.memref_squeeze %dma_start3A_121 : memref<1x120x128xf32, #tpu.memory_space<vmem>> -> memref<120x128xf32, #tpu.memory_space<vmem>>
      %dma_start3A_123 = arith.constant 0 : i32
      %dma_start3A_124 = tpu.memref_slice %arg9[%add3A_53, %dma_start3A_123] : memref<10112x128xf32, #tpu.memory_space<vmem_shared>> -> memref<120x128xf32, #tpu.memory_space<vmem_shared>>
      %dma_start3A_125 = arith.constant 0 : i32
      %dma_start3A_126 = tpu.memref_slice %arg9[%add3A_53, %dma_start3A_125] : memref<10112x128xf32, #tpu.memory_space<vmem_shared>> -> memref<120x128xf32, #tpu.memory_space<vmem_shared>>
      %dma_start3A_127 = arith.constant 0 : i32
      %dma_start3A_128 = arith.constant 0 : i32
      %dma_start3A_129 = tpu.memref_slice %arg8[%run_scoped3A_54, %dma_start3A_127, %dma_start3A_128] : memref<2x128x128xf32, #tpu.memory_space<vmem>> -> memref<1x120x128xf32, #tpu.memory_space<vmem>>
      %dma_start3A_130 = tpu.memref_squeeze %dma_start3A_129 : memref<1x120x128xf32, #tpu.memory_space<vmem>> -> memref<120x128xf32, #tpu.memory_space<vmem>>
      tpu.enqueue_dma source(%dma_start3A_130 : memref<120x128xf32, #tpu.memory_space<vmem>>) target(%dma_start3A_126 : memref<120x128xf32, #tpu.memory_space<vmem_shared>>) target_semaphore(%run_scoped3A_118 : memref<!tpu.dma_semaphore, #tpu.memory_space<semaphore_mem>>)
      %dma_wait3A_131 = arith.constant 0 : i32
      %dma_wait3A_132 = arith.constant 0 : i32
      %dma_wait3A_133 = tpu.memref_slice %arg8[%run_scoped3A_54, %dma_wait3A_131, %dma_wait3A_132] : memref<2x128x128xf32, #tpu.memory_space<vmem>> -> memref<1x120x128xf32, #tpu.memory_space<vmem>>
      %dma_wait3A_134 = tpu.memref_squeeze %dma_wait3A_133 : memref<1x120x128xf32, #tpu.memory_space<vmem>> -> memref<120x128xf32, #tpu.memory_space<vmem>>
      %dma_wait3A_135 = arith.constant 0 : i32
      %dma_wait3A_136 = tpu.memref_slice %arg9[%add3A_53, %dma_wait3A_135] : memref<10112x128xf32, #tpu.memory_space<vmem_shared>> -> memref<120x128xf32, #tpu.memory_space<vmem_shared>>
      %dma_wait3A_137 = arith.constant 0 : i32
      %dma_wait3A_138 = tpu.memref_slice %arg9[%add3A_53, %dma_wait3A_137] : memref<10112x128xf32, #tpu.memory_space<vmem_shared>> -> memref<120x128xf32, #tpu.memory_space<vmem_shared>>
      %dma_wait3A_139 = arith.constant 0 : i32
      %dma_wait3A_140 = arith.constant 0 : i32
      %dma_wait3A_141 = tpu.memref_slice %arg8[%run_scoped3A_54, %dma_wait3A_139, %dma_wait3A_140] : memref<2x128x128xf32, #tpu.memory_space<vmem>> -> memref<1x120x128xf32, #tpu.memory_space<vmem>>
      %dma_wait3A_142 = tpu.memref_squeeze %dma_wait3A_141 : memref<1x120x128xf32, #tpu.memory_space<vmem>> -> memref<120x128xf32, #tpu.memory_space<vmem>>
      tpu.wait_dma2 semaphore(%run_scoped3A_118 : memref<!tpu.dma_semaphore, #tpu.memory_space<semaphore_mem>>) src(%dma_wait3A_142 : memref<120x128xf32, #tpu.memory_space<vmem>>) dst(%dma_wait3A_138 : memref<120x128xf32, #tpu.memory_space<vmem_shared>>)
      tpu.yield
    }) : () -> ()
    %dma_wait3A = arith.constant 0 : i32
    %dma_wait3A_55 = arith.constant 0 : i32
    %dma_wait3A_56 = arith.constant 0 : i32
    %dma_wait3A_57 = tpu.memref_slice %arg6[%dma_wait3A, %dma_wait3A_55, %dma_wait3A_56] : memref<2x2x128xi32, #tpu.memory_space<vmem>> -> memref<1x2x128xi32, #tpu.memory_space<vmem>>
    %dma_wait3A_58 = tpu.memref_squeeze %dma_wait3A_57 : memref<1x2x128xi32, #tpu.memory_space<vmem>> -> memref<2x128xi32, #tpu.memory_space<vmem>>
    %dma_wait3A_59 = arith.constant 0 : i32
    %dma_wait3A_60 = arith.constant 0 : i32
    %dma_wait3A_61 = tpu.memref_slice %arg3[%dma_wait3A_59, %dma_wait3A_60] : memref<2560x128xi32, #tpu.memory_space<hbm>> -> memref<2x128xi32, #tpu.memory_space<hbm>>
    %dma_wait3A_62 = arith.constant 0 : i32
    %dma_wait3A_63 = arith.constant 0 : i32
    %dma_wait3A_64 = tpu.memref_slice %arg6[%dma_wait3A, %dma_wait3A_62, %dma_wait3A_63] : memref<2x2x128xi32, #tpu.memory_space<vmem>> -> memref<1x2x128xi32, #tpu.memory_space<vmem>>
    %dma_wait3A_65 = tpu.memref_squeeze %dma_wait3A_64 : memref<1x2x128xi32, #tpu.memory_space<vmem>> -> memref<2x128xi32, #tpu.memory_space<vmem>>
    %dma_wait3A_66 = arith.constant 0 : i32
    %dma_wait3A_67 = arith.constant 0 : i32
    %dma_wait3A_68 = tpu.memref_slice %arg3[%dma_wait3A_66, %dma_wait3A_67] : memref<2560x128xi32, #tpu.memory_space<hbm>> -> memref<2x128xi32, #tpu.memory_space<hbm>>
    tpu.wait_dma2 semaphore(%arg10 : memref<!tpu.dma_semaphore, #tpu.memory_space<semaphore_mem>>) src(%dma_wait3A_68 : memref<2x128xi32, #tpu.memory_space<hbm>>) dst(%dma_wait3A_65 : memref<2x128xi32, #tpu.memory_space<vmem>>)
    %dma_wait3A_69 = arith.constant 0 : i32
    %dma_wait3A_70 = arith.constant 0 : i32
    %dma_wait3A_71 = arith.constant 0 : i32
    %dma_wait3A_72 = tpu.memref_slice %arg7[%dma_wait3A_69, %dma_wait3A_70, %dma_wait3A_71] : memref<2x2x128xi32, #tpu.memory_space<vmem>> -> memref<1x2x128xi32, #tpu.memory_space<vmem>>
    %dma_wait3A_73 = tpu.memref_squeeze %dma_wait3A_72 : memref<1x2x128xi32, #tpu.memory_space<vmem>> -> memref<2x128xi32, #tpu.memory_space<vmem>>
    %dma_wait3A_74 = arith.constant 0 : i32
    %dma_wait3A_75 = arith.constant 0 : i32
    %dma_wait3A_76 = tpu.memref_slice %arg4[%dma_wait3A_74, %dma_wait3A_75] : memref<2560x128xi32, #tpu.memory_space<hbm>> -> memref<2x128xi32, #tpu.memory_space<hbm>>
    %dma_wait3A_77 = arith.constant 0 : i32
    %dma_wait3A_78 = arith.constant 0 : i32
    %dma_wait3A_79 = tpu.memref_slice %arg7[%dma_wait3A_69, %dma_wait3A_77, %dma_wait3A_78] : memref<2x2x128xi32, #tpu.memory_space<vmem>> -> memref<1x2x128xi32, #tpu.memory_space<vmem>>
    %dma_wait3A_80 = tpu.memref_squeeze %dma_wait3A_79 : memref<1x2x128xi32, #tpu.memory_space<vmem>> -> memref<2x128xi32, #tpu.memory_space<vmem>>
    %dma_wait3A_81 = arith.constant 0 : i32
    %dma_wait3A_82 = arith.constant 0 : i32
    %dma_wait3A_83 = tpu.memref_slice %arg4[%dma_wait3A_81, %dma_wait3A_82] : memref<2560x128xi32, #tpu.memory_space<hbm>> -> memref<2x128xi32, #tpu.memory_space<hbm>>
    tpu.wait_dma2 semaphore(%arg10 : memref<!tpu.dma_semaphore, #tpu.memory_space<semaphore_mem>>) src(%dma_wait3A_83 : memref<2x128xi32, #tpu.memory_space<hbm>>) dst(%dma_wait3A_80 : memref<2x128xi32, #tpu.memory_space<vmem>>)
    %barrier3A = arith.constant 0 : index
    tpu.barrier barrier_id(%barrier3A)
    %dma_start3A_84 = arith.constant 0 : i32
    %dma_start3A_85 = arith.constant 0 : i32
    %dma_start3A_86 = arith.constant 0 : i32
    %dma_start3A_87 = arith.constant 0 : i32
    %dma_start3A_88 = arith.constant 0 : i32
    %dma_start3A_89 = tpu.memref_slice %arg8[%dma_start3A_86, %dma_start3A_87, %dma_start3A_88] : memref<2x128x128xf32, #tpu.memory_space<vmem>> -> memref<1x128x128xf32, #tpu.memory_space<vmem>>
    %dma_start3A_90 = tpu.memref_squeeze %dma_start3A_89 : memref<1x128x128xf32, #tpu.memory_space<vmem>> -> memref<128x128xf32, #tpu.memory_space<vmem>>
    %dma_start3A_91 = arith.constant 0 : i32
    %dma_start3A_92 = tpu.memref_slice %arg6[%dma_start3A_84, %dma_start3A_85, %dma_start3A_91] : memref<2x2x128xi32, #tpu.memory_space<vmem>> -> memref<1x1x128xi32, #tpu.memory_space<vmem>>
    %dma_start3A_93 = tpu.memref_squeeze %dma_start3A_92 : memref<1x1x128xi32, #tpu.memory_space<vmem>> -> memref<128xi32, #tpu.memory_space<vmem>>
    %dma_start3A_94 = arith.constant 0 : i32
    %dma_start3A_95 = arith.constant 0 : i32
    %dma_start3A_96 = tpu.memref_slice %arg2[%dma_start3A_94, %dma_start3A_95] : memref<10000x128xf32, #tpu.memory_space<hbm>> -> memref<10000x128xf32, #tpu.memory_space<hbm>>
    tpu.enqueue_indirect_dma source(%dma_start3A_96 : memref<10000x128xf32, #tpu.memory_space<hbm>>) target(%dma_start3A_90 : memref<128x128xf32, #tpu.memory_space<vmem>>) offsets(%dma_start3A_93 : memref<128xi32, #tpu.memory_space<vmem>>) semaphore(%arg11 : memref<!tpu.dma_semaphore, #tpu.memory_space<semaphore_mem>>)
    %dma_start3A_97 = arith.constant 0 : i32
    %dma_start3A_98 = arith.constant 1 : i32
    %dma_start3A_99 = arith.constant 1 : i32
    %dma_start3A_100 = arith.constant 0 : i32
    %dma_start3A_101 = arith.constant 0 : i32
    %dma_start3A_102 = tpu.memref_slice %arg8[%dma_start3A_99, %dma_start3A_100, %dma_start3A_101] : memref<2x128x128xf32, #tpu.memory_space<vmem>> -> memref<1x128x128xf32, #tpu.memory_space<vmem>>
    %dma_start3A_103 = tpu.memref_squeeze %dma_start3A_102 : memref<1x128x128xf32, #tpu.memory_space<vmem>> -> memref<128x128xf32, #tpu.memory_space<vmem>>
    %dma_start3A_104 = arith.constant 0 : i32
    %dma_start3A_105 = tpu.memref_slice %arg6[%dma_start3A_97, %dma_start3A_98, %dma_start3A_104] : memref<2x2x128xi32, #tpu.memory_space<vmem>> -> memref<1x1x128xi32, #tpu.memory_space<vmem>>
    %dma_start3A_106 = tpu.memref_squeeze %dma_start3A_105 : memref<1x1x128xi32, #tpu.memory_space<vmem>> -> memref<128xi32, #tpu.memory_space<vmem>>
    %dma_start3A_107 = arith.constant 0 : i32
    %dma_start3A_108 = arith.constant 0 : i32
    %dma_start3A_109 = tpu.memref_slice %arg2[%dma_start3A_107, %dma_start3A_108] : memref<10000x128xf32, #tpu.memory_space<hbm>> -> memref<10000x128xf32, #tpu.memory_space<hbm>>
    tpu.enqueue_indirect_dma source(%dma_start3A_109 : memref<10000x128xf32, #tpu.memory_space<hbm>>) target(%dma_start3A_103 : memref<128x128xf32, #tpu.memory_space<vmem>>) offsets(%dma_start3A_106 : memref<128xi32, #tpu.memory_space<vmem>>) semaphore(%arg12 : memref<!tpu.dma_semaphore, #tpu.memory_space<semaphore_mem>>)
    %scan3A_110 = arith.constant 0 : i32
    %scan3A_111 = arith.constant 0 : i32
    %scan3A_112 = arith.constant 40 : i32
    %scan3A_113 = arith.addi %scan3A_111, %scan3A_112 : i32
    %scan3A_114 = arith.constant 1 : i32
    %scan3A_115 = scf.for %scan3A_118 = %scan3A_111 to %scan3A_113 step %scan3A_114 iter_args(%scan3A_119 = %scan3A_110) -> (i32)  : i32 {
      %rem3A = arith.constant 2 : i32
      %rem3A_120 = arith.remsi %scan3A_118, %rem3A : i32
      %sub3A = arith.constant 1 : i32
      %sub3A_121 = arith.subi %sub3A, %rem3A_120 : i32
      %add3A_122 = arith.constant 1 : i32
      %add3A_123 = arith.addi %scan3A_118, %add3A_122 : i32
      %lt3A = arith.constant 40 : i32
      %lt3A_124 = arith.cmpi slt, %add3A_123, %lt3A : i32
      %convert_element_type3A = arith.extui %lt3A_124 : i1 to i32
      %cond3A = arith.constant 0 : i32
      %cond3A_125 = arith.cmpi ne, %convert_element_type3A, %cond3A : i32
      scf.if %cond3A_125 {
        %add3A_163 = arith.constant 1 : i32
        %add3A_164 = arith.addi %scan3A_118, %add3A_163 : i32
        %mul3A_165 = arith.constant 2 : i32
        %mul3A_166 = arith.muli %add3A_164, %mul3A_165 : i32
        %add3A_167 = arith.addi %mul3A_2, %mul3A_166 : i32
        %dma_start3A_168 = arith.constant 0 : i32
        %dma_start3A_169 = arith.constant 0 : i32
        %dma_start3A_170 = tpu.memref_slice %arg6[%sub3A_121, %dma_start3A_168, %dma_start3A_169] : memref<2x2x128xi32, #tpu.memory_space<vmem>> -> memref<1x2x128xi32, #tpu.memory_space<vmem>>
        %dma_start3A_171 = tpu.memref_squeeze %dma_start3A_170 : memref<1x2x128xi32, #tpu.memory_space<vmem>> -> memref<2x128xi32, #tpu.memory_space<vmem>>
        %dma_start3A_172 = arith.constant 0 : i32
        %dma_start3A_173 = tpu.memref_slice %arg3[%add3A_167, %dma_start3A_172] : memref<2560x128xi32, #tpu.memory_space<hbm>> -> memref<2x128xi32, #tpu.memory_space<hbm>>
        %dma_start3A_174 = arith.constant 0 : i32
        %dma_start3A_175 = arith.constant 0 : i32
        %dma_start3A_176 = tpu.memref_slice %arg6[%sub3A_121, %dma_start3A_174, %dma_start3A_175] : memref<2x2x128xi32, #tpu.memory_space<vmem>> -> memref<1x2x128xi32, #tpu.memory_space<vmem>>
        %dma_start3A_177 = tpu.memref_squeeze %dma_start3A_176 : memref<1x2x128xi32, #tpu.memory_space<vmem>> -> memref<2x128xi32, #tpu.memory_space<vmem>>
        %dma_start3A_178 = arith.constant 0 : i32
        %dma_start3A_179 = tpu.memref_slice %arg3[%add3A_167, %dma_start3A_178] : memref<2560x128xi32, #tpu.memory_space<hbm>> -> memref<2x128xi32, #tpu.memory_space<hbm>>
        tpu.enqueue_dma source(%dma_start3A_179 : memref<2x128xi32, #tpu.memory_space<hbm>>) target(%dma_start3A_177 : memref<2x128xi32, #tpu.memory_space<vmem>>) target_semaphore(%arg10 : memref<!tpu.dma_semaphore, #tpu.memory_space<semaphore_mem>>)
        %mul3A_180 = arith.constant 2 : i32
        %mul3A_181 = arith.muli %add3A_164, %mul3A_180 : i32
        %add3A_182 = arith.addi %mul3A_2, %mul3A_181 : i32
        %dma_start3A_183 = arith.constant 0 : i32
        %dma_start3A_184 = arith.constant 0 : i32
        %dma_start3A_185 = tpu.memref_slice %arg7[%sub3A_121, %dma_start3A_183, %dma_start3A_184] : memref<2x2x128xi32, #tpu.memory_space<vmem>> -> memref<1x2x128xi32, #tpu.memory_space<vmem>>
        %dma_start3A_186 = tpu.memref_squeeze %dma_start3A_185 : memref<1x2x128xi32, #tpu.memory_space<vmem>> -> memref<2x128xi32, #tpu.memory_space<vmem>>
        %dma_start3A_187 = arith.constant 0 : i32
        %dma_start3A_188 = tpu.memref_slice %arg4[%add3A_182, %dma_start3A_187] : memref<2560x128xi32, #tpu.memory_space<hbm>> -> memref<2x128xi32, #tpu.memory_space<hbm>>
        %dma_start3A_189 = arith.constant 0 : i32
        %dma_start3A_190 = arith.constant 0 : i32
        %dma_start3A_191 = tpu.memref_slice %arg7[%sub3A_121, %dma_start3A_189, %dma_start3A_190] : memref<2x2x128xi32, #tpu.memory_space<vmem>> -> memref<1x2x128xi32, #tpu.memory_space<vmem>>
        %dma_start3A_192 = tpu.memref_squeeze %dma_start3A_191 : memref<1x2x128xi32, #tpu.memory_space<vmem>> -> memref<2x128xi32, #tpu.memory_space<vmem>>
        %dma_start3A_193 = arith.constant 0 : i32
        %dma_start3A_194 = tpu.memref_slice %arg4[%add3A_182, %dma_start3A_193] : memref<2560x128xi32, #tpu.memory_space<hbm>> -> memref<2x128xi32, #tpu.memory_space<hbm>>
        tpu.enqueue_dma source(%dma_start3A_194 : memref<2x128xi32, #tpu.memory_space<hbm>>) target(%dma_start3A_192 : memref<2x128xi32, #tpu.memory_space<vmem>>) target_semaphore(%arg10 : memref<!tpu.dma_semaphore, #tpu.memory_space<semaphore_mem>>)
      } else {
      }
      %dma_wait3A_126 = arith.constant 0 : i32
      %dma_wait3A_127 = arith.constant 0 : i32
      %dma_wait3A_128 = arith.constant 0 : i32
      %dma_wait3A_129 = arith.constant 0 : i32
      %dma_wait3A_130 = arith.constant 0 : i32
      %dma_wait3A_131 = tpu.memref_slice %arg8[%dma_wait3A_128, %dma_wait3A_129, %dma_wait3A_130] : memref<2x128x128xf32, #tpu.memory_space<vmem>> -> memref<1x128x128xf32, #tpu.memory_space<vmem>>
      %dma_wait3A_132 = tpu.memref_squeeze %dma_wait3A_131 : memref<1x128x128xf32, #tpu.memory_space<vmem>> -> memref<128x128xf32, #tpu.memory_space<vmem>>
      %dma_wait3A_133 = arith.constant 0 : i32
      %dma_wait3A_134 = tpu.memref_slice %arg6[%dma_wait3A_126, %dma_wait3A_127, %dma_wait3A_133] : memref<2x2x128xi32, #tpu.memory_space<vmem>> -> memref<1x1x128xi32, #tpu.memory_space<vmem>>
      %dma_wait3A_135 = tpu.memref_squeeze %dma_wait3A_134 : memref<1x1x128xi32, #tpu.memory_space<vmem>> -> memref<128xi32, #tpu.memory_space<vmem>>
      %dma_wait3A_136 = arith.constant 0 : i32
      %dma_wait3A_137 = arith.constant 0 : i32
      %dma_wait3A_138 = tpu.memref_slice %arg2[%dma_wait3A_136, %dma_wait3A_137] : memref<10000x128xf32, #tpu.memory_space<hbm>> -> memref<10000x128xf32, #tpu.memory_space<hbm>>
      tpu.wait_indirect_dma semaphore(%arg11 : memref<!tpu.dma_semaphore, #tpu.memory_space<semaphore_mem>>) src(%dma_wait3A_138 : memref<10000x128xf32, #tpu.memory_space<hbm>>) dst(%dma_wait3A_132 : memref<128x128xf32, #tpu.memory_space<vmem>>)
      %run_scoped3A_139 = arith.constant 0 : i32
      %run_scoped3A_140 = arith.constant 0 : i32
      "tpu.region"() ({
        %run_scoped3A_163 = tpu.sem_alloc : memref<!tpu.dma_semaphore, #tpu.memory_space<semaphore_mem>>
        %dma_start3A_164 = arith.constant 0 : i32
        %dma_start3A_165 = arith.constant 0 : i32
        %dma_start3A_166 = tpu.memref_slice %arg8[%run_scoped3A_139, %dma_start3A_164, %dma_start3A_165] : memref<2x128x128xf32, #tpu.memory_space<vmem>> -> memref<1x128x128xf32, #tpu.memory_space<vmem>>
        %dma_start3A_167 = tpu.memref_squeeze %dma_start3A_166 : memref<1x128x128xf32, #tpu.memory_space<vmem>> -> memref<128x128xf32, #tpu.memory_space<vmem>>
        %dma_start3A_168 = arith.constant 0 : i32
        %dma_start3A_169 = tpu.memref_slice %arg7[%rem3A_120, %run_scoped3A_140, %dma_start3A_168] : memref<2x2x128xi32, #tpu.memory_space<vmem>> -> memref<1x1x128xi32, #tpu.memory_space<vmem>>
        %dma_start3A_170 = tpu.memref_squeeze %dma_start3A_169 : memref<1x1x128xi32, #tpu.memory_space<vmem>> -> memref<128xi32, #tpu.memory_space<vmem>>
        %dma_start3A_171 = arith.constant 0 : i32
        %dma_start3A_172 = arith.constant 0 : i32
        %dma_start3A_173 = tpu.memref_slice %arg9[%dma_start3A_171, %dma_start3A_172] : memref<10112x128xf32, #tpu.memory_space<vmem_shared>> -> memref<10112x128xf32, #tpu.memory_space<vmem_shared>>
        tpu.enqueue_indirect_dma source(%dma_start3A_167 : memref<128x128xf32, #tpu.memory_space<vmem>>) target(%dma_start3A_173 : memref<10112x128xf32, #tpu.memory_space<vmem_shared>>) offsets(%dma_start3A_170 : memref<128xi32, #tpu.memory_space<vmem>>) semaphore(%run_scoped3A_163 : memref<!tpu.dma_semaphore, #tpu.memory_space<semaphore_mem>>) {add = true}
        %dma_wait3A_174 = arith.constant 0 : i32
        %dma_wait3A_175 = arith.constant 0 : i32
        %dma_wait3A_176 = tpu.memref_slice %arg8[%run_scoped3A_139, %dma_wait3A_174, %dma_wait3A_175] : memref<2x128x128xf32, #tpu.memory_space<vmem>> -> memref<1x128x128xf32, #tpu.memory_space<vmem>>
        %dma_wait3A_177 = tpu.memref_squeeze %dma_wait3A_176 : memref<1x128x128xf32, #tpu.memory_space<vmem>> -> memref<128x128xf32, #tpu.memory_space<vmem>>
        %dma_wait3A_178 = arith.constant 0 : i32
        %dma_wait3A_179 = tpu.memref_slice %arg7[%rem3A_120, %run_scoped3A_140, %dma_wait3A_178] : memref<2x2x128xi32, #tpu.memory_space<vmem>> -> memref<1x1x128xi32, #tpu.memory_space<vmem>>
        %dma_wait3A_180 = tpu.memref_squeeze %dma_wait3A_179 : memref<1x1x128xi32, #tpu.memory_space<vmem>> -> memref<128xi32, #tpu.memory_space<vmem>>
        %dma_wait3A_181 = arith.constant 0 : i32
        %dma_wait3A_182 = arith.constant 0 : i32
        %dma_wait3A_183 = tpu.memref_slice %arg9[%dma_wait3A_181, %dma_wait3A_182] : memref<10112x128xf32, #tpu.memory_space<vmem_shared>> -> memref<10112x128xf32, #tpu.memory_space<vmem_shared>>
        tpu.wait_indirect_dma semaphore(%run_scoped3A_163 : memref<!tpu.dma_semaphore, #tpu.memory_space<semaphore_mem>>) src(%dma_wait3A_177 : memref<128x128xf32, #tpu.memory_space<vmem>>) dst(%dma_wait3A_183 : memref<10112x128xf32, #tpu.memory_space<vmem_shared>>)
        tpu.yield
      }) : () -> ()
      %convert_element_type3A_141 = arith.extui %lt3A_124 : i1 to i32
      %cond3A_142 = arith.constant 0 : i32
      %cond3A_143 = arith.cmpi ne, %convert_element_type3A_141, %cond3A_142 : i32
      scf.if %cond3A_143 {
        %dma_wait3A_163 = arith.constant 0 : i32
        %dma_wait3A_164 = arith.constant 0 : i32
        %dma_wait3A_165 = arith.constant 0 : i32
        %dma_wait3A_166 = tpu.memref_slice %arg6[%dma_wait3A_163, %dma_wait3A_164, %dma_wait3A_165] : memref<2x2x128xi32, #tpu.memory_space<vmem>> -> memref<1x2x128xi32, #tpu.memory_space<vmem>>
        %dma_wait3A_167 = tpu.memref_squeeze %dma_wait3A_166 : memref<1x2x128xi32, #tpu.memory_space<vmem>> -> memref<2x128xi32, #tpu.memory_space<vmem>>
        %dma_wait3A_168 = arith.constant 0 : i32
        %dma_wait3A_169 = arith.constant 0 : i32
        %dma_wait3A_170 = tpu.memref_slice %arg3[%dma_wait3A_168, %dma_wait3A_169] : memref<2560x128xi32, #tpu.memory_space<hbm>> -> memref<2x128xi32, #tpu.memory_space<hbm>>
        %dma_wait3A_171 = arith.constant 0 : i32
        %dma_wait3A_172 = arith.constant 0 : i32
        %dma_wait3A_173 = tpu.memref_slice %arg6[%dma_wait3A_163, %dma_wait3A_171, %dma_wait3A_172] : memref<2x2x128xi32, #tpu.memory_space<vmem>> -> memref<1x2x128xi32, #tpu.memory_space<vmem>>
        %dma_wait3A_174 = tpu.memref_squeeze %dma_wait3A_173 : memref<1x2x128xi32, #tpu.memory_space<vmem>> -> memref<2x128xi32, #tpu.memory_space<vmem>>
        %dma_wait3A_175 = arith.constant 0 : i32
        %dma_wait3A_176 = arith.constant 0 : i32
        %dma_wait3A_177 = tpu.memref_slice %arg3[%dma_wait3A_175, %dma_wait3A_176] : memref<2560x128xi32, #tpu.memory_space<hbm>> -> memref<2x128xi32, #tpu.memory_space<hbm>>
        tpu.wait_dma2 semaphore(%arg10 : memref<!tpu.dma_semaphore, #tpu.memory_space<semaphore_mem>>) src(%dma_wait3A_177 : memref<2x128xi32, #tpu.memory_space<hbm>>) dst(%dma_wait3A_174 : memref<2x128xi32, #tpu.memory_space<vmem>>)
        %dma_wait3A_178 = arith.constant 0 : i32
        %dma_wait3A_179 = arith.constant 0 : i32
        %dma_wait3A_180 = arith.constant 0 : i32
        %dma_wait3A_181 = tpu.memref_slice %arg7[%dma_wait3A_178, %dma_wait3A_179, %dma_wait3A_180] : memref<2x2x128xi32, #tpu.memory_space<vmem>> -> memref<1x2x128xi32, #tpu.memory_space<vmem>>
        %dma_wait3A_182 = tpu.memref_squeeze %dma_wait3A_181 : memref<1x2x128xi32, #tpu.memory_space<vmem>> -> memref<2x128xi32, #tpu.memory_space<vmem>>
        %dma_wait3A_183 = arith.constant 0 : i32
        %dma_wait3A_184 = arith.constant 0 : i32
        %dma_wait3A_185 = tpu.memref_slice %arg4[%dma_wait3A_183, %dma_wait3A_184] : memref<2560x128xi32, #tpu.memory_space<hbm>> -> memref<2x128xi32, #tpu.memory_space<hbm>>
        %dma_wait3A_186 = arith.constant 0 : i32
        %dma_wait3A_187 = arith.constant 0 : i32
        %dma_wait3A_188 = tpu.memref_slice %arg7[%dma_wait3A_178, %dma_wait3A_186, %dma_wait3A_187] : memref<2x2x128xi32, #tpu.memory_space<vmem>> -> memref<1x2x128xi32, #tpu.memory_space<vmem>>
        %dma_wait3A_189 = tpu.memref_squeeze %dma_wait3A_188 : memref<1x2x128xi32, #tpu.memory_space<vmem>> -> memref<2x128xi32, #tpu.memory_space<vmem>>
        %dma_wait3A_190 = arith.constant 0 : i32
        %dma_wait3A_191 = arith.constant 0 : i32
        %dma_wait3A_192 = tpu.memref_slice %arg4[%dma_wait3A_190, %dma_wait3A_191] : memref<2560x128xi32, #tpu.memory_space<hbm>> -> memref<2x128xi32, #tpu.memory_space<hbm>>
        tpu.wait_dma2 semaphore(%arg10 : memref<!tpu.dma_semaphore, #tpu.memory_space<semaphore_mem>>) src(%dma_wait3A_192 : memref<2x128xi32, #tpu.memory_space<hbm>>) dst(%dma_wait3A_189 : memref<2x128xi32, #tpu.memory_space<vmem>>)
        %dma_start3A_193 = arith.constant 0 : i32
        %dma_start3A_194 = arith.constant 0 : i32
        %dma_start3A_195 = arith.constant 0 : i32
        %dma_start3A_196 = arith.constant 0 : i32
        %dma_start3A_197 = tpu.memref_slice %arg8[%dma_start3A_194, %dma_start3A_195, %dma_start3A_196] : memref<2x128x128xf32, #tpu.memory_space<vmem>> -> memref<1x128x128xf32, #tpu.memory_space<vmem>>
        %dma_start3A_198 = tpu.memref_squeeze %dma_start3A_197 : memref<1x128x128xf32, #tpu.memory_space<vmem>> -> memref<128x128xf32, #tpu.memory_space<vmem>>
        %dma_start3A_199 = arith.constant 0 : i32
        %dma_start3A_200 = tpu.memref_slice %arg6[%sub3A_121, %dma_start3A_193, %dma_start3A_199] : memref<2x2x128xi32, #tpu.memory_space<vmem>> -> memref<1x1x128xi32, #tpu.memory_space<vmem>>
        %dma_start3A_201 = tpu.memref_squeeze %dma_start3A_200 : memref<1x1x128xi32, #tpu.memory_space<vmem>> -> memref<128xi32, #tpu.memory_space<vmem>>
        %dma_start3A_202 = arith.constant 0 : i32
        %dma_start3A_203 = arith.constant 0 : i32
        %dma_start3A_204 = tpu.memref_slice %arg2[%dma_start3A_202, %dma_start3A_203] : memref<10000x128xf32, #tpu.memory_space<hbm>> -> memref<10000x128xf32, #tpu.memory_space<hbm>>
        tpu.enqueue_indirect_dma source(%dma_start3A_204 : memref<10000x128xf32, #tpu.memory_space<hbm>>) target(%dma_start3A_198 : memref<128x128xf32, #tpu.memory_space<vmem>>) offsets(%dma_start3A_201 : memref<128xi32, #tpu.memory_space<vmem>>) semaphore(%arg11 : memref<!tpu.dma_semaphore, #tpu.memory_space<semaphore_mem>>)
      } else {
      }
      %dma_wait3A_144 = arith.constant 0 : i32
      %dma_wait3A_145 = arith.constant 0 : i32
      %dma_wait3A_146 = arith.constant 1 : i32
      %dma_wait3A_147 = arith.constant 0 : i32
      %dma_wait3A_148 = arith.constant 0 : i32
      %dma_wait3A_149 = tpu.memref_slice %arg8[%dma_wait3A_146, %dma_wait3A_147, %dma_wait3A_148] : memref<2x128x128xf32, #tpu.memory_space<vmem>> -> memref<1x128x128xf32, #tpu.memory_space<vmem>>
      %dma_wait3A_150 = tpu.memref_squeeze %dma_wait3A_149 : memref<1x128x128xf32, #tpu.memory_space<vmem>> -> memref<128x128xf32, #tpu.memory_space<vmem>>
      %dma_wait3A_151 = arith.constant 0 : i32
      %dma_wait3A_152 = tpu.memref_slice %arg6[%dma_wait3A_144, %dma_wait3A_145, %dma_wait3A_151] : memref<2x2x128xi32, #tpu.memory_space<vmem>> -> memref<1x1x128xi32, #tpu.memory_space<vmem>>
      %dma_wait3A_153 = tpu.memref_squeeze %dma_wait3A_152 : memref<1x1x128xi32, #tpu.memory_space<vmem>> -> memref<128xi32, #tpu.memory_space<vmem>>
      %dma_wait3A_154 = arith.constant 0 : i32
      %dma_wait3A_155 = arith.constant 0 : i32
      %dma_wait3A_156 = tpu.memref_slice %arg2[%dma_wait3A_154, %dma_wait3A_155] : memref<10000x128xf32, #tpu.memory_space<hbm>> -> memref<10000x128xf32, #tpu.memory_space<hbm>>
      tpu.wait_indirect_dma semaphore(%arg12 : memref<!tpu.dma_semaphore, #tpu.memory_space<semaphore_mem>>) src(%dma_wait3A_156 : memref<10000x128xf32, #tpu.memory_space<hbm>>) dst(%dma_wait3A_150 : memref<128x128xf32, #tpu.memory_space<vmem>>)
      %run_scoped3A_157 = arith.constant 1 : i32
      %run_scoped3A_158 = arith.constant 1 : i32
      "tpu.region"() ({
        %run_scoped3A_163 = tpu.sem_alloc : memref<!tpu.dma_semaphore, #tpu.memory_space<semaphore_mem>>
        %dma_start3A_164 = arith.constant 0 : i32
        %dma_start3A_165 = arith.constant 0 : i32
        %dma_start3A_166 = tpu.memref_slice %arg8[%run_scoped3A_157, %dma_start3A_164, %dma_start3A_165] : memref<2x128x128xf32, #tpu.memory_space<vmem>> -> memref<1x128x128xf32, #tpu.memory_space<vmem>>
        %dma_start3A_167 = tpu.memref_squeeze %dma_start3A_166 : memref<1x128x128xf32, #tpu.memory_space<vmem>> -> memref<128x128xf32, #tpu.memory_space<vmem>>
        %dma_start3A_168 = arith.constant 0 : i32
        %dma_start3A_169 = tpu.memref_slice %arg7[%rem3A_120, %run_scoped3A_158, %dma_start3A_168] : memref<2x2x128xi32, #tpu.memory_space<vmem>> -> memref<1x1x128xi32, #tpu.memory_space<vmem>>
        %dma_start3A_170 = tpu.memref_squeeze %dma_start3A_169 : memref<1x1x128xi32, #tpu.memory_space<vmem>> -> memref<128xi32, #tpu.memory_space<vmem>>
        %dma_start3A_171 = arith.constant 0 : i32
        %dma_start3A_172 = arith.constant 0 : i32
        %dma_start3A_173 = tpu.memref_slice %arg9[%dma_start3A_171, %dma_start3A_172] : memref<10112x128xf32, #tpu.memory_space<vmem_shared>> -> memref<10112x128xf32, #tpu.memory_space<vmem_shared>>
        tpu.enqueue_indirect_dma source(%dma_start3A_167 : memref<128x128xf32, #tpu.memory_space<vmem>>) target(%dma_start3A_173 : memref<10112x128xf32, #tpu.memory_space<vmem_shared>>) offsets(%dma_start3A_170 : memref<128xi32, #tpu.memory_space<vmem>>) semaphore(%run_scoped3A_163 : memref<!tpu.dma_semaphore, #tpu.memory_space<semaphore_mem>>) {add = true}
        %dma_wait3A_174 = arith.constant 0 : i32
        %dma_wait3A_175 = arith.constant 0 : i32
        %dma_wait3A_176 = tpu.memref_slice %arg8[%run_scoped3A_157, %dma_wait3A_174, %dma_wait3A_175] : memref<2x128x128xf32, #tpu.memory_space<vmem>> -> memref<1x128x128xf32, #tpu.memory_space<vmem>>
        %dma_wait3A_177 = tpu.memref_squeeze %dma_wait3A_176 : memref<1x128x128xf32, #tpu.memory_space<vmem>> -> memref<128x128xf32, #tpu.memory_space<vmem>>
        %dma_wait3A_178 = arith.constant 0 : i32
        %dma_wait3A_179 = tpu.memref_slice %arg7[%rem3A_120, %run_scoped3A_158, %dma_wait3A_178] : memref<2x2x128xi32, #tpu.memory_space<vmem>> -> memref<1x1x128xi32, #tpu.memory_space<vmem>>
        %dma_wait3A_180 = tpu.memref_squeeze %dma_wait3A_179 : memref<1x1x128xi32, #tpu.memory_space<vmem>> -> memref<128xi32, #tpu.memory_space<vmem>>
        %dma_wait3A_181 = arith.constant 0 : i32
        %dma_wait3A_182 = arith.constant 0 : i32
        %dma_wait3A_183 = tpu.memref_slice %arg9[%dma_wait3A_181, %dma_wait3A_182] : memref<10112x128xf32, #tpu.memory_space<vmem_shared>> -> memref<10112x128xf32, #tpu.memory_space<vmem_shared>>
        tpu.wait_indirect_dma semaphore(%run_scoped3A_163 : memref<!tpu.dma_semaphore, #tpu.memory_space<semaphore_mem>>) src(%dma_wait3A_177 : memref<128x128xf32, #tpu.memory_space<vmem>>) dst(%dma_wait3A_183 : memref<10112x128xf32, #tpu.memory_space<vmem_shared>>)
        tpu.yield
      }) : () -> ()
      %convert_element_type3A_159 = arith.extui %lt3A_124 : i1 to i32
      %cond3A_160 = arith.constant 0 : i32
      %cond3A_161 = arith.cmpi ne, %convert_element_type3A_159, %cond3A_160 : i32
      scf.if %cond3A_161 {
        %dma_start3A_163 = arith.constant 1 : i32
        %dma_start3A_164 = arith.constant 1 : i32
        %dma_start3A_165 = arith.constant 0 : i32
        %dma_start3A_166 = arith.constant 0 : i32
        %dma_start3A_167 = tpu.memref_slice %arg8[%dma_start3A_164, %dma_start3A_165, %dma_start3A_166] : memref<2x128x128xf32, #tpu.memory_space<vmem>> -> memref<1x128x128xf32, #tpu.memory_space<vmem>>
        %dma_start3A_168 = tpu.memref_squeeze %dma_start3A_167 : memref<1x128x128xf32, #tpu.memory_space<vmem>> -> memref<128x128xf32, #tpu.memory_space<vmem>>
        %dma_start3A_169 = arith.constant 0 : i32
        %dma_start3A_170 = tpu.memref_slice %arg6[%sub3A_121, %dma_start3A_163, %dma_start3A_169] : memref<2x2x128xi32, #tpu.memory_space<vmem>> -> memref<1x1x128xi32, #tpu.memory_space<vmem>>
        %dma_start3A_171 = tpu.memref_squeeze %dma_start3A_170 : memref<1x1x128xi32, #tpu.memory_space<vmem>> -> memref<128xi32, #tpu.memory_space<vmem>>
        %dma_start3A_172 = arith.constant 0 : i32
        %dma_start3A_173 = arith.constant 0 : i32
        %dma_start3A_174 = tpu.memref_slice %arg2[%dma_start3A_172, %dma_start3A_173] : memref<10000x128xf32, #tpu.memory_space<hbm>> -> memref<10000x128xf32, #tpu.memory_space<hbm>>
        tpu.enqueue_indirect_dma source(%dma_start3A_174 : memref<10000x128xf32, #tpu.memory_space<hbm>>) target(%dma_start3A_168 : memref<128x128xf32, #tpu.memory_space<vmem>>) offsets(%dma_start3A_171 : memref<128xi32, #tpu.memory_space<vmem>>) semaphore(%arg12 : memref<!tpu.dma_semaphore, #tpu.memory_space<semaphore_mem>>)
      } else {
      }
      %scan3A_162 = arith.constant 0 : i32
      scf.yield %scan3A_162 : i32
    }
    %scan3A_116 = arith.constant 40 : i32
    %barrier3A_117 = arith.constant 0 : index
    tpu.barrier barrier_id(%barrier3A_117)
    "tpu.region"() ({
      %run_scoped3A_118 = tpu.sem_alloc : memref<!tpu.dma_semaphore, #tpu.memory_space<semaphore_mem>>
      %dma_start3A_119 = arith.constant 0 : i32
      %dma_start3A_120 = tpu.memref_slice %arg5[%arg0, %mul3A_40, %dma_start3A_119] : memref<2x10112x128xf32, #tpu.memory_space<hbm>> -> memref<1x632x128xf32, #tpu.memory_space<hbm>>
      %dma_start3A_121 = tpu.memref_squeeze %dma_start3A_120 : memref<1x632x128xf32, #tpu.memory_space<hbm>> -> memref<632x128xf32, #tpu.memory_space<hbm>>
      %dma_start3A_122 = arith.constant 0 : i32
      %dma_start3A_123 = tpu.memref_slice %arg9[%mul3A_40, %dma_start3A_122] : memref<10112x128xf32, #tpu.memory_space<vmem_shared>> -> memref<632x128xf32, #tpu.memory_space<vmem_shared>>
      tpu.enqueue_dma source(%dma_start3A_123 : memref<632x128xf32, #tpu.memory_space<vmem_shared>>) target(%dma_start3A_121 : memref<632x128xf32, #tpu.memory_space<hbm>>) target_semaphore(%run_scoped3A_118 : memref<!tpu.dma_semaphore, #tpu.memory_space<semaphore_mem>>)
      %dma_wait3A_124 = arith.constant 0 : i32
      %dma_wait3A_125 = tpu.memref_slice %arg5[%arg0, %mul3A_40, %dma_wait3A_124] : memref<2x10112x128xf32, #tpu.memory_space<hbm>> -> memref<1x632x128xf32, #tpu.memory_space<hbm>>
      %dma_wait3A_126 = tpu.memref_squeeze %dma_wait3A_125 : memref<1x632x128xf32, #tpu.memory_space<hbm>> -> memref<632x128xf32, #tpu.memory_space<hbm>>
      %dma_wait3A_127 = arith.constant 0 : i32
      %dma_wait3A_128 = tpu.memref_slice %arg9[%mul3A_40, %dma_wait3A_127] : memref<10112x128xf32, #tpu.memory_space<vmem_shared>> -> memref<632x128xf32, #tpu.memory_space<vmem_shared>>
      tpu.wait_dma2 semaphore(%run_scoped3A_118 : memref<!tpu.dma_semaphore, #tpu.memory_space<semaphore_mem>>) src(%dma_wait3A_128 : memref<632x128xf32, #tpu.memory_space<vmem_shared>>) dst(%dma_wait3A_126 : memref<632x128xf32, #tpu.memory_space<hbm>>)
      tpu.yield
    }) : () -> ()
    return
  }
}

module attributes {stable_mosaic.version = 14 : i64} {
  func.func @_tc_dense1_body(%arg0: i32, %arg1: memref<1000x128xf32, #tpu.memory_space<vmem>>, %arg2: memref<128x128xf32, #tpu.memory_space<vmem>>, %arg3: memref<1000x1xf32, #tpu.memory_space<vmem>>, %arg4: memref<1000x1xf32, #tpu.memory_space<vmem>>, %arg5: memref<1000x128xf32, #tpu.memory_space<vmem>>, %arg6: memref<1000x1xf32, #tpu.memory_space<vmem>>) attributes {dimension_semantics = [#tpu.dimension_semantics<arbitrary>], iteration_bounds = array<i64: 10>, scalar_prefetch = 0 : i64, scratch_operands = 0 : i64, tpu.core_type = #tpu.core_type<tc>, window_params = [{transform_indices = @transform_0, window_bounds = array<i64: 1000, 128>}, {pipeline_mode = #tpu.pipeline_mode<synchronous>, transform_indices = @transform_1, window_bounds = array<i64: 128, 128>}, {transform_indices = @transform_2, window_bounds = array<i64: 1000, 1>}, {transform_indices = @transform_3, window_bounds = array<i64: 1000, 1>}, {transform_indices = @transform_4, window_bounds = array<i64: 1000, 128>}, {transform_indices = @transform_5, window_bounds = array<i64: 1000, 1>}]} {
    %get3A = arith.constant 0 : index
    %get3A_0 = arith.constant 0 : index
    %get3A_1 = vector.load %arg3[%get3A, %get3A_0] : memref<1000x1xf32, #tpu.memory_space<vmem>>, vector<1000x1xf32>
    %get3A_2 = arith.constant 0 : index
    %get3A_3 = arith.constant 0 : index
    %get3A_4 = vector.load %arg4[%get3A_2, %get3A_3] : memref<1000x1xf32, #tpu.memory_space<vmem>>, vector<1000x1xf32>
    %add3A = arith.addf %get3A_1, %get3A_4 : vector<1000x1xf32>
    %add3A_5 = arith.constant 1.000000e+00 : f32
    %add3A_6 = vector.broadcast %add3A_5 : f32 to vector<1000x1xf32>
    %add3A_7 = arith.addf %add3A, %add3A_6 : vector<1000x1xf32>
    %rsqrt3A = math.rsqrt %add3A_7 : vector<1000x1xf32>
    %swap3A = arith.constant 0 : index
    %swap3A_8 = arith.constant 0 : index
    %swap3A_9 = vector.load %arg6[%swap3A, %swap3A_8] : memref<1000x1xf32, #tpu.memory_space<vmem>>, vector<1000x1xf32>
    tpu.vector_store %arg6[%swap3A, %swap3A_8], %rsqrt3A {strides = array<i32>} : memref<1000x1xf32, #tpu.memory_space<vmem>>, vector<1000x1xf32>,
    %get3A_10 = arith.constant 0 : index
    %get3A_11 = arith.constant 0 : index
    %get3A_12 = vector.load %arg1[%get3A_10, %get3A_11] : memref<1000x128xf32, #tpu.memory_space<vmem>>, vector<1000x128xf32>
    %get3A_13 = arith.constant 0 : index
    %get3A_14 = arith.constant 0 : index
    %get3A_15 = vector.load %arg2[%get3A_13, %get3A_14] : memref<128x128xf32, #tpu.memory_space<vmem>>, vector<128x128xf32>
    %dot_general3A = arith.constant dense<0.000000e+00> : vector<1000x128xf32>
    %dot_general3A_16 = tpu.matmul %get3A_12, %get3A_15, %dot_general3A {dimension_numbers = #tpu.dot_dimension_numbers<[1], [0], [0], [1], [0, 0, 1, 1], [], []>, transpose_lhs_hint = false} : vector<1000x128xf32>, vector<128x128xf32>, vector<1000x128xf32> -> vector<1000x128xf32>
    %mul3A = vector.broadcast %rsqrt3A : vector<1000x1xf32> to vector<1000x128xf32>
    %mul3A_17 = arith.mulf %dot_general3A_16, %mul3A : vector<1000x128xf32>
    %swap3A_18 = arith.constant 0 : index
    %swap3A_19 = arith.constant 0 : index
    %swap3A_20 = vector.load %arg5[%swap3A_18, %swap3A_19] : memref<1000x128xf32, #tpu.memory_space<vmem>>, vector<1000x128xf32>
    tpu.vector_store %arg5[%swap3A_18, %swap3A_19], %mul3A_17 {strides = array<i32>} : memref<1000x128xf32, #tpu.memory_space<vmem>>, vector<1000x128xf32>,
    return
  }
  func.func @transform_0(%arg0: i32) -> (i32, i32) {
    %c0_i32 = arith.constant 0 : i32
    %c0_i32_0 = arith.constant 0 : i32
    return %arg0, %c0_i32 : i32, i32
  }
  func.func @transform_1(%arg0: i32) -> (i32, i32) {
    %c0_i32 = arith.constant 0 : i32
    %c0_i32_0 = arith.constant 0 : i32
    %c0_i32_1 = arith.constant 0 : i32
    return %c0_i32, %c0_i32_0 : i32, i32
  }
  func.func @transform_2(%arg0: i32) -> (i32, i32) {
    %c0_i32 = arith.constant 0 : i32
    %c0_i32_0 = arith.constant 0 : i32
    return %arg0, %c0_i32 : i32, i32
  }
  func.func @transform_3(%arg0: i32) -> (i32, i32) {
    %c0_i32 = arith.constant 0 : i32
    %c0_i32_0 = arith.constant 0 : i32
    return %arg0, %c0_i32 : i32, i32
  }
  func.func @transform_4(%arg0: i32) -> (i32, i32) {
    %c0_i32 = arith.constant 0 : i32
    %c0_i32_0 = arith.constant 0 : i32
    return %arg0, %c0_i32 : i32, i32
  }
  func.func @transform_5(%arg0: i32) -> (i32, i32) {
    %c0_i32 = arith.constant 0 : i32
    %c0_i32_0 = arith.constant 0 : i32
    return %arg0, %c0_i32 : i32, i32
  }
}

module attributes {stable_mosaic.version = 14 : i64} {
  func.func @_tc_dense_mid_body(%arg0: i32, %arg1: memref<1000x128xf32, #tpu.memory_space<vmem>>, %arg2: memref<1000x128xf32, #tpu.memory_space<vmem>>, %arg3: memref<1000x128xf32, #tpu.memory_space<vmem>>, %arg4: memref<1000x1xf32, #tpu.memory_space<vmem>>, %arg5: memref<1x128xf32, #tpu.memory_space<vmem>>, %arg6: memref<128x128xf32, #tpu.memory_space<vmem>>, %arg7: memref<1000x128xf32, #tpu.memory_space<vmem>>) attributes {dimension_semantics = [#tpu.dimension_semantics<arbitrary>], iteration_bounds = array<i64: 10>, scalar_prefetch = 0 : i64, scratch_operands = 0 : i64, tpu.core_type = #tpu.core_type<tc>, window_params = [{transform_indices = @transform_0, window_bounds = array<i64: 1000, 128>}, {transform_indices = @transform_1, window_bounds = array<i64: 1000, 128>}, {transform_indices = @transform_2, window_bounds = array<i64: 1000, 128>}, {transform_indices = @transform_3, window_bounds = array<i64: 1000, 1>}, {pipeline_mode = #tpu.pipeline_mode<synchronous>, transform_indices = @transform_4, window_bounds = array<i64: 1, 128>}, {pipeline_mode = #tpu.pipeline_mode<synchronous>, transform_indices = @transform_5, window_bounds = array<i64: 128, 128>}, {transform_indices = @transform_6, window_bounds = array<i64: 1000, 128>}]} {
    %get3A = arith.constant 0 : index
    %get3A_0 = arith.constant 0 : index
    %get3A_1 = vector.load %arg4[%get3A, %get3A_0] : memref<1000x1xf32, #tpu.memory_space<vmem>>, vector<1000x1xf32>
    %get3A_2 = arith.constant 0 : index
    %get3A_3 = arith.constant 0 : index
    %get3A_4 = vector.load %arg1[%get3A_2, %get3A_3] : memref<1000x128xf32, #tpu.memory_space<vmem>>, vector<1000x128xf32>
    %get3A_5 = arith.constant 0 : index
    %get3A_6 = arith.constant 0 : index
    %get3A_7 = vector.load %arg2[%get3A_5, %get3A_6] : memref<1000x128xf32, #tpu.memory_space<vmem>>, vector<1000x128xf32>
    %add3A = arith.addf %get3A_4, %get3A_7 : vector<1000x128xf32>
    %get3A_8 = arith.constant 0 : index
    %get3A_9 = arith.constant 0 : index
    %get3A_10 = vector.load %arg3[%get3A_8, %get3A_9] : memref<1000x128xf32, #tpu.memory_space<vmem>>, vector<1000x128xf32>
    %add3A_11 = arith.addf %add3A, %get3A_10 : vector<1000x128xf32>
    %mul3A = vector.broadcast %get3A_1 : vector<1000x1xf32> to vector<1000x128xf32>
    %mul3A_12 = arith.mulf %mul3A, %add3A_11 : vector<1000x128xf32>
    %get3A_13 = arith.constant 0 : index
    %get3A_14 = arith.constant 0 : index
    %get3A_15 = vector.load %arg5[%get3A_13, %get3A_14] : memref<1x128xf32, #tpu.memory_space<vmem>>, vector<1x128xf32>
    %add3A_16 = vector.broadcast %get3A_15 : vector<1x128xf32> to vector<1000x128xf32>
    %add3A_17 = arith.addf %mul3A_12, %add3A_16 : vector<1000x128xf32>
    %max3A = arith.constant 0.000000e+00 : f32
    %max3A_18 = vector.broadcast %max3A : f32 to vector<1000x128xf32>
    %max3A_19 = arith.maximumf %add3A_17, %max3A_18 : vector<1000x128xf32>
    %get3A_20 = arith.constant 0 : index
    %get3A_21 = arith.constant 0 : index
    %get3A_22 = vector.load %arg6[%get3A_20, %get3A_21] : memref<128x128xf32, #tpu.memory_space<vmem>>, vector<128x128xf32>
    %dot_general3A = arith.constant dense<0.000000e+00> : vector<1000x128xf32>
    %dot_general3A_23 = tpu.matmul %max3A_19, %get3A_22, %dot_general3A {dimension_numbers = #tpu.dot_dimension_numbers<[1], [0], [0], [1], [0, 0, 1, 1], [], []>, transpose_lhs_hint = false} : vector<1000x128xf32>, vector<128x128xf32>, vector<1000x128xf32> -> vector<1000x128xf32>
    %mul3A_24 = vector.broadcast %get3A_1 : vector<1000x1xf32> to vector<1000x128xf32>
    %mul3A_25 = arith.mulf %dot_general3A_23, %mul3A_24 : vector<1000x128xf32>
    %swap3A = arith.constant 0 : index
    %swap3A_26 = arith.constant 0 : index
    %swap3A_27 = vector.load %arg7[%swap3A, %swap3A_26] : memref<1000x128xf32, #tpu.memory_space<vmem>>, vector<1000x128xf32>
    tpu.vector_store %arg7[%swap3A, %swap3A_26], %mul3A_25 {strides = array<i32>} : memref<1000x128xf32, #tpu.memory_space<vmem>>, vector<1000x128xf32>,
    return
  }
  func.func @transform_0(%arg0: i32) -> (i32, i32) {
    %c0_i32 = arith.constant 0 : i32
    %c0_i32_0 = arith.constant 0 : i32
    return %arg0, %c0_i32 : i32, i32
  }
  func.func @transform_1(%arg0: i32) -> (i32, i32) {
    %c0_i32 = arith.constant 0 : i32
    %c0_i32_0 = arith.constant 0 : i32
    return %arg0, %c0_i32 : i32, i32
  }
  func.func @transform_2(%arg0: i32) -> (i32, i32) {
    %c0_i32 = arith.constant 0 : i32
    %c0_i32_0 = arith.constant 0 : i32
    return %arg0, %c0_i32 : i32, i32
  }
  func.func @transform_3(%arg0: i32) -> (i32, i32) {
    %c0_i32 = arith.constant 0 : i32
    %c0_i32_0 = arith.constant 0 : i32
    return %arg0, %c0_i32 : i32, i32
  }
  func.func @transform_4(%arg0: i32) -> (i32, i32) {
    %c0_i32 = arith.constant 0 : i32
    %c0_i32_0 = arith.constant 0 : i32
    %c0_i32_1 = arith.constant 0 : i32
    return %c0_i32, %c0_i32_0 : i32, i32
  }
  func.func @transform_5(%arg0: i32) -> (i32, i32) {
    %c0_i32 = arith.constant 0 : i32
    %c0_i32_0 = arith.constant 0 : i32
    %c0_i32_1 = arith.constant 0 : i32
    return %c0_i32, %c0_i32_0 : i32, i32
  }
  func.func @transform_6(%arg0: i32) -> (i32, i32) {
    %c0_i32 = arith.constant 0 : i32
    %c0_i32_0 = arith.constant 0 : i32
    return %arg0, %c0_i32 : i32, i32
  }
}

module attributes {stable_mosaic.version = 14 : i64} {
  func.func @_tc_dense_out_body(%arg0: i32, %arg1: memref<1000x128xf32, #tpu.memory_space<vmem>>, %arg2: memref<1000x128xf32, #tpu.memory_space<vmem>>, %arg3: memref<1000x128xf32, #tpu.memory_space<vmem>>, %arg4: memref<1000x1xf32, #tpu.memory_space<vmem>>, %arg5: memref<1x128xf32, #tpu.memory_space<vmem>>, %arg6: memref<1000x1xf32, #tpu.memory_space<vmem>>, %arg7: memref<128x12xf32, #tpu.memory_space<vmem>>, %arg8: memref<1x12xf32, #tpu.memory_space<vmem>>, %arg9: memref<1000x12xf32, #tpu.memory_space<vmem>>) attributes {dimension_semantics = [#tpu.dimension_semantics<arbitrary>], iteration_bounds = array<i64: 10>, scalar_prefetch = 0 : i64, scratch_operands = 0 : i64, tpu.core_type = #tpu.core_type<tc>, window_params = [{transform_indices = @transform_0, window_bounds = array<i64: 1000, 128>}, {transform_indices = @transform_1, window_bounds = array<i64: 1000, 128>}, {transform_indices = @transform_2, window_bounds = array<i64: 1000, 128>}, {transform_indices = @transform_3, window_bounds = array<i64: 1000, 1>}, {pipeline_mode = #tpu.pipeline_mode<synchronous>, transform_indices = @transform_4, window_bounds = array<i64: 1, 128>}, {transform_indices = @transform_5, window_bounds = array<i64: 1000, 1>}, {pipeline_mode = #tpu.pipeline_mode<synchronous>, transform_indices = @transform_6, window_bounds = array<i64: 128, 12>}, {pipeline_mode = #tpu.pipeline_mode<synchronous>, transform_indices = @transform_7, window_bounds = array<i64: 1, 12>}, {transform_indices = @transform_8, window_bounds = array<i64: 1000, 12>}]} {
    %get3A = arith.constant 0 : index
    %get3A_0 = arith.constant 0 : index
    %get3A_1 = vector.load %arg4[%get3A, %get3A_0] : memref<1000x1xf32, #tpu.memory_space<vmem>>, vector<1000x1xf32>
    %get3A_2 = arith.constant 0 : index
    %get3A_3 = arith.constant 0 : index
    %get3A_4 = vector.load %arg1[%get3A_2, %get3A_3] : memref<1000x128xf32, #tpu.memory_space<vmem>>, vector<1000x128xf32>
    %get3A_5 = arith.constant 0 : index
    %get3A_6 = arith.constant 0 : index
    %get3A_7 = vector.load %arg2[%get3A_5, %get3A_6] : memref<1000x128xf32, #tpu.memory_space<vmem>>, vector<1000x128xf32>
    %add3A = arith.addf %get3A_4, %get3A_7 : vector<1000x128xf32>
    %get3A_8 = arith.constant 0 : index
    %get3A_9 = arith.constant 0 : index
    %get3A_10 = vector.load %arg3[%get3A_8, %get3A_9] : memref<1000x128xf32, #tpu.memory_space<vmem>>, vector<1000x128xf32>
    %add3A_11 = arith.addf %add3A, %get3A_10 : vector<1000x128xf32>
    %mul3A = vector.broadcast %get3A_1 : vector<1000x1xf32> to vector<1000x128xf32>
    %mul3A_12 = arith.mulf %mul3A, %add3A_11 : vector<1000x128xf32>
    %get3A_13 = arith.constant 0 : index
    %get3A_14 = arith.constant 0 : index
    %get3A_15 = vector.load %arg5[%get3A_13, %get3A_14] : memref<1x128xf32, #tpu.memory_space<vmem>>, vector<1x128xf32>
    %add3A_16 = vector.broadcast %get3A_15 : vector<1x128xf32> to vector<1000x128xf32>
    %add3A_17 = arith.addf %mul3A_12, %add3A_16 : vector<1000x128xf32>
    %max3A = arith.constant 0.000000e+00 : f32
    %max3A_18 = vector.broadcast %max3A : f32 to vector<1000x128xf32>
    %max3A_19 = arith.maximumf %add3A_17, %max3A_18 : vector<1000x128xf32>
    %get3A_20 = arith.constant 0 : index
    %get3A_21 = arith.constant 0 : index
    %get3A_22 = vector.load %arg6[%get3A_20, %get3A_21] : memref<1000x1xf32, #tpu.memory_space<vmem>>, vector<1000x1xf32>
    %mul3A_23 = vector.broadcast %get3A_22 : vector<1000x1xf32> to vector<1000x128xf32>
    %mul3A_24 = arith.mulf %max3A_19, %mul3A_23 : vector<1000x128xf32>
    %get3A_25 = arith.constant 0 : index
    %get3A_26 = arith.constant 0 : index
    %get3A_27 = vector.load %arg7[%get3A_25, %get3A_26] : memref<128x12xf32, #tpu.memory_space<vmem>>, vector<128x12xf32>
    %dot_general3A = arith.constant dense<0.000000e+00> : vector<1000x12xf32>
    %dot_general3A_28 = tpu.matmul %mul3A_24, %get3A_27, %dot_general3A {dimension_numbers = #tpu.dot_dimension_numbers<[1], [0], [0], [1], [0, 0, 1, 1], [], []>, transpose_lhs_hint = false} : vector<1000x128xf32>, vector<128x12xf32>, vector<1000x12xf32> -> vector<1000x12xf32>
    %get3A_29 = arith.constant 0 : index
    %get3A_30 = arith.constant 0 : index
    %get3A_31 = vector.load %arg8[%get3A_29, %get3A_30] : memref<1x12xf32, #tpu.memory_space<vmem>>, vector<1x12xf32>
    %add3A_32 = vector.broadcast %get3A_31 : vector<1x12xf32> to vector<1000x12xf32>
    %add3A_33 = arith.addf %dot_general3A_28, %add3A_32 : vector<1000x12xf32>
    %swap3A = arith.constant 0 : index
    %swap3A_34 = arith.constant 0 : index
    %swap3A_35 = vector.load %arg9[%swap3A, %swap3A_34] : memref<1000x12xf32, #tpu.memory_space<vmem>>, vector<1000x12xf32>
    tpu.vector_store %arg9[%swap3A, %swap3A_34], %add3A_33 {strides = array<i32>} : memref<1000x12xf32, #tpu.memory_space<vmem>>, vector<1000x12xf32>,
    return
  }
  func.func @transform_0(%arg0: i32) -> (i32, i32) {
    %c0_i32 = arith.constant 0 : i32
    %c0_i32_0 = arith.constant 0 : i32
    return %arg0, %c0_i32 : i32, i32
  }
  func.func @transform_1(%arg0: i32) -> (i32, i32) {
    %c0_i32 = arith.constant 0 : i32
    %c0_i32_0 = arith.constant 0 : i32
    return %arg0, %c0_i32 : i32, i32
  }
  func.func @transform_2(%arg0: i32) -> (i32, i32) {
    %c0_i32 = arith.constant 0 : i32
    %c0_i32_0 = arith.constant 0 : i32
    return %arg0, %c0_i32 : i32, i32
  }
  func.func @transform_3(%arg0: i32) -> (i32, i32) {
    %c0_i32 = arith.constant 0 : i32
    %c0_i32_0 = arith.constant 0 : i32
    return %arg0, %c0_i32 : i32, i32
  }
  func.func @transform_4(%arg0: i32) -> (i32, i32) {
    %c0_i32 = arith.constant 0 : i32
    %c0_i32_0 = arith.constant 0 : i32
    %c0_i32_1 = arith.constant 0 : i32
    return %c0_i32, %c0_i32_0 : i32, i32
  }
  func.func @transform_5(%arg0: i32) -> (i32, i32) {
    %c0_i32 = arith.constant 0 : i32
    %c0_i32_0 = arith.constant 0 : i32
    return %arg0, %c0_i32 : i32, i32
  }
  func.func @transform_6(%arg0: i32) -> (i32, i32) {
    %c0_i32 = arith.constant 0 : i32
    %c0_i32_0 = arith.constant 0 : i32
    %c0_i32_1 = arith.constant 0 : i32
    return %c0_i32, %c0_i32_0 : i32, i32
  }
  func.func @transform_7(%arg0: i32) -> (i32, i32) {
    %c0_i32 = arith.constant 0 : i32
    %c0_i32_0 = arith.constant 0 : i32
    %c0_i32_1 = arith.constant 0 : i32
    return %c0_i32, %c0_i32_0 : i32, i32
  }
  func.func @transform_8(%arg0: i32) -> (i32, i32) {
    %c0_i32 = arith.constant 0 : i32
    %c0_i32_0 = arith.constant 0 : i32
    return %arg0, %c0_i32 : i32, i32
  }
}

</mosaic_0001>

<sc_bundles>
// kernel: kernel.11.cloned.1.call-start
scs
__scs_entry_jumppad:
0x0: {  	(pc) =	sbr.rel $0x88, $3  }
0x1: {  	(tag) =	ssettag $0x0;
	lr =	simm.s32 $0x1  }
0x2: {  	[smem:$0x3F98] =	sst lr;
	_ =	strace $0xD0000000  }
0x3: {  	_ = 	snop  }
0x4: {  	_ = 	snop  }
0x5: {  	_ = 	snop  }
0x6: {  	_ = 	snop  }
0x7: {  	_ = 	snop  }
__scs_overlays_trampoline_lowered:
0x8: {  	[smem:$0x3FA7] =	sst s0  }
0x9: {  	[smem:$0x3FA8] =	sst s1  }
0xa: {  	[smem:$0x3FA9] =	sst s2  }
0xb: {  	[smem:$0x3FAA] =	sst s3  }
0xc: {  	[smem:$0x3FAB] =	sst s4  }
0xd: {  	[smem:$0x3FAC] =	sst s5  }
0xe: {  	[smem:$0x3FAD] =	sst s6  }
0xf: {  	[smem:$0x3FAE] =	sst s7  }
0x10: {  	[smem:$0x3FAF] =	sst s8  }
0x11: {  	[smem:$0x3FB0] =	sst s9;
	s0 =	simm.s32 @!p0 $0x0  }
0x12: {  	s1 =	sld [smem:$0x3F96];
	s0 =	simm.s32 @p0 $0x1  }
0x13: {  	[smem:$0x3FB1] =	sst s0;
	s0 =	simm.s32 @!p1 $0x0  }
0x14: {  	s2 =	sld [smem:$0x3F95];
	s0 =	simm.s32 @p1 $0x1  }
0x15: {  	[smem:$0x3FB2] =	sst s0;
	s0 =	simm.s32 @!p2 $0x0  }
0x16: {  	s3 =	sld [smem:$0x3FDB];
	s0 =	simm.s32 @p2 $0x1  }
0x17: {  	s4 =	simm.s32 $0x1BF5;
	[smem:$0x3FB4] =	sst s0  }
0x18: {  	s0 =	sld [smem:$0x3F97];
	_ =	swait.ge [sflag:s4], $0x0  }
0x19: {  	s7 =	sld [smem:$0x3F98]  }
0x1a: {  	s8 =	sadd.s32 $0xFFFFE003, lr  }
0x1b: {  	s9 =	sadd.s32 $0xFFFFFEF7, lr;
	s5 =	simm.s32 $0xFFFFFFFF;
	p2 =	slt.u32 s8, $0xFFFFF086  }
0x1c: {  	p1 =	slt.u32 s9, $0xF7A;
	s5 =	simm.s32 @!p2 $0x0  }
0x1d: {  	s5 =	simm.s32 @p1 $0x1;
	p0 =	seq.s32 s7, s2  }
0x1e: {  	s7 =	smul.u32 @!p0 $0xF7A, s2;
	p2 =	seq.s32 @!p0 s5, $0x0  }
0x1f: {  	s9 =	smul.u32 $0xF7A, s1;
	s8 =	simm.s32 @!p0 $0x1BF5;
	p2 =	por !p2, p0  }
0x20: {  	[sflag:s8] =	ssyncset.s32 @!p0 $0xFFFFF086;
	s6 =	sadd.s32 @!p0 s3, s7;
	s7 =	simm.s32 @!p0 $0x108  }
0x21: {  	s3 =	sadd.s32 s3, s9;
	s6 =	sadd.s32 @!p0 $0x88, s6;
	s7 =	simm.s32 @p2 $0x1082  }
0x22: {  	[simem:s7], [sflag:s8] =	dma.local @!p0 [hbm:s6], $0xF7A  }
0x23: {  	s9 =	sor.u32 $0xD0000000, s2;
	s6 =	simm.s32 $0x108;
	_ =	swait.ge @!p0 [sflag:s8], $0x0  }
0x24: {  	s3 =	sadd.s32 $0x88, s3;
	s6 =	simm.s32 @!p1 $0x1082;
	[sflag:s4] =	ssyncset.s32 $0xFFFFF086  }
0x25: {  	[simem:s6], [sflag:s4] =	dma.local [hbm:s3], $0xF7A  }
0x26: {  	[smem:$0x3F98] =	sst s1;
	(tag) =	ssettag s2;
	_ =	strace s9  }
0x27: {  	s1 =	sld [smem:$0x3FA8]  }
0x28: {  	s2 =	sld [smem:$0x3FA9]  }
0x29: {  	s4 =	sld [smem:$0x3FAB]  }
0x2a: {  	p0 =	seq.s32 s5, $0x0;
	s5 =	sld [smem:$0x3FAC]  }
0x2b: {  	s6 =	sld [smem:$0x3FAD]  }
0x2c: {  	s7 =	sld [smem:$0x3FAE]  }
0x2d: {  	s3 =	simm.s32 $0x108;
	s8 =	sld [smem:$0x3FAF]  }
0x2e: {  	s3 =	simm.s32 @!p0 $0x1082;
	s9 =	sld [smem:$0x3FB0]  }
0x2f: {  	lr =	sadd.s32 s0, s3;
	s0 =	sld [smem:$0x3FA7]  }
0x30: {  	s3 =	sld [smem:$0x3FAA]  }
0x31: {  	[smem:$0x3FB3] =	sst s10  }
0x32: {  	s10 =	sld [smem:$0x3FB1];
	_ =	sdelay $0x3  }
0x33: {  	p0 =	seq.s32 s10, $0x1;
	s10 =	sld [smem:$0x3FB3];
	_ =	sdelay $0x3  }
0x34: {  	[smem:$0x3FB3] =	sst s10  }
0x35: {  	s10 =	sld [smem:$0x3FB2];
	_ =	sdelay $0x3  }
0x36: {  	p1 =	seq.s32 s10, $0x1;
	s10 =	sld [smem:$0x3FB3];
	_ =	sdelay $0x3  }
0x37: {  	[smem:$0x3FB3] =	sst s10  }
0x38: {  	s10 =	sld [smem:$0x3FB4]  }
0x39: {  	_ = 	snop;
	(pc) =	sbr.ind lr, $3  }
0x3a: {  	_ = 	snop  }
0x3b: {  	_ = 	snop  }
0x3c: {  	p2 =	seq.s32 s10, $0x1;
	s10 =	sld [smem:$0x3FB3]  }
0x3d: {  	_ =	shalt  }
0x3e: {  	_ =	shalt  }
0x3f: {  	_ =	shalt  }
0x40: {  	_ =	shalt  }
0x41: {  	_ =	shalt  }
0x42: {  	_ =	shalt  }
0x43: {  	_ =	shalt  }
0x44: {  	_ =	shalt  }
0x45: {  	_ =	shalt  }
0x46: {  	_ =	shalt  }
0x47: {  	_ =	shalt  }
0x48: {  	_ =	shalt  }
0x49: {  	_ =	shalt  }
0x4a: {  	_ =	shalt  }
0x4b: {  	_ =	shalt  }
0x4c: {  	_ =	shalt  }
0x4d: {  	_ =	shalt  }
0x4e: {  	_ =	shalt  }
0x4f: {  	_ =	shalt  }
0x50: {  	_ =	shalt  }
0x51: {  	_ =	shalt  }
0x52: {  	_ =	shalt  }
0x53: {  	_ =	shalt  }
0x54: {  	_ =	shalt  }
0x55: {  	_ =	shalt  }
0x56: {  	_ =	shalt  }
0x57: {  	_ =	shalt  }
0x58: {  	_ =	shalt  }
0x59: {  	_ =	shalt  }
0x5a: {  	_ =	shalt  }
0x5b: {  	_ =	shalt  }
0x5c: {  	_ =	shalt  }
0x5d: {  	_ =	shalt  }
0x5e: {  	_ =	shalt  }
0x5f: {  	_ =	shalt  }
0x60: {  	_ =	shalt  }
0x61: {  	_ =	shalt  }
0x62: {  	_ =	shalt  }
0x63: {  	_ =	shalt  }
0x64: {  	_ =	shalt  }
0x65: {  	_ =	shalt  }
0x66: {  	_ =	shalt  }
0x67: {  	_ =	shalt  }
0x68: {  	_ =	shalt  }
0x69: {  	_ =	shalt  }
0x6a: {  	_ =	shalt  }
0x6b: {  	_ =	shalt  }
0x6c: {  	_ =	shalt  }
0x6d: {  	_ =	shalt  }
0x6e: {  	_ =	shalt  }
0x6f: {  	_ =	shalt  }
0x70: {  	_ =	shalt  }
0x71: {  	_ =	shalt  }
0x72: {  	_ =	shalt  }
0x73: {  	_ =	shalt  }
0x74: {  	_ =	shalt  }
0x75: {  	_ =	shalt  }
0x76: {  	_ =	shalt  }
0x77: {  	_ =	shalt  }
0x78: {  	_ =	shalt  }
0x79: {  	_ =	shalt  }
0x7a: {  	_ =	shalt  }
0x7b: {  	_ =	shalt  }
0x7c: {  	_ =	shalt  }
0x7d: {  	_ =	shalt  }
0x7e: {  	_ =	shalt  }
0x7f: {  	_ =	shalt  }
0x80: {  	_ =	shalt  }
0x81: {  	_ =	shalt  }
0x82: {  	_ =	shalt  }
0x83: {  	_ =	shalt  }
0x84: {  	_ =	shalt  }
0x85: {  	_ =	shalt  }
0x86: {  	_ =	shalt  }
0x87: {  	_ =	shalt  }
.Lfunc_end0:
.L_simem_size_0:
called_computation.1_lowered:
.L_overlay_start_0:
0x88: {  	s2 =	sld [smem:$0x3FD9]  }
0x89: {  	s3 =	sld [smem:$0x3FFE];
	_ =	sdelay $0x1  }
0x8a: {  	s1 =	srdreg.scid  }
0x8b: {  	s0 =	sand.u32 $0x1, s1  }
0x8c: {  	s16 =	sshll.u32 s0, $0xA;
	s2 =	sadd.s32 s3, s2  }
0x8d: {  	s2 =	sadd.s32 s2, s16  }
0x8e: {  	[smem:$0x3FBF] =	sst s2  }
0x8f: {  	_ = 	snop  }
0x90: {  	(tm) =	ssettm $0x1  }
0x91: {  	s17 =	sld [smem:$0x3FFB];
	_ =	sdelay $0x3  }
0x92: {  	_ =	strace s17  }
0x93: {  	s2 =	sld [smem:$0x3FFC];
	_ =	sdelay $0x3  }
0x94: {  	_ =	strace s2  }
0x95: {  	s2 =	sld [smem:$0x3FFD];
	_ =	sdelay $0x3  }
0x96: {  	_ =	strace s2  }
0x97: {  	_ =	strace $0x8FFFFFFF  }
0x98: {  	s18 =	sld [smem:$0x3FDB];
	_ =	sdelay $0x1  }
0x99: {  	s19 =	simm.s32 $_scs_section_size  }
0x9a: {  	s4 =	simm.s32 $_size__tile_overlayer_lowered;
	s5 =	simm.s32 $_tile_overlayer_lowered  }
0x9b: {  	s22 =	simm.s32 $0x1BFF;
	s21 =	sshll.u32 s5, $0x1;
	s2 =	sadd.s32 s19, s18  }
0x9c: {  	s6 =	simm.s32 $0x0;
	s20 =	sshll.u32 s4, $0x1;
	s4 =	sadd.s32 s21, s2  }
0x9d: {  	[timem:s6], [sflag:s22] =	dma.local [hbm:s4], s20  }
0x9e: {  	_ =	swait.ge [sflag:s22], s20  }
0x9f: {  	s3 =	ssub.s32 $0x0, s20;
	[sflag:s22] =	ssyncset.done $0x0  }
0xa0: {  	[sflag:s22] =	ssyncadd.s32 s3;
	_ =	sdelay $0x1  }
0xa1: {  	s23 =	simm.s32 $0x1B8B  }
0xa2: {  	_ =	swait.ge [sflag:s23], $0x1  }
0xa3: {  	[sflag:s23] =	ssyncset.done $0x0  }
0xa4: {  	s25 =	simm.s32 $0x1B8E;
	s24 =	sld [smem:$0x3FFE];
	[sflag:s23] =	ssyncadd.s32 $0xFFFFFFFF  }
0xa5: {  	s26 =	simm.s32 $execute0_lowered;
	[smem:$0x3FD2] =	sst s25  }
0xa6: {  	s4 =	sshll.u32 s26, $0x1;
	_ =	strace $0x80000049;
	[dreg:$0x1] =	wrdreg $0xFFFFFFFF  }
0xa7: {  	s28 =	simm.s32 $_size_execute0_lowered;
	s2 =	sadd.s32 s2, s4;
	[dreg:$0x0] =	wrdreg $0x0  }
0xa8: {  	s4 =	sshll.u32 s28, $0x1;
	[dreg:$0x2] =	wrdreg s2  }
0xa9: {  	[dreg:$0x3] =	wrdreg s4  }
0xaa: {  	[dreg:$0x4] =	wrdreg $0xC0  }
0xab: {  	_ =	task [dreg:s6], $0x5FFFF  }
0xac: {  	[dreg:$0x1] =	wrdreg $0xFFFFFFFF  }
0xad: {  	[dreg:$0x0] =	wrdreg $0x60  }
0xae: {  	[dreg:$0x2] =	wrdreg s24  }
0xaf: {  	[dreg:$0x3] =	wrdreg $0x84000  }
0xb0: {  	[dreg:$0x4] =	wrdreg $0x9  }
0xb1: {  	_ =	task.clear_ibuf [dreg:s6], $0x5FFFF;
	_ =	strace $0x90000049  }
0xb2: {  	s29 =	simm.s32 $0x9;
	_ =	strace $0x8000004B  }
0xb3: {  	_ =	swait.ge [sflag:s29], $0x1  }
0xb4: {  	[sflag:s29] =	ssyncadd.s32 $0xFFFFFFFF  }
0xb5: {  	_ =	strace $0x9000004B  }
0xb6: {  	_ =	sfence  }
0xb7: {  	s30 =	sld [smem:$0x0];
	_ =	sdelay $0x2  }
0xb8: {  	s31 =	sshll.u32 s1, $0xD;
	s1 =	sshrl.u32 s1, $0x2  }
0xb9: {  	s3 =	sand.u32 $0x4000, s31;
	s1 =	sadd.s32 s1, s30  }
0xba: {  	s0 =	sor.u32 s3, s0;
	s1 =	sshll.u32 s1, $0x11  }
0xbb: {  	s0 =	sor.u32 s1, s0  }
0xbc: {  	s0 =	sadd.s32 $0x8F2B, s0  }
0xbd: {  	[sflag:s0] =	ssyncadd.remote.s32 $0x1  }
0xbe: {  	_ =	sfence.sel $0xFFFF  }
0xbf: {  	[dreg:$0x0] =	wrdreg $0xFFFFFFFF;
	(pc) =	sbr.abs _section_cstart, $3  }
0xc0: {  	[dreg:$0x1] =	wrdreg $0xFFFFFFFF  }
0xc1: {  	_ =	task.clear_ibuf [dreg:s6], $0x2FFFF;
	_ =	strace $0x9FFFFFFF  }
0xc2: {  	(tm) =	ssettm $0x7FFFFFFF  }
0xc3: {  	_ =	shalt  }
tec
execute0_lowered:
.L_overlay_start_1:
0x0: {  	(tag) =	ssettag $0x1  }
0x1: {  	s0 =	rddreg [dreg:$0x0]  }
0x2: {  	s1 =	rddreg [dreg:$0x1];
	s3 =	simm.s32 $0x0  }
0x3: {  	s2 =	srdreg.scid;
	s24 =	stileid.u32;
	s18 =	simm.s32 $0x400  }
0x4: {  	s19 =	simm.s32 $0x4;
	s20 =	simm.s32 $0x1;
	s21 =	simm.s32 $0x80  }
0x5: {  	s22 =	simm.s32 $0x4400;
	s23 =	simm.s32 $0x2;
	s28 =	simm.s32 $0x0  }
0x6: {  	[smem:$0x7FF] =	sst s3;
	s13 =	sand.u32 $0x1, s2;
	s8 =	smul.u32 $0x13C00, s24  }
0x7: {  	s4 =	sadd.s32 $0x17800, s0;
	s5 =	sadd.s32 $0xD800, s0;
	s26 =	smul.u32 $0x4F000, s24  }
0x8: {  	s6 =	sadd.s32 $0x3800, s0;
	s9 =	sshll.u32 s24, $0x1;
	s16 =	smul.u32 $0x5000, s24  }
0x9: {  	s24 =	simm.s32 $0x3;
	s7 =	smul.u32 $0x13C000, s13;
	_ =	strace $0x8000004A  }
0xa: {  	s25 =	sor.u32 s13, s9;
	s10 =	ssub.s32 $0x2, s13;
	s17 =	smul.u32 $0x2800, s13  }
0xb: {  	s11 =	smul.u32 $0x500, s25;
	s29 =	sshrl.u32 s10, $0x1;
	s30 =	sshrl.u32 s26, $0x2  }
0xc: {  	s7 =	sadd.s32 s8, s7;
	s15 =	ssub.s32 s10, s29;
	s8 =	sadd.s32 s30, s1  }
0xd: {  	s16 =	sadd.s32 s17, s16;
	s7 =	sshrl.u32 s7, $0x3;
	s31 =	sadd.s32 s5, s11  }
0xe: {  	s9 =	sadd.s32 s6, s11;
	s10 =	sadd.s32 $0x4000, s8;
	s11 =	sadd.s32 $0x8000, s8  }
0xf: {  	s12 =	sadd.s32 $0xC000, s8;
	s13 =	sadd.s32 $0x10000, s8;
	s0 =	sadd.s32 s7, s0  }
0x10: {  	v0 =	vimm.f32 $0.0e+00;
	s15 =	smax.u32 s15, $0x1;
	[dreg:$0x3] =	wrdreg s31;
	s14 =	sadd.s32 $0x65C00, s0  }
.LBB2_1:
0x11: {  	s0 =	rddreg [dreg:$0x3];
	s31 =	sand.u32 $0xFE00, s3  }
0x12: {  	[tilespmem:s3], [sflag:$0x1] =	stream.linear.gather [hbm4b:s0+s3], $0x100, $0x38;
	[tilespmem:$0x1C000] =	vst v63  }
0x13: {  	s26 =	simm.s32 $0x200;
	s30 =	sand.u32 $0x70, s3;
	s0 =	sshrl.u32 s31, $0x2  }
0x14: {  	s29 =	simm.s32 $0x40;
	s0 =	sor.u32 s30, s0;
	s30 =	simm.s32 $0x0  }
0x15: {  	[tilespmem:s26], [sflag:$0x1] =	stream.linear.gather [hbm4b:s9+s3], $0x100, $0x38;
	[tilespmem:$0x1C000] =	vst v63  }
.LBB2_2:
0x16: {  	p0 =	sne.s32 s29, $0xFFC0  }
0x17: {  	[tilespmem:s0+$0x400] =	vst v0;
	s30 =	sadd.s32 $0x10, s30;
	s0 =	smov.u32 s29;
	s29 =	sadd.s32 $0x40, s29  }
.Ltmp0:
0x18: {  	(pc) =	sbr.rel @p0 .LBB2_2-.Ltmp0, $4  }
0x19: {  	_ = 	snop  }
0x1a: {  	s0 =	sand.u32 $0xFE00, s0  }
0x1b: {  	s31 =	sand.u32 $0x70, s30;
	s0 =	sshrl.u32 s0, $0x2  }
0x1c: {  	s0 =	sor.u32 s31, s0  }
0x1d: {  	[tilespmem:s0+$0x400] =	vst v0  }
0x1e: {  	[spmem:s8] =	stream.linear.scatter [tilespmem:s18], [sflag:$0x4], $0x4000, $0x38;
	[tilespmem:$0x1C000] =	vst v63  }
0x1f: {  	_ =	swait.ge [sflag:s19], $0x4000  }
0x20: {  	[sflag:s19] =	ssyncset.done $0x0  }
0x21: {  	[sflag:s19] =	ssyncadd.s32 $0xFFFFC000  }
0x22: {  	[spmem:s10] =	stream.linear.scatter [tilespmem:s18], [sflag:$0x4], $0x4000, $0x38;
	[tilespmem:$0x1C000] =	vst v63  }
0x23: {  	_ =	swait.ge [sflag:s19], $0x4000  }
0x24: {  	[sflag:s19] =	ssyncset.done $0x0  }
0x25: {  	[sflag:s19] =	ssyncadd.s32 $0xFFFFC000  }
0x26: {  	[spmem:s11] =	stream.linear.scatter [tilespmem:s18], [sflag:$0x4], $0x4000, $0x38;
	[tilespmem:$0x1C000] =	vst v63  }
0x27: {  	_ =	swait.ge [sflag:s19], $0x4000  }
0x28: {  	[sflag:s19] =	ssyncset.done $0x0  }
0x29: {  	[sflag:s19] =	ssyncadd.s32 $0xFFFFC000  }
0x2a: {  	[spmem:s12] =	stream.linear.scatter [tilespmem:s18], [sflag:$0x4], $0x4000, $0x38;
	[tilespmem:$0x1C000] =	vst v63  }
0x2b: {  	_ =	swait.ge [sflag:s19], $0x4000  }
0x2c: {  	[sflag:s19] =	ssyncset.done $0x0  }
0x2d: {  	[sflag:s19] =	ssyncadd.s32 $0xFFFFC000  }
0x2e: {  	[spmem:s13] =	stream.linear.scatter [tilespmem:s18], [sflag:$0x4], $0x3C00, $0x38;
	[tilespmem:$0x1C000] =	vst v63  }
0x2f: {  	_ =	swait.ge [sflag:s19], $0x3C00  }
0x30: {  	[sflag:s19] =	ssyncset.done $0x0  }
0x31: {  	[sflag:s19] =	ssyncadd.s32 $0xFFFFC400  }
0x32: {  	_ =	swait.ge [sflag:s20], $0x100  }
0x33: {  	[sflag:s20] =	ssyncset.done $0x0  }
0x34: {  	[sflag:s20] =	ssyncadd.s32 $0xFFFFFF00  }
0x35: {  	s25 =	simm.s32 $0x0;
	_ =	swait.ge [sflag:s20], $0x100  }
0x36: {  	s29 =	simm.s32 $0x100;
	s30 =	sadd.s32 $0x100, s16;
	[sflag:s20] =	ssyncset.done $0x0  }
0x37: {  	s29 =	sand.u32 $0x300, s29;
	s30 =	sand.u32 $0xFFC00, s30;
	[sflag:s20] =	ssyncadd.s32 $0xFFFFFF00  }
0x38: {  	s0 =	sand.u32 $0x1, s25;
	s29 =	sor.u32 s29, s30;
	[bflag:$0x0] =	sbarrier.arrive $0xFFFF  }
0x39: {  	[tilespmem:s18], [sflag:$0x2] =	stream.indirect.gather [hbm4b:s4+s21], $0x80, s25, s21, $0xb8;
	[tilespmem:$0x1C000] =	vst v63  }
0x3a: {  	s30 =	sxor.u32 $0x1, s0;
	s29 =	sshrl.u32 s29, $0x3  }
0x3b: {  	[tilespmem:s22], [sflag:$0x3] =	stream.indirect.gather [hbm4b:s4+s21], $0x80, s21, s21, $0xb8;
	[tilespmem:$0x1C000] =	vst v63  }
0x3c: {  	s30 =	sshll.u32 s30, $0x8;
	s31 =	sadd.s32 s5, s29  }
0x3d: {  	[tilespmem:s30], [sflag:$0x1] =	stream.linear.gather [hbm4b:s31+s3], $0x100, $0x38;
	[tilespmem:$0x1C000] =	vst v63  }
0x3e: {  	s29 =	sadd.s32 s6, s29;
	s31 =	sor.u32 $0x200, s30  }
0x3f: {  	[tilespmem:s31], [sflag:$0x1] =	stream.linear.gather [hbm4b:s29+s3], $0x100, $0x38;
	[tilespmem:$0x1C000] =	vst v63  }
0x40: {  	_ =	swait.ge [sflag:s23], $0x4000  }
0x41: {  	s0 =	sshll.u32 s0, $0x8;
	[sflag:s23] =	ssyncset.done $0x0  }
0x42: {  	s29 =	sor.u32 $0x200, s0;
	[sflag:s23] =	ssyncadd.s32 $0xFFFFC000  }
0x43: {  	[spmem:s1] =	stream.indirect.scatter.add.f32 [tilespmem:s18], [sflag:$0x4], $0x80, s29, s21, $0xb8;
	[tilespmem:$0x1C000] =	vst v63  }
0x44: {  	_ =	swait.ge [sflag:s19], $0x4000  }
0x45: {  	[sflag:s19] =	ssyncset.done $0x0  }
0x46: {  	[sflag:s19] =	ssyncadd.s32 $0xFFFFC000  }
0x47: {  	_ =	swait.ge [sflag:s20], $0x100  }
0x48: {  	[sflag:s20] =	ssyncset.done $0x0  }
0x49: {  	[sflag:s20] =	ssyncadd.s32 $0xFFFFFF00  }
0x4a: {  	_ =	swait.ge [sflag:s20], $0x100  }
0x4b: {  	[sflag:s20] =	ssyncset.done $0x0  }
0x4c: {  	s17 =	sadd.s32 $0x200, s16;
	[sflag:s20] =	ssyncadd.s32 $0xFFFFFF00  }
0x4d: {  	[tilespmem:s18], [sflag:$0x2] =	stream.indirect.gather [hbm4b:s4+s21], $0x80, s30, s21, $0xb8;
	[tilespmem:$0x1C000] =	vst v63  }
0x4e: {  	s17 =	sand.u32 $0xFFC00, s17;
	s31 =	simm.s32 $0x300;
	_ =	swait.ge [sflag:s24], $0x4000  }
0x4f: {  	s0 =	sor.u32 $0x280, s0;
	s29 =	simm.s32 $0x200;
	[sflag:s24] =	ssyncset.done $0x0  }
0x50: {  	s26 =	sand.u32 $0x300, s29;
	s29 =	simm.s32 $0x1;
	[sflag:s24] =	ssyncadd.s32 $0xFFFFC000  }
0x51: {  	[spmem:s1] =	stream.indirect.scatter.add.f32 [tilespmem:s22], [sflag:$0x4], $0x80, s0, s21, $0xb8;
	[tilespmem:$0x1C000] =	vst v63  }
0x52: {  	s30 =	sor.u32 $0x80, s30;
	s0 =	sor.u32 s26, s17;
	_ =	swait.ge [sflag:s19], $0x4000  }
.LBB2_4:
0x53: {  	s17 =	sand.u32 $0x1, s29  }
0x54: {  	s0 =	sshrl.u32 s0, $0x3;
	[sflag:s19] =	ssyncset.done $0x0;
	s2 =	smov.u32 s31  }
0x55: {  	s25 =	sxor.u32 $0x1, s17;
	s17 =	sshll.u32 s17, $0x8;
	[sflag:s19] =	ssyncadd.s32 $0xFFFFC000  }
0x56: {  	[tilespmem:s22], [sflag:$0x3] =	stream.indirect.gather [hbm4b:s4+s21], $0x80, s30, s21, $0xb8;
	[tilespmem:$0x1C000] =	vst v63  }
0x57: {  	s26 =	sadd.s32 $0x100, s31;
	s25 =	sshll.u32 s25, $0x8;
	s30 =	sadd.s32 s5, s0  }
0x58: {  	[tilespmem:s25], [sflag:$0x1] =	stream.linear.gather [hbm4b:s30+s3], $0x100, $0x38;
	[tilespmem:$0x1C000] =	vst v63  }
0x59: {  	s0 =	sadd.s32 s6, s0;
	s7 =	sor.u32 $0x200, s25;
	s30 =	sor.u32 $0x80, s25  }
0x5a: {  	[tilespmem:s7], [sflag:$0x1] =	stream.linear.gather [hbm4b:s0+s3], $0x100, $0x38;
	[tilespmem:$0x1C000] =	vst v63  }
0x5b: {  	p0 =	sne.s32 s31, $0x2700;
	_ =	swait.ge [sflag:s23], $0x4000  }
0x5c: {  	[sflag:s23] =	ssyncset.done $0x0  }
0x5d: {  	s0 =	sor.u32 $0x200, s17;
	[sflag:s23] =	ssyncadd.s32 $0xFFFFC000  }
0x5e: {  	[spmem:s1] =	stream.indirect.scatter.add.f32 [tilespmem:s18], [sflag:$0x4], $0x80, s0, s21, $0xb8;
	[tilespmem:$0x1C000] =	vst v63  }
0x5f: {  	_ =	swait.ge [sflag:s19], $0x4000  }
0x60: {  	[sflag:s19] =	ssyncset.done $0x0  }
0x61: {  	[sflag:s19] =	ssyncadd.s32 $0xFFFFC000  }
0x62: {  	_ =	swait.ge [sflag:s20], $0x100  }
0x63: {  	[sflag:s20] =	ssyncset.done $0x0  }
0x64: {  	[sflag:s20] =	ssyncadd.s32 $0xFFFFFF00  }
0x65: {  	_ =	swait.ge [sflag:s20], $0x100  }
0x66: {  	[sflag:s20] =	ssyncset.done $0x0  }
0x67: {  	[sflag:s20] =	ssyncadd.s32 $0xFFFFFF00  }
0x68: {  	[tilespmem:s18], [sflag:$0x2] =	stream.indirect.gather [hbm4b:s4+s21], $0x80, s25, s21, $0xb8;
	[tilespmem:$0x1C000] =	vst v63  }
.Ltmp1:
0x69: {  	s29 =	sadd.s32 $0x1, s29;
	_ =	swait.ge [sflag:s24], $0x4000;
	(pc) =	sbr.rel @p0 .LBB2_4-.Ltmp1, $4  }
0x6a: {  	s0 =	sadd.s32 s2, s16;
	s2 =	sand.u32 $0x300, s2;
	[sflag:s24] =	ssyncset.done $0x0  }
0x6b: {  	s7 =	sor.u32 $0x280, s17;
	s0 =	sand.u32 $0xFFC00, s0;
	[sflag:s24] =	ssyncadd.s32 $0xFFFFC000  }
0x6c: {  	[spmem:s1] =	stream.indirect.scatter.add.f32 [tilespmem:s22], [sflag:$0x4], $0x80, s7, s21, $0xb8;
	[tilespmem:$0x1C000] =	vst v63  }
0x6d: {  	s31 =	smov.u32 s26;
	s0 =	sor.u32 s2, s0;
	_ =	swait.ge [sflag:s19], $0x4000  }
0x6e: {  	s2 =	sand.u32 $0x1, s29;
	[sflag:s19] =	ssyncset.done $0x0  }
0x6f: {  	s0 =	sshrl.u32 s0, $0x3;
	s7 =	sxor.u32 $0x1, s2;
	[sflag:s19] =	ssyncadd.s32 $0xFFFFC000  }
0x70: {  	[tilespmem:s22], [sflag:$0x3] =	stream.indirect.gather [hbm4b:s4+s21], $0x80, s30, s21, $0xb8;
	[tilespmem:$0x1C000] =	vst v63  }
0x71: {  	s17 =	sadd.s32 s5, s0;
	s7 =	sshll.u32 s7, $0x8  }
0x72: {  	[tilespmem:s7], [sflag:$0x1] =	stream.linear.gather [hbm4b:s17+s3], $0x100, $0x38;
	[tilespmem:$0x1C000] =	vst v63  }
0x73: {  	s0 =	sadd.s32 s6, s0;
	s31 =	sor.u32 $0x200, s7  }
0x74: {  	[tilespmem:s31], [sflag:$0x1] =	stream.linear.gather [hbm4b:s0+s3], $0x100, $0x38;
	[tilespmem:$0x1C000] =	vst v63  }
0x75: {  	_ =	swait.ge [sflag:s23], $0x4000  }
0x76: {  	s17 =	sshll.u32 s2, $0x8;
	[sflag:s23] =	ssyncset.done $0x0  }
0x77: {  	s2 =	sor.u32 $0x200, s17;
	[sflag:s23] =	ssyncadd.s32 $0xFFFFC000  }
0x78: {  	[spmem:s1] =	stream.indirect.scatter.add.f32 [tilespmem:s18], [sflag:$0x4], $0x80, s2, s21, $0xb8;
	[tilespmem:$0x1C000] =	vst v63  }
0x79: {  	_ =	swait.ge [sflag:s19], $0x4000  }
0x7a: {  	[sflag:s19] =	ssyncset.done $0x0  }
0x7b: {  	[sflag:s19] =	ssyncadd.s32 $0xFFFFC000  }
0x7c: {  	_ =	swait.ge [sflag:s20], $0x100  }
0x7d: {  	[sflag:s20] =	ssyncset.done $0x0  }
0x7e: {  	[sflag:s20] =	ssyncadd.s32 $0xFFFFFF00  }
0x7f: {  	_ =	swait.ge [sflag:s20], $0x100  }
0x80: {  	[sflag:s20] =	ssyncset.done $0x0  }
0x81: {  	[sflag:s20] =	ssyncadd.s32 $0xFFFFFF00  }
0x82: {  	[tilespmem:s18], [sflag:$0x2] =	stream.indirect.gather [hbm4b:s4+s21], $0x80, s7, s21, $0xb8;
	[tilespmem:$0x1C000] =	vst v63  }
0x83: {  	_ =	swait.ge [sflag:s24], $0x4000  }
0x84: {  	[sflag:s24] =	ssyncset.done $0x0  }
0x85: {  	s0 =	sor.u32 $0x280, s17;
	[sflag:s24] =	ssyncadd.s32 $0xFFFFC000  }
0x86: {  	[spmem:s1] =	stream.indirect.scatter.add.f32 [tilespmem:s22], [sflag:$0x4], $0x80, s0, s21, $0xb8;
	[tilespmem:$0x1C000] =	vst v63  }
0x87: {  	_ =	swait.ge [sflag:s19], $0x4000  }
0x88: {  	[sflag:s19] =	ssyncset.done $0x0  }
0x89: {  	s25 =	sor.u32 $0x80, s7;
	[sflag:s19] =	ssyncadd.s32 $0xFFFFC000  }
0x8a: {  	[tilespmem:s22], [sflag:$0x3] =	stream.indirect.gather [hbm4b:s4+s21], $0x80, s25, s21, $0xb8;
	[tilespmem:$0x1C000] =	vst v63  }
0x8b: {  	_ =	swait.ge [sflag:s23], $0x4000  }
0x8c: {  	[sflag:s23] =	ssyncset.done $0x0  }
0x8d: {  	s26 =	simm.s32 $0x300;
	[sflag:s23] =	ssyncadd.s32 $0xFFFFC000  }
0x8e: {  	[spmem:s1] =	stream.indirect.scatter.add.f32 [tilespmem:s18], [sflag:$0x4], $0x80, s26, s21, $0xb8;
	[tilespmem:$0x1C000] =	vst v63  }
0x8f: {  	_ =	swait.ge [sflag:s19], $0x4000  }
0x90: {  	[sflag:s19] =	ssyncset.done $0x0  }
0x91: {  	[sflag:s19] =	ssyncadd.s32 $0xFFFFC000  }
0x92: {  	_ =	swait.ge [sflag:s24], $0x4000  }
0x93: {  	[sflag:s24] =	ssyncset.done $0x0  }
0x94: {  	s29 =	simm.s32 $0x380;
	[sflag:s24] =	ssyncadd.s32 $0xFFFFC000  }
0x95: {  	[spmem:s1] =	stream.indirect.scatter.add.f32 [tilespmem:s22], [sflag:$0x4], $0x80, s29, s21, $0xb8;
	[tilespmem:$0x1C000] =	vst v63  }
0x96: {  	s28 =	sadd.s32 $0x1, s28;
	_ =	swait.ge [sflag:s19], $0x4000  }
0x97: {  	p0 =	sne.s32 s28, s15;
	s30 =	stileid.u32;
	[sflag:s19] =	ssyncset.done $0x0  }
0x98: {  	s31 =	sshrl.u32 s8, $0x3;
	s0 =	sshll.u32 s30, $0x6;
	[sflag:s19] =	ssyncadd.s32 $0xFFFFC000  }
.Ltmp2:
0x99: {  	s0 =	sor.u32 $0x1C04, s0;
	[bflag:$0x0] =	sbarrier.arrive $0xFFFF;
	(pc) =	sbr.rel @p0 .LBB2_1-.Ltmp2, $4  }
0x9a: {  	[hbm:s14], [sflag:s0] =	dma.local [spmem:s31], $0x2780  }
0x9b: {  	_ =	swait.ge [sflag:s19], $0x2780  }
0x9c: {  	[sflag:s19] =	ssyncset.done $0x0  }
0x9d: {  	[sflag:s19] =	ssyncadd.s32 $0xFFFFD880  }
0x9e: {  	_ =	sfence.sel $0x180000  }
0x9f: {  	[bflag:$0x0] =	sbarrier.arrive $0xFFFF  }
0xa0: {  	_ =	strace $0x9000004A  }
0xa1: {  	s0 =	stileid.u32;
	[bflag:$0x2] =	sbarrier.arrive $0xFFFF  }
0xa2: {  	p0 =	sne.s32 s0, $0x0;
	s0 =	rddreg [dreg:$0x2]  }
0xa3: {  	s0 =	sadd.s32 @!p0 $0x100000, s0  }
0xa4: {  	[sflag:s0] =	ssyncadd.tile.s32 @!p0 $0x1;
	_ =	shalt  }
.Lfunc_end2:
_tile_overlayer_lowered:
.L_overlay_start_2:
0xa5: {  	(tag) =	ssettag $0x2  }
0xa6: {  	s0 =	rddreg [dreg:$0x0];
	s2 =	stileid.u32  }
0xa7: {  	s1 =	rddreg [dreg:$0x1];
	p0 =	sne.s32 s2, $0x0  }
0xa8: {  	s3 =	rddreg [dreg:$0x2];
	[bflag:$0x3] =	sbarrier.arrive $0xFFFF;
	s2 =	simm.s32 @!p0 $0x1C04  }
0xa9: {  	[timem:s3], [sflag:s2] =	dma.local @!p0 [hbm:s0], s1  }
0xaa: {  	s0 =	simm.s32 @!p0 $0x4  }
0xab: {  	_ =	swait.ge @!p0 [sflag:s0], s1  }
0xac: {  	s1 =	ssub.s32 @!p0 $0x0, s1;
	[sflag:s0] =	ssyncset.done @!p0 $0x0  }
0xad: {  	[sflag:s0] =	ssyncadd.s32 @!p0 s1  }
0xae: {  	[bflag:$0x3] =	sbarrier.arrive $0xFFFF  }
0xaf: {  	_ =	shalt  }

// kernel: kernel.14.cloned.1.call-start
scs
__scs_entry_jumppad:
0x0: {  	(pc) =	sbr.rel $0x88, $3  }
0x1: {  	(tag) =	ssettag $0x0;
	lr =	simm.s32 $0x1  }
0x2: {  	[smem:$0x3F98] =	sst lr;
	_ =	strace $0xD0000000  }
0x3: {  	_ = 	snop  }
0x4: {  	_ = 	snop  }
0x5: {  	_ = 	snop  }
0x6: {  	_ = 	snop  }
0x7: {  	_ = 	snop  }
__scs_overlays_trampoline_lowered:
0x8: {  	[smem:$0x3FA7] =	sst s0  }
0x9: {  	[smem:$0x3FA8] =	sst s1  }
0xa: {  	[smem:$0x3FA9] =	sst s2  }
0xb: {  	[smem:$0x3FAA] =	sst s3  }
0xc: {  	[smem:$0x3FAB] =	sst s4  }
0xd: {  	[smem:$0x3FAC] =	sst s5  }
0xe: {  	[smem:$0x3FAD] =	sst s6  }
0xf: {  	[smem:$0x3FAE] =	sst s7  }
0x10: {  	[smem:$0x3FAF] =	sst s8  }
0x11: {  	[smem:$0x3FB0] =	sst s9;
	s0 =	simm.s32 @!p0 $0x0  }
0x12: {  	s1 =	sld [smem:$0x3F96];
	s0 =	simm.s32 @p0 $0x1  }
0x13: {  	[smem:$0x3FB1] =	sst s0;
	s0 =	simm.s32 @!p1 $0x0  }
0x14: {  	s2 =	sld [smem:$0x3F95];
	s0 =	simm.s32 @p1 $0x1  }
0x15: {  	[smem:$0x3FB2] =	sst s0;
	s0 =	simm.s32 @!p2 $0x0  }
0x16: {  	s3 =	sld [smem:$0x3FDB];
	s0 =	simm.s32 @p2 $0x1  }
0x17: {  	s4 =	simm.s32 $0x1BF5;
	[smem:$0x3FB4] =	sst s0  }
0x18: {  	s0 =	sld [smem:$0x3F97];
	_ =	swait.ge [sflag:s4], $0x0  }
0x19: {  	s7 =	sld [smem:$0x3F98]  }
0x1a: {  	s8 =	sadd.s32 $0xFFFFE003, lr  }
0x1b: {  	s9 =	sadd.s32 $0xFFFFFEF7, lr;
	s5 =	simm.s32 $0xFFFFFFFF;
	p2 =	slt.u32 s8, $0xFFFFF086  }
0x1c: {  	p1 =	slt.u32 s9, $0xF7A;
	s5 =	simm.s32 @!p2 $0x0  }
0x1d: {  	s5 =	simm.s32 @p1 $0x1;
	p0 =	seq.s32 s7, s2  }
0x1e: {  	s7 =	smul.u32 @!p0 $0xF7A, s2;
	p2 =	seq.s32 @!p0 s5, $0x0  }
0x1f: {  	s9 =	smul.u32 $0xF7A, s1;
	s8 =	simm.s32 @!p0 $0x1BF5;
	p2 =	por !p2, p0  }
0x20: {  	[sflag:s8] =	ssyncset.s32 @!p0 $0xFFFFF086;
	s6 =	sadd.s32 @!p0 s3, s7;
	s7 =	simm.s32 @!p0 $0x108  }
0x21: {  	s3 =	sadd.s32 s3, s9;
	s6 =	sadd.s32 @!p0 $0x88, s6;
	s7 =	simm.s32 @p2 $0x1082  }
0x22: {  	[simem:s7], [sflag:s8] =	dma.local @!p0 [hbm:s6], $0xF7A  }
0x23: {  	s9 =	sor.u32 $0xD0000000, s2;
	s6 =	simm.s32 $0x108;
	_ =	swait.ge @!p0 [sflag:s8], $0x0  }
0x24: {  	s3 =	sadd.s32 $0x88, s3;
	s6 =	simm.s32 @!p1 $0x1082;
	[sflag:s4] =	ssyncset.s32 $0xFFFFF086  }
0x25: {  	[simem:s6], [sflag:s4] =	dma.local [hbm:s3], $0xF7A  }
0x26: {  	[smem:$0x3F98] =	sst s1;
	(tag) =	ssettag s2;
	_ =	strace s9  }
0x27: {  	s1 =	sld [smem:$0x3FA8]  }
0x28: {  	s2 =	sld [smem:$0x3FA9]  }
0x29: {  	s4 =	sld [smem:$0x3FAB]  }
0x2a: {  	p0 =	seq.s32 s5, $0x0;
	s5 =	sld [smem:$0x3FAC]  }
0x2b: {  	s6 =	sld [smem:$0x3FAD]  }
0x2c: {  	s7 =	sld [smem:$0x3FAE]  }
0x2d: {  	s3 =	simm.s32 $0x108;
	s8 =	sld [smem:$0x3FAF]  }
0x2e: {  	s3 =	simm.s32 @!p0 $0x1082;
	s9 =	sld [smem:$0x3FB0]  }
0x2f: {  	lr =	sadd.s32 s0, s3;
	s0 =	sld [smem:$0x3FA7]  }
0x30: {  	s3 =	sld [smem:$0x3FAA]  }
0x31: {  	[smem:$0x3FB3] =	sst s10  }
0x32: {  	s10 =	sld [smem:$0x3FB1];
	_ =	sdelay $0x3  }
0x33: {  	p0 =	seq.s32 s10, $0x1;
	s10 =	sld [smem:$0x3FB3];
	_ =	sdelay $0x3  }
0x34: {  	[smem:$0x3FB3] =	sst s10  }
0x35: {  	s10 =	sld [smem:$0x3FB2];
	_ =	sdelay $0x3  }
0x36: {  	p1 =	seq.s32 s10, $0x1;
	s10 =	sld [smem:$0x3FB3];
	_ =	sdelay $0x3  }
0x37: {  	[smem:$0x3FB3] =	sst s10  }
0x38: {  	s10 =	sld [smem:$0x3FB4]  }
0x39: {  	_ = 	snop;
	(pc) =	sbr.ind lr, $3  }
0x3a: {  	_ = 	snop  }
0x3b: {  	_ = 	snop  }
0x3c: {  	p2 =	seq.s32 s10, $0x1;
	s10 =	sld [smem:$0x3FB3]  }
0x3d: {  	_ =	shalt  }
0x3e: {  	_ =	shalt  }
0x3f: {  	_ =	shalt  }
0x40: {  	_ =	shalt  }
0x41: {  	_ =	shalt  }
0x42: {  	_ =	shalt  }
0x43: {  	_ =	shalt  }
0x44: {  	_ =	shalt  }
0x45: {  	_ =	shalt  }
0x46: {  	_ =	shalt  }
0x47: {  	_ =	shalt  }
0x48: {  	_ =	shalt  }
0x49: {  	_ =	shalt  }
0x4a: {  	_ =	shalt  }
0x4b: {  	_ =	shalt  }
0x4c: {  	_ =	shalt  }
0x4d: {  	_ =	shalt  }
0x4e: {  	_ =	shalt  }
0x4f: {  	_ =	shalt  }
0x50: {  	_ =	shalt  }
0x51: {  	_ =	shalt  }
0x52: {  	_ =	shalt  }
0x53: {  	_ =	shalt  }
0x54: {  	_ =	shalt  }
0x55: {  	_ =	shalt  }
0x56: {  	_ =	shalt  }
0x57: {  	_ =	shalt  }
0x58: {  	_ =	shalt  }
0x59: {  	_ =	shalt  }
0x5a: {  	_ =	shalt  }
0x5b: {  	_ =	shalt  }
0x5c: {  	_ =	shalt  }
0x5d: {  	_ =	shalt  }
0x5e: {  	_ =	shalt  }
0x5f: {  	_ =	shalt  }
0x60: {  	_ =	shalt  }
0x61: {  	_ =	shalt  }
0x62: {  	_ =	shalt  }
0x63: {  	_ =	shalt  }
0x64: {  	_ =	shalt  }
0x65: {  	_ =	shalt  }
0x66: {  	_ =	shalt  }
0x67: {  	_ =	shalt  }
0x68: {  	_ =	shalt  }
0x69: {  	_ =	shalt  }
0x6a: {  	_ =	shalt  }
0x6b: {  	_ =	shalt  }
0x6c: {  	_ =	shalt  }
0x6d: {  	_ =	shalt  }
0x6e: {  	_ =	shalt  }
0x6f: {  	_ =	shalt  }
0x70: {  	_ =	shalt  }
0x71: {  	_ =	shalt  }
0x72: {  	_ =	shalt  }
0x73: {  	_ =	shalt  }
0x74: {  	_ =	shalt  }
0x75: {  	_ =	shalt  }
0x76: {  	_ =	shalt  }
0x77: {  	_ =	shalt  }
0x78: {  	_ =	shalt  }
0x79: {  	_ =	shalt  }
0x7a: {  	_ =	shalt  }
0x7b: {  	_ =	shalt  }
0x7c: {  	_ =	shalt  }
0x7d: {  	_ =	shalt  }
0x7e: {  	_ =	shalt  }
0x7f: {  	_ =	shalt  }
0x80: {  	_ =	shalt  }
0x81: {  	_ =	shalt  }
0x82: {  	_ =	shalt  }
0x83: {  	_ =	shalt  }
0x84: {  	_ =	shalt  }
0x85: {  	_ =	shalt  }
0x86: {  	_ =	shalt  }
0x87: {  	_ =	shalt  }
.Lfunc_end0:
.L_simem_size_0:
called_computation.2_lowered:
.L_overlay_start_0:
0x88: {  	s2 =	sld [smem:$0x3FD9]  }
0x89: {  	s3 =	sld [smem:$0x3FFE];
	_ =	sdelay $0x1  }
0x8a: {  	s1 =	srdreg.scid  }
0x8b: {  	s0 =	sand.u32 $0x1, s1  }
0x8c: {  	s16 =	sshll.u32 s0, $0xA;
	s2 =	sadd.s32 s3, s2  }
0x8d: {  	s2 =	sadd.s32 s2, s16  }
0x8e: {  	[smem:$0x3FBF] =	sst s2  }
0x8f: {  	_ = 	snop  }
0x90: {  	(tm) =	ssettm $0x1  }
0x91: {  	s17 =	sld [smem:$0x3FFB];
	_ =	sdelay $0x3  }
0x92: {  	_ =	strace s17  }
0x93: {  	s2 =	sld [smem:$0x3FFC];
	_ =	sdelay $0x3  }
0x94: {  	_ =	strace s2  }
0x95: {  	s2 =	sld [smem:$0x3FFD];
	_ =	sdelay $0x3  }
0x96: {  	_ =	strace s2  }
0x97: {  	_ =	strace $0x8FFFFFFF  }
0x98: {  	s18 =	sld [smem:$0x3FDB];
	_ =	sdelay $0x1  }
0x99: {  	s19 =	simm.s32 $_scs_section_size  }
0x9a: {  	s4 =	simm.s32 $_size__tile_overlayer_lowered;
	s5 =	simm.s32 $_tile_overlayer_lowered  }
0x9b: {  	s22 =	simm.s32 $0x1BFF;
	s21 =	sshll.u32 s5, $0x1;
	s2 =	sadd.s32 s19, s18  }
0x9c: {  	s6 =	simm.s32 $0x0;
	s20 =	sshll.u32 s4, $0x1;
	s4 =	sadd.s32 s21, s2  }
0x9d: {  	[timem:s6], [sflag:s22] =	dma.local [hbm:s4], s20  }
0x9e: {  	_ =	swait.ge [sflag:s22], s20  }
0x9f: {  	s3 =	ssub.s32 $0x0, s20;
	[sflag:s22] =	ssyncset.done $0x0  }
0xa0: {  	[sflag:s22] =	ssyncadd.s32 s3;
	_ =	sdelay $0x1  }
0xa1: {  	s23 =	simm.s32 $0x1B8B  }
0xa2: {  	_ =	swait.ge [sflag:s23], $0x1  }
0xa3: {  	[sflag:s23] =	ssyncset.done $0x0  }
0xa4: {  	s25 =	simm.s32 $0x1B8E;
	s24 =	sld [smem:$0x3FFE];
	[sflag:s23] =	ssyncadd.s32 $0xFFFFFFFF  }
0xa5: {  	s26 =	simm.s32 $execute0_lowered;
	[smem:$0x3FD2] =	sst s25  }
0xa6: {  	s4 =	sshll.u32 s26, $0x1;
	_ =	strace $0x8000004C;
	[dreg:$0x1] =	wrdreg $0xFFFFFFFF  }
0xa7: {  	s28 =	simm.s32 $_size_execute0_lowered;
	s2 =	sadd.s32 s2, s4;
	[dreg:$0x0] =	wrdreg $0x0  }
0xa8: {  	s4 =	sshll.u32 s28, $0x1;
	[dreg:$0x2] =	wrdreg s2  }
0xa9: {  	[dreg:$0x3] =	wrdreg s4  }
0xaa: {  	[dreg:$0x4] =	wrdreg $0xC0  }
0xab: {  	_ =	task [dreg:s6], $0x5FFFF  }
0xac: {  	[dreg:$0x1] =	wrdreg $0xFFFFFFFF  }
0xad: {  	[dreg:$0x0] =	wrdreg $0x60  }
0xae: {  	[dreg:$0x2] =	wrdreg s24  }
0xaf: {  	[dreg:$0x3] =	wrdreg $0x84000  }
0xb0: {  	[dreg:$0x4] =	wrdreg $0x9  }
0xb1: {  	_ =	task.clear_ibuf [dreg:s6], $0x5FFFF;
	_ =	strace $0x9000004C  }
0xb2: {  	s29 =	simm.s32 $0x9;
	_ =	strace $0x8000004E  }
0xb3: {  	_ =	swait.ge [sflag:s29], $0x1  }
0xb4: {  	[sflag:s29] =	ssyncadd.s32 $0xFFFFFFFF  }
0xb5: {  	_ =	strace $0x9000004E  }
0xb6: {  	_ =	sfence  }
0xb7: {  	s30 =	sld [smem:$0x0];
	_ =	sdelay $0x2  }
0xb8: {  	s31 =	sshll.u32 s1, $0xD;
	s1 =	sshrl.u32 s1, $0x2  }
0xb9: {  	s3 =	sand.u32 $0x4000, s31;
	s1 =	sadd.s32 s1, s30  }
0xba: {  	s0 =	sor.u32 s3, s0;
	s1 =	sshll.u32 s1, $0x11  }
0xbb: {  	s0 =	sor.u32 s1, s0  }
0xbc: {  	s0 =	sadd.s32 $0x8F2B, s0  }
0xbd: {  	[sflag:s0] =	ssyncadd.remote.s32 $0x1  }
0xbe: {  	_ =	sfence.sel $0xFFFF  }
0xbf: {  	[dreg:$0x0] =	wrdreg $0xFFFFFFFF;
	(pc) =	sbr.abs _section_cstart, $3  }
0xc0: {  	[dreg:$0x1] =	wrdreg $0xFFFFFFFF  }
0xc1: {  	_ =	task.clear_ibuf [dreg:s6], $0x2FFFF;
	_ =	strace $0x9FFFFFFF  }
0xc2: {  	(tm) =	ssettm $0x7FFFFFFF  }
0xc3: {  	_ =	shalt  }
tec
execute0_lowered:
.L_overlay_start_1:
0x0: {  	(tag) =	ssettag $0x1  }
0x1: {  	s0 =	rddreg [dreg:$0x0]  }
0x2: {  	s1 =	rddreg [dreg:$0x1];
	s3 =	simm.s32 $0x0  }
0x3: {  	s2 =	srdreg.scid;
	s24 =	stileid.u32;
	s18 =	simm.s32 $0x400  }
0x4: {  	s19 =	simm.s32 $0x4;
	s20 =	simm.s32 $0x1;
	s21 =	simm.s32 $0x80  }
0x5: {  	s22 =	simm.s32 $0x4400;
	s23 =	simm.s32 $0x2;
	s28 =	simm.s32 $0x0  }
0x6: {  	[smem:$0x7FF] =	sst s3;
	s13 =	sand.u32 $0x1, s2;
	s8 =	smul.u32 $0x13C00, s24  }
0x7: {  	s4 =	sadd.s32 $0x17800, s0;
	s5 =	sadd.s32 $0xD800, s0;
	s26 =	smul.u32 $0x4F000, s24  }
0x8: {  	s6 =	sadd.s32 $0x3800, s0;
	s9 =	sshll.u32 s24, $0x1;
	s16 =	smul.u32 $0x5000, s24  }
0x9: {  	s24 =	simm.s32 $0x3;
	s7 =	smul.u32 $0x13C000, s13;
	_ =	strace $0x8000004D  }
0xa: {  	s25 =	sor.u32 s13, s9;
	s10 =	ssub.s32 $0x2, s13;
	s17 =	smul.u32 $0x2800, s13  }
0xb: {  	s11 =	smul.u32 $0x500, s25;
	s29 =	sshrl.u32 s10, $0x1;
	s30 =	sshrl.u32 s26, $0x2  }
0xc: {  	s7 =	sadd.s32 s8, s7;
	s15 =	ssub.s32 s10, s29;
	s8 =	sadd.s32 s30, s1  }
0xd: {  	s16 =	sadd.s32 s17, s16;
	s7 =	sshrl.u32 s7, $0x3;
	s31 =	sadd.s32 s5, s11  }
0xe: {  	s9 =	sadd.s32 s6, s11;
	s10 =	sadd.s32 $0x4000, s8;
	s11 =	sadd.s32 $0x8000, s8  }
0xf: {  	s12 =	sadd.s32 $0xC000, s8;
	s13 =	sadd.s32 $0x10000, s8;
	s0 =	sadd.s32 s7, s0  }
0x10: {  	v0 =	vimm.f32 $0.0e+00;
	s15 =	smax.u32 s15, $0x1;
	[dreg:$0x3] =	wrdreg s31;
	s14 =	sadd.s32 $0x65C00, s0  }
.LBB2_1:
0x11: {  	s0 =	rddreg [dreg:$0x3];
	s31 =	sand.u32 $0xFE00, s3  }
0x12: {  	[tilespmem:s3], [sflag:$0x1] =	stream.linear.gather [hbm4b:s0+s3], $0x100, $0x38;
	[tilespmem:$0x1C000] =	vst v63  }
0x13: {  	s26 =	simm.s32 $0x200;
	s30 =	sand.u32 $0x70, s3;
	s0 =	sshrl.u32 s31, $0x2  }
0x14: {  	s29 =	simm.s32 $0x40;
	s0 =	sor.u32 s30, s0;
	s30 =	simm.s32 $0x0  }
0x15: {  	[tilespmem:s26], [sflag:$0x1] =	stream.linear.gather [hbm4b:s9+s3], $0x100, $0x38;
	[tilespmem:$0x1C000] =	vst v63  }
.LBB2_2:
0x16: {  	p0 =	sne.s32 s29, $0xFFC0  }
0x17: {  	[tilespmem:s0+$0x400] =	vst v0;
	s30 =	sadd.s32 $0x10, s30;
	s0 =	smov.u32 s29;
	s29 =	sadd.s32 $0x40, s29  }
.Ltmp0:
0x18: {  	(pc) =	sbr.rel @p0 .LBB2_2-.Ltmp0, $4  }
0x19: {  	_ = 	snop  }
0x1a: {  	s0 =	sand.u32 $0xFE00, s0  }
0x1b: {  	s31 =	sand.u32 $0x70, s30;
	s0 =	sshrl.u32 s0, $0x2  }
0x1c: {  	s0 =	sor.u32 s31, s0  }
0x1d: {  	[tilespmem:s0+$0x400] =	vst v0  }
0x1e: {  	[spmem:s8] =	stream.linear.scatter [tilespmem:s18], [sflag:$0x4], $0x4000, $0x38;
	[tilespmem:$0x1C000] =	vst v63  }
0x1f: {  	_ =	swait.ge [sflag:s19], $0x4000  }
0x20: {  	[sflag:s19] =	ssyncset.done $0x0  }
0x21: {  	[sflag:s19] =	ssyncadd.s32 $0xFFFFC000  }
0x22: {  	[spmem:s10] =	stream.linear.scatter [tilespmem:s18], [sflag:$0x4], $0x4000, $0x38;
	[tilespmem:$0x1C000] =	vst v63  }
0x23: {  	_ =	swait.ge [sflag:s19], $0x4000  }
0x24: {  	[sflag:s19] =	ssyncset.done $0x0  }
0x25: {  	[sflag:s19] =	ssyncadd.s32 $0xFFFFC000  }
0x26: {  	[spmem:s11] =	stream.linear.scatter [tilespmem:s18], [sflag:$0x4], $0x4000, $0x38;
	[tilespmem:$0x1C000] =	vst v63  }
0x27: {  	_ =	swait.ge [sflag:s19], $0x4000  }
0x28: {  	[sflag:s19] =	ssyncset.done $0x0  }
0x29: {  	[sflag:s19] =	ssyncadd.s32 $0xFFFFC000  }
0x2a: {  	[spmem:s12] =	stream.linear.scatter [tilespmem:s18], [sflag:$0x4], $0x4000, $0x38;
	[tilespmem:$0x1C000] =	vst v63  }
0x2b: {  	_ =	swait.ge [sflag:s19], $0x4000  }
0x2c: {  	[sflag:s19] =	ssyncset.done $0x0  }
0x2d: {  	[sflag:s19] =	ssyncadd.s32 $0xFFFFC000  }
0x2e: {  	[spmem:s13] =	stream.linear.scatter [tilespmem:s18], [sflag:$0x4], $0x3C00, $0x38;
	[tilespmem:$0x1C000] =	vst v63  }
0x2f: {  	_ =	swait.ge [sflag:s19], $0x3C00  }
0x30: {  	[sflag:s19] =	ssyncset.done $0x0  }
0x31: {  	[sflag:s19] =	ssyncadd.s32 $0xFFFFC400  }
0x32: {  	_ =	swait.ge [sflag:s20], $0x100  }
0x33: {  	[sflag:s20] =	ssyncset.done $0x0  }
0x34: {  	[sflag:s20] =	ssyncadd.s32 $0xFFFFFF00  }
0x35: {  	s25 =	simm.s32 $0x0;
	_ =	swait.ge [sflag:s20], $0x100  }
0x36: {  	s29 =	simm.s32 $0x100;
	s30 =	sadd.s32 $0x100, s16;
	[sflag:s20] =	ssyncset.done $0x0  }
0x37: {  	s29 =	sand.u32 $0x300, s29;
	s30 =	sand.u32 $0xFFC00, s30;
	[sflag:s20] =	ssyncadd.s32 $0xFFFFFF00  }
0x38: {  	s0 =	sand.u32 $0x1, s25;
	s29 =	sor.u32 s29, s30;
	[bflag:$0x0] =	sbarrier.arrive $0xFFFF  }
0x39: {  	[tilespmem:s18], [sflag:$0x2] =	stream.indirect.gather [hbm4b:s4+s21], $0x80, s25, s21, $0xb8;
	[tilespmem:$0x1C000] =	vst v63  }
0x3a: {  	s30 =	sxor.u32 $0x1, s0;
	s29 =	sshrl.u32 s29, $0x3  }
0x3b: {  	[tilespmem:s22], [sflag:$0x3] =	stream.indirect.gather [hbm4b:s4+s21], $0x80, s21, s21, $0xb8;
	[tilespmem:$0x1C000] =	vst v63  }
0x3c: {  	s30 =	sshll.u32 s30, $0x8;
	s31 =	sadd.s32 s5, s29  }
0x3d: {  	[tilespmem:s30], [sflag:$0x1] =	stream.linear.gather [hbm4b:s31+s3], $0x100, $0x38;
	[tilespmem:$0x1C000] =	vst v63  }
0x3e: {  	s29 =	sadd.s32 s6, s29;
	s31 =	sor.u32 $0x200, s30  }
0x3f: {  	[tilespmem:s31], [sflag:$0x1] =	stream.linear.gather [hbm4b:s29+s3], $0x100, $0x38;
	[tilespmem:$0x1C000] =	vst v63  }
0x40: {  	_ =	swait.ge [sflag:s23], $0x4000  }
0x41: {  	s0 =	sshll.u32 s0, $0x8;
	[sflag:s23] =	ssyncset.done $0x0  }
0x42: {  	s29 =	sor.u32 $0x200, s0;
	[sflag:s23] =	ssyncadd.s32 $0xFFFFC000  }
0x43: {  	[spmem:s1] =	stream.indirect.scatter.add.f32 [tilespmem:s18], [sflag:$0x4], $0x80, s29, s21, $0xb8;
	[tilespmem:$0x1C000] =	vst v63  }
0x44: {  	_ =	swait.ge [sflag:s19], $0x4000  }
0x45: {  	[sflag:s19] =	ssyncset.done $0x0  }
0x46: {  	[sflag:s19] =	ssyncadd.s32 $0xFFFFC000  }
0x47: {  	_ =	swait.ge [sflag:s20], $0x100  }
0x48: {  	[sflag:s20] =	ssyncset.done $0x0  }
0x49: {  	[sflag:s20] =	ssyncadd.s32 $0xFFFFFF00  }
0x4a: {  	_ =	swait.ge [sflag:s20], $0x100  }
0x4b: {  	[sflag:s20] =	ssyncset.done $0x0  }
0x4c: {  	s17 =	sadd.s32 $0x200, s16;
	[sflag:s20] =	ssyncadd.s32 $0xFFFFFF00  }
0x4d: {  	[tilespmem:s18], [sflag:$0x2] =	stream.indirect.gather [hbm4b:s4+s21], $0x80, s30, s21, $0xb8;
	[tilespmem:$0x1C000] =	vst v63  }
0x4e: {  	s17 =	sand.u32 $0xFFC00, s17;
	s31 =	simm.s32 $0x300;
	_ =	swait.ge [sflag:s24], $0x4000  }
0x4f: {  	s0 =	sor.u32 $0x280, s0;
	s29 =	simm.s32 $0x200;
	[sflag:s24] =	ssyncset.done $0x0  }
0x50: {  	s26 =	sand.u32 $0x300, s29;
	s29 =	simm.s32 $0x1;
	[sflag:s24] =	ssyncadd.s32 $0xFFFFC000  }
0x51: {  	[spmem:s1] =	stream.indirect.scatter.add.f32 [tilespmem:s22], [sflag:$0x4], $0x80, s0, s21, $0xb8;
	[tilespmem:$0x1C000] =	vst v63  }
0x52: {  	s30 =	sor.u32 $0x80, s30;
	s0 =	sor.u32 s26, s17;
	_ =	swait.ge [sflag:s19], $0x4000  }
.LBB2_4:
0x53: {  	s17 =	sand.u32 $0x1, s29  }
0x54: {  	s0 =	sshrl.u32 s0, $0x3;
	[sflag:s19] =	ssyncset.done $0x0;
	s2 =	smov.u32 s31  }
0x55: {  	s25 =	sxor.u32 $0x1, s17;
	s17 =	sshll.u32 s17, $0x8;
	[sflag:s19] =	ssyncadd.s32 $0xFFFFC000  }
0x56: {  	[tilespmem:s22], [sflag:$0x3] =	stream.indirect.gather [hbm4b:s4+s21], $0x80, s30, s21, $0xb8;
	[tilespmem:$0x1C000] =	vst v63  }
0x57: {  	s26 =	sadd.s32 $0x100, s31;
	s25 =	sshll.u32 s25, $0x8;
	s30 =	sadd.s32 s5, s0  }
0x58: {  	[tilespmem:s25], [sflag:$0x1] =	stream.linear.gather [hbm4b:s30+s3], $0x100, $0x38;
	[tilespmem:$0x1C000] =	vst v63  }
0x59: {  	s0 =	sadd.s32 s6, s0;
	s7 =	sor.u32 $0x200, s25;
	s30 =	sor.u32 $0x80, s25  }
0x5a: {  	[tilespmem:s7], [sflag:$0x1] =	stream.linear.gather [hbm4b:s0+s3], $0x100, $0x38;
	[tilespmem:$0x1C000] =	vst v63  }
0x5b: {  	p0 =	sne.s32 s31, $0x2700;
	_ =	swait.ge [sflag:s23], $0x4000  }
0x5c: {  	[sflag:s23] =	ssyncset.done $0x0  }
0x5d: {  	s0 =	sor.u32 $0x200, s17;
	[sflag:s23] =	ssyncadd.s32 $0xFFFFC000  }
0x5e: {  	[spmem:s1] =	stream.indirect.scatter.add.f32 [tilespmem:s18], [sflag:$0x4], $0x80, s0, s21, $0xb8;
	[tilespmem:$0x1C000] =	vst v63  }
0x5f: {  	_ =	swait.ge [sflag:s19], $0x4000  }
0x60: {  	[sflag:s19] =	ssyncset.done $0x0  }
0x61: {  	[sflag:s19] =	ssyncadd.s32 $0xFFFFC000  }
0x62: {  	_ =	swait.ge [sflag:s20], $0x100  }
0x63: {  	[sflag:s20] =	ssyncset.done $0x0  }
0x64: {  	[sflag:s20] =	ssyncadd.s32 $0xFFFFFF00  }
0x65: {  	_ =	swait.ge [sflag:s20], $0x100  }
0x66: {  	[sflag:s20] =	ssyncset.done $0x0  }
0x67: {  	[sflag:s20] =	ssyncadd.s32 $0xFFFFFF00  }
0x68: {  	[tilespmem:s18], [sflag:$0x2] =	stream.indirect.gather [hbm4b:s4+s21], $0x80, s25, s21, $0xb8;
	[tilespmem:$0x1C000] =	vst v63  }
.Ltmp1:
0x69: {  	s29 =	sadd.s32 $0x1, s29;
	_ =	swait.ge [sflag:s24], $0x4000;
	(pc) =	sbr.rel @p0 .LBB2_4-.Ltmp1, $4  }
0x6a: {  	s0 =	sadd.s32 s2, s16;
	s2 =	sand.u32 $0x300, s2;
	[sflag:s24] =	ssyncset.done $0x0  }
0x6b: {  	s7 =	sor.u32 $0x280, s17;
	s0 =	sand.u32 $0xFFC00, s0;
	[sflag:s24] =	ssyncadd.s32 $0xFFFFC000  }
0x6c: {  	[spmem:s1] =	stream.indirect.scatter.add.f32 [tilespmem:s22], [sflag:$0x4], $0x80, s7, s21, $0xb8;
	[tilespmem:$0x1C000] =	vst v63  }
0x6d: {  	s31 =	smov.u32 s26;
	s0 =	sor.u32 s2, s0;
	_ =	swait.ge [sflag:s19], $0x4000  }
0x6e: {  	s2 =	sand.u32 $0x1, s29;
	[sflag:s19] =	ssyncset.done $0x0  }
0x6f: {  	s0 =	sshrl.u32 s0, $0x3;
	s7 =	sxor.u32 $0x1, s2;
	[sflag:s19] =	ssyncadd.s32 $0xFFFFC000  }
0x70: {  	[tilespmem:s22], [sflag:$0x3] =	stream.indirect.gather [hbm4b:s4+s21], $0x80, s30, s21, $0xb8;
	[tilespmem:$0x1C000] =	vst v63  }
0x71: {  	s17 =	sadd.s32 s5, s0;
	s7 =	sshll.u32 s7, $0x8  }
0x72: {  	[tilespmem:s7], [sflag:$0x1] =	stream.linear.gather [hbm4b:s17+s3], $0x100, $0x38;
	[tilespmem:$0x1C000] =	vst v63  }
0x73: {  	s0 =	sadd.s32 s6, s0;
	s31 =	sor.u32 $0x200, s7  }
0x74: {  	[tilespmem:s31], [sflag:$0x1] =	stream.linear.gather [hbm4b:s0+s3], $0x100, $0x38;
	[tilespmem:$0x1C000] =	vst v63  }
0x75: {  	_ =	swait.ge [sflag:s23], $0x4000  }
0x76: {  	s17 =	sshll.u32 s2, $0x8;
	[sflag:s23] =	ssyncset.done $0x0  }
0x77: {  	s2 =	sor.u32 $0x200, s17;
	[sflag:s23] =	ssyncadd.s32 $0xFFFFC000  }
0x78: {  	[spmem:s1] =	stream.indirect.scatter.add.f32 [tilespmem:s18], [sflag:$0x4], $0x80, s2, s21, $0xb8;
	[tilespmem:$0x1C000] =	vst v63  }
0x79: {  	_ =	swait.ge [sflag:s19], $0x4000  }
0x7a: {  	[sflag:s19] =	ssyncset.done $0x0  }
0x7b: {  	[sflag:s19] =	ssyncadd.s32 $0xFFFFC000  }
0x7c: {  	_ =	swait.ge [sflag:s20], $0x100  }
0x7d: {  	[sflag:s20] =	ssyncset.done $0x0  }
0x7e: {  	[sflag:s20] =	ssyncadd.s32 $0xFFFFFF00  }
0x7f: {  	_ =	swait.ge [sflag:s20], $0x100  }
0x80: {  	[sflag:s20] =	ssyncset.done $0x0  }
0x81: {  	[sflag:s20] =	ssyncadd.s32 $0xFFFFFF00  }
0x82: {  	[tilespmem:s18], [sflag:$0x2] =	stream.indirect.gather [hbm4b:s4+s21], $0x80, s7, s21, $0xb8;
	[tilespmem:$0x1C000] =	vst v63  }
0x83: {  	_ =	swait.ge [sflag:s24], $0x4000  }
0x84: {  	[sflag:s24] =	ssyncset.done $0x0  }
0x85: {  	s0 =	sor.u32 $0x280, s17;
	[sflag:s24] =	ssyncadd.s32 $0xFFFFC000  }
0x86: {  	[spmem:s1] =	stream.indirect.scatter.add.f32 [tilespmem:s22], [sflag:$0x4], $0x80, s0, s21, $0xb8;
	[tilespmem:$0x1C000] =	vst v63  }
0x87: {  	_ =	swait.ge [sflag:s19], $0x4000  }
0x88: {  	[sflag:s19] =	ssyncset.done $0x0  }
0x89: {  	s25 =	sor.u32 $0x80, s7;
	[sflag:s19] =	ssyncadd.s32 $0xFFFFC000  }
0x8a: {  	[tilespmem:s22], [sflag:$0x3] =	stream.indirect.gather [hbm4b:s4+s21], $0x80, s25, s21, $0xb8;
	[tilespmem:$0x1C000] =	vst v63  }
0x8b: {  	_ =	swait.ge [sflag:s23], $0x4000  }
0x8c: {  	[sflag:s23] =	ssyncset.done $0x0  }
0x8d: {  	s26 =	simm.s32 $0x300;
	[sflag:s23] =	ssyncadd.s32 $0xFFFFC000  }
0x8e: {  	[spmem:s1] =	stream.indirect.scatter.add.f32 [tilespmem:s18], [sflag:$0x4], $0x80, s26, s21, $0xb8;
	[tilespmem:$0x1C000] =	vst v63  }
0x8f: {  	_ =	swait.ge [sflag:s19], $0x4000  }
0x90: {  	[sflag:s19] =	ssyncset.done $0x0  }
0x91: {  	[sflag:s19] =	ssyncadd.s32 $0xFFFFC000  }
0x92: {  	_ =	swait.ge [sflag:s24], $0x4000  }
0x93: {  	[sflag:s24] =	ssyncset.done $0x0  }
0x94: {  	s29 =	simm.s32 $0x380;
	[sflag:s24] =	ssyncadd.s32 $0xFFFFC000  }
0x95: {  	[spmem:s1] =	stream.indirect.scatter.add.f32 [tilespmem:s22], [sflag:$0x4], $0x80, s29, s21, $0xb8;
	[tilespmem:$0x1C000] =	vst v63  }
0x96: {  	s28 =	sadd.s32 $0x1, s28;
	_ =	swait.ge [sflag:s19], $0x4000  }
0x97: {  	p0 =	sne.s32 s28, s15;
	s30 =	stileid.u32;
	[sflag:s19] =	ssyncset.done $0x0  }
0x98: {  	s31 =	sshrl.u32 s8, $0x3;
	s0 =	sshll.u32 s30, $0x6;
	[sflag:s19] =	ssyncadd.s32 $0xFFFFC000  }
.Ltmp2:
0x99: {  	s0 =	sor.u32 $0x1C04, s0;
	[bflag:$0x0] =	sbarrier.arrive $0xFFFF;
	(pc) =	sbr.rel @p0 .LBB2_1-.Ltmp2, $4  }
0x9a: {  	[hbm:s14], [sflag:s0] =	dma.local [spmem:s31], $0x2780  }
0x9b: {  	_ =	swait.ge [sflag:s19], $0x2780  }
0x9c: {  	[sflag:s19] =	ssyncset.done $0x0  }
0x9d: {  	[sflag:s19] =	ssyncadd.s32 $0xFFFFD880  }
0x9e: {  	_ =	sfence.sel $0x180000  }
0x9f: {  	[bflag:$0x0] =	sbarrier.arrive $0xFFFF  }
0xa0: {  	_ =	strace $0x9000004D  }
0xa1: {  	s0 =	stileid.u32;
	[bflag:$0x2] =	sbarrier.arrive $0xFFFF  }
0xa2: {  	p0 =	sne.s32 s0, $0x0;
	s0 =	rddreg [dreg:$0x2]  }
0xa3: {  	s0 =	sadd.s32 @!p0 $0x100000, s0  }
0xa4: {  	[sflag:s0] =	ssyncadd.tile.s32 @!p0 $0x1;
	_ =	shalt  }
.Lfunc_end2:
_tile_overlayer_lowered:
.L_overlay_start_2:
0xa5: {  	(tag) =	ssettag $0x2  }
0xa6: {  	s0 =	rddreg [dreg:$0x0];
	s2 =	stileid.u32  }
0xa7: {  	s1 =	rddreg [dreg:$0x1];
	p0 =	sne.s32 s2, $0x0  }
0xa8: {  	s3 =	rddreg [dreg:$0x2];
	[bflag:$0x3] =	sbarrier.arrive $0xFFFF;
	s2 =	simm.s32 @!p0 $0x1C04  }
0xa9: {  	[timem:s3], [sflag:s2] =	dma.local @!p0 [hbm:s0], s1  }
0xaa: {  	s0 =	simm.s32 @!p0 $0x4  }
0xab: {  	_ =	swait.ge @!p0 [sflag:s0], s1  }
0xac: {  	s1 =	ssub.s32 @!p0 $0x0, s1;
	[sflag:s0] =	ssyncset.done @!p0 $0x0  }
0xad: {  	[sflag:s0] =	ssyncadd.s32 @!p0 s1  }
0xae: {  	[bflag:$0x3] =	sbarrier.arrive $0xFFFF  }
0xaf: {  	_ =	shalt  }

// kernel: kernel.8.cloned.1.call-start
scs
__scs_entry_jumppad:
0x0: {  	(pc) =	sbr.rel $0x88, $3  }
0x1: {  	(tag) =	ssettag $0x0;
	lr =	simm.s32 $0x1  }
0x2: {  	[smem:$0x3F98] =	sst lr;
	_ =	strace $0xD0000000  }
0x3: {  	_ = 	snop  }
0x4: {  	_ = 	snop  }
0x5: {  	_ = 	snop  }
0x6: {  	_ = 	snop  }
0x7: {  	_ = 	snop  }
__scs_overlays_trampoline_lowered:
0x8: {  	[smem:$0x3FA7] =	sst s0  }
0x9: {  	[smem:$0x3FA8] =	sst s1  }
0xa: {  	[smem:$0x3FA9] =	sst s2  }
0xb: {  	[smem:$0x3FAA] =	sst s3  }
0xc: {  	[smem:$0x3FAB] =	sst s4  }
0xd: {  	[smem:$0x3FAC] =	sst s5  }
0xe: {  	[smem:$0x3FAD] =	sst s6  }
0xf: {  	[smem:$0x3FAE] =	sst s7  }
0x10: {  	[smem:$0x3FAF] =	sst s8  }
0x11: {  	[smem:$0x3FB0] =	sst s9;
	s0 =	simm.s32 @!p0 $0x0  }
0x12: {  	s1 =	sld [smem:$0x3F96];
	s0 =	simm.s32 @p0 $0x1  }
0x13: {  	[smem:$0x3FB1] =	sst s0;
	s0 =	simm.s32 @!p1 $0x0  }
0x14: {  	s2 =	sld [smem:$0x3F95];
	s0 =	simm.s32 @p1 $0x1  }
0x15: {  	[smem:$0x3FB2] =	sst s0;
	s0 =	simm.s32 @!p2 $0x0  }
0x16: {  	s3 =	sld [smem:$0x3FDB];
	s0 =	simm.s32 @p2 $0x1  }
0x17: {  	s4 =	simm.s32 $0x1BF5;
	[smem:$0x3FB4] =	sst s0  }
0x18: {  	s0 =	sld [smem:$0x3F97];
	_ =	swait.ge [sflag:s4], $0x0  }
0x19: {  	s7 =	sld [smem:$0x3F98]  }
0x1a: {  	s8 =	sadd.s32 $0xFFFFE003, lr  }
0x1b: {  	s9 =	sadd.s32 $0xFFFFFEF7, lr;
	s5 =	simm.s32 $0xFFFFFFFF;
	p2 =	slt.u32 s8, $0xFFFFF086  }
0x1c: {  	p1 =	slt.u32 s9, $0xF7A;
	s5 =	simm.s32 @!p2 $0x0  }
0x1d: {  	s5 =	simm.s32 @p1 $0x1;
	p0 =	seq.s32 s7, s2  }
0x1e: {  	s7 =	smul.u32 @!p0 $0xF7A, s2;
	p2 =	seq.s32 @!p0 s5, $0x0  }
0x1f: {  	s9 =	smul.u32 $0xF7A, s1;
	s8 =	simm.s32 @!p0 $0x1BF5;
	p2 =	por !p2, p0  }
0x20: {  	[sflag:s8] =	ssyncset.s32 @!p0 $0xFFFFF086;
	s6 =	sadd.s32 @!p0 s3, s7;
	s7 =	simm.s32 @!p0 $0x108  }
0x21: {  	s3 =	sadd.s32 s3, s9;
	s6 =	sadd.s32 @!p0 $0x88, s6;
	s7 =	simm.s32 @p2 $0x1082  }
0x22: {  	[simem:s7], [sflag:s8] =	dma.local @!p0 [hbm:s6], $0xF7A  }
0x23: {  	s9 =	sor.u32 $0xD0000000, s2;
	s6 =	simm.s32 $0x108;
	_ =	swait.ge @!p0 [sflag:s8], $0x0  }
0x24: {  	s3 =	sadd.s32 $0x88, s3;
	s6 =	simm.s32 @!p1 $0x1082;
	[sflag:s4] =	ssyncset.s32 $0xFFFFF086  }
0x25: {  	[simem:s6], [sflag:s4] =	dma.local [hbm:s3], $0xF7A  }
0x26: {  	[smem:$0x3F98] =	sst s1;
	(tag) =	ssettag s2;
	_ =	strace s9  }
0x27: {  	s1 =	sld [smem:$0x3FA8]  }
0x28: {  	s2 =	sld [smem:$0x3FA9]  }
0x29: {  	s4 =	sld [smem:$0x3FAB]  }
0x2a: {  	p0 =	seq.s32 s5, $0x0;
	s5 =	sld [smem:$0x3FAC]  }
0x2b: {  	s6 =	sld [smem:$0x3FAD]  }
0x2c: {  	s7 =	sld [smem:$0x3FAE]  }
0x2d: {  	s3 =	simm.s32 $0x108;
	s8 =	sld [smem:$0x3FAF]  }
0x2e: {  	s3 =	simm.s32 @!p0 $0x1082;
	s9 =	sld [smem:$0x3FB0]  }
0x2f: {  	lr =	sadd.s32 s0, s3;
	s0 =	sld [smem:$0x3FA7]  }
0x30: {  	s3 =	sld [smem:$0x3FAA]  }
0x31: {  	[smem:$0x3FB3] =	sst s10  }
0x32: {  	s10 =	sld [smem:$0x3FB1];
	_ =	sdelay $0x3  }
0x33: {  	p0 =	seq.s32 s10, $0x1;
	s10 =	sld [smem:$0x3FB3];
	_ =	sdelay $0x3  }
0x34: {  	[smem:$0x3FB3] =	sst s10  }
0x35: {  	s10 =	sld [smem:$0x3FB2];
	_ =	sdelay $0x3  }
0x36: {  	p1 =	seq.s32 s10, $0x1;
	s10 =	sld [smem:$0x3FB3];
	_ =	sdelay $0x3  }
0x37: {  	[smem:$0x3FB3] =	sst s10  }
0x38: {  	s10 =	sld [smem:$0x3FB4]  }
0x39: {  	_ = 	snop;
	(pc) =	sbr.ind lr, $3  }
0x3a: {  	_ = 	snop  }
0x3b: {  	_ = 	snop  }
0x3c: {  	p2 =	seq.s32 s10, $0x1;
	s10 =	sld [smem:$0x3FB3]  }
0x3d: {  	_ =	shalt  }
0x3e: {  	_ =	shalt  }
0x3f: {  	_ =	shalt  }
0x40: {  	_ =	shalt  }
0x41: {  	_ =	shalt  }
0x42: {  	_ =	shalt  }
0x43: {  	_ =	shalt  }
0x44: {  	_ =	shalt  }
0x45: {  	_ =	shalt  }
0x46: {  	_ =	shalt  }
0x47: {  	_ =	shalt  }
0x48: {  	_ =	shalt  }
0x49: {  	_ =	shalt  }
0x4a: {  	_ =	shalt  }
0x4b: {  	_ =	shalt  }
0x4c: {  	_ =	shalt  }
0x4d: {  	_ =	shalt  }
0x4e: {  	_ =	shalt  }
0x4f: {  	_ =	shalt  }
0x50: {  	_ =	shalt  }
0x51: {  	_ =	shalt  }
0x52: {  	_ =	shalt  }
0x53: {  	_ =	shalt  }
0x54: {  	_ =	shalt  }
0x55: {  	_ =	shalt  }
0x56: {  	_ =	shalt  }
0x57: {  	_ =	shalt  }
0x58: {  	_ =	shalt  }
0x59: {  	_ =	shalt  }
0x5a: {  	_ =	shalt  }
0x5b: {  	_ =	shalt  }
0x5c: {  	_ =	shalt  }
0x5d: {  	_ =	shalt  }
0x5e: {  	_ =	shalt  }
0x5f: {  	_ =	shalt  }
0x60: {  	_ =	shalt  }
0x61: {  	_ =	shalt  }
0x62: {  	_ =	shalt  }
0x63: {  	_ =	shalt  }
0x64: {  	_ =	shalt  }
0x65: {  	_ =	shalt  }
0x66: {  	_ =	shalt  }
0x67: {  	_ =	shalt  }
0x68: {  	_ =	shalt  }
0x69: {  	_ =	shalt  }
0x6a: {  	_ =	shalt  }
0x6b: {  	_ =	shalt  }
0x6c: {  	_ =	shalt  }
0x6d: {  	_ =	shalt  }
0x6e: {  	_ =	shalt  }
0x6f: {  	_ =	shalt  }
0x70: {  	_ =	shalt  }
0x71: {  	_ =	shalt  }
0x72: {  	_ =	shalt  }
0x73: {  	_ =	shalt  }
0x74: {  	_ =	shalt  }
0x75: {  	_ =	shalt  }
0x76: {  	_ =	shalt  }
0x77: {  	_ =	shalt  }
0x78: {  	_ =	shalt  }
0x79: {  	_ =	shalt  }
0x7a: {  	_ =	shalt  }
0x7b: {  	_ =	shalt  }
0x7c: {  	_ =	shalt  }
0x7d: {  	_ =	shalt  }
0x7e: {  	_ =	shalt  }
0x7f: {  	_ =	shalt  }
0x80: {  	_ =	shalt  }
0x81: {  	_ =	shalt  }
0x82: {  	_ =	shalt  }
0x83: {  	_ =	shalt  }
0x84: {  	_ =	shalt  }
0x85: {  	_ =	shalt  }
0x86: {  	_ =	shalt  }
0x87: {  	_ =	shalt  }
.Lfunc_end0:
.L_simem_size_0:
called_computation_lowered:
.L_overlay_start_0:
0x88: {  	s2 =	sld [smem:$0x3FD9]  }
0x89: {  	s3 =	sld [smem:$0x3FFE];
	_ =	sdelay $0x1  }
0x8a: {  	s1 =	srdreg.scid  }
0x8b: {  	s0 =	sand.u32 $0x1, s1  }
0x8c: {  	s17 =	sshll.u32 s0, $0xA;
	s2 =	sadd.s32 s3, s2  }
0x8d: {  	s2 =	sadd.s32 s2, s17  }
0x8e: {  	[smem:$0x3FBF] =	sst s2  }
0x8f: {  	_ = 	snop  }
0x90: {  	s2 =	sld [smem:$0x3FD0];
	(tm) =	ssettm $0x1  }
0x91: {  	s18 =	sld [smem:$0x3FFB];
	_ =	sdelay $0x3  }
0x92: {  	_ =	strace s18  }
0x93: {  	s3 =	sld [smem:$0x3FFC];
	_ =	sdelay $0x3  }
0x94: {  	_ =	strace s3  }
0x95: {  	s3 =	sld [smem:$0x3FFD];
	_ =	sdelay $0x3  }
0x96: {  	_ =	strace s3  }
0x97: {  	_ =	strace $0x8FFFFFFF  }
0x98: {  	s19 =	sld [smem:$0x3FDB];
	_ =	sdelay $0x1  }
0x99: {  	s4 =	simm.s32 $_scs_section_size  }
0x9a: {  	s5 =	simm.s32 $_size__tile_overlayer_lowered;
	s6 =	simm.s32 $_tile_overlayer_lowered  }
0x9b: {  	s22 =	simm.s32 $0x1BFF;
	s21 =	sshll.u32 s6, $0x1;
	s3 =	sadd.s32 s4, s19  }
0x9c: {  	s7 =	simm.s32 $0x0;
	s20 =	sshll.u32 s5, $0x1;
	s5 =	sadd.s32 s21, s3  }
0x9d: {  	[timem:s7], [sflag:s22] =	dma.local [hbm:s5], s20  }
0x9e: {  	_ =	swait.ge [sflag:s22], s20  }
0x9f: {  	s4 =	ssub.s32 $0x0, s20;
	[sflag:s22] =	ssyncset.done $0x0  }
0xa0: {  	[sflag:s22] =	ssyncadd.s32 s4;
	_ =	sdelay $0x1  }
0xa1: {  	s23 =	simm.s32 $0x1B8B  }
0xa2: {  	_ =	swait.ge [sflag:s23], $0x1  }
0xa3: {  	[sflag:s23] =	ssyncset.done $0x0  }
0xa4: {  	s25 =	simm.s32 $0x1B8E;
	s24 =	sld [smem:$0x3FFE];
	[sflag:s23] =	ssyncadd.s32 $0xFFFFFFFF  }
0xa5: {  	s26 =	simm.s32 $execute0_lowered;
	[smem:$0x3FD2] =	sst s25  }
0xa6: {  	s5 =	sshll.u32 s26, $0x1;
	_ =	strace $0x80000046;
	[dreg:$0x1] =	wrdreg $0xFFFFFFFF  }
0xa7: {  	s28 =	simm.s32 $_size_execute0_lowered;
	s3 =	sadd.s32 s3, s5;
	[dreg:$0x0] =	wrdreg $0x0  }
0xa8: {  	s5 =	sshll.u32 s28, $0x1;
	[dreg:$0x2] =	wrdreg s3  }
0xa9: {  	[dreg:$0x3] =	wrdreg s5  }
0xaa: {  	[dreg:$0x4] =	wrdreg $0xC0  }
0xab: {  	_ =	task [dreg:s7], $0x5FFFF  }
0xac: {  	[dreg:$0x1] =	wrdreg $0xFFFFFFFF  }
0xad: {  	[dreg:$0x0] =	wrdreg $0x60  }
0xae: {  	[dreg:$0x2] =	wrdreg s24  }
0xaf: {  	[dreg:$0x3] =	wrdreg s2  }
0xb0: {  	[dreg:$0x4] =	wrdreg $0x2B000  }
0xb1: {  	[dreg:$0x5] =	wrdreg $0x9  }
0xb2: {  	_ =	task.clear_ibuf [dreg:s7], $0x6FFFF;
	_ =	strace $0x90000046  }
0xb3: {  	s29 =	simm.s32 $0x9;
	_ =	strace $0x80000048  }
0xb4: {  	_ =	swait.ge [sflag:s29], $0x1  }
0xb5: {  	[sflag:s29] =	ssyncadd.s32 $0xFFFFFFFF  }
0xb6: {  	_ =	strace $0x90000048  }
0xb7: {  	_ =	sfence  }
0xb8: {  	s30 =	sld [smem:$0x0];
	_ =	sdelay $0x2  }
0xb9: {  	s31 =	sshll.u32 s1, $0xD;
	s1 =	sshrl.u32 s1, $0x2  }
0xba: {  	s3 =	sand.u32 $0x4000, s31;
	s1 =	sadd.s32 s1, s30  }
0xbb: {  	s0 =	sor.u32 s3, s0;
	s1 =	sshll.u32 s1, $0x11  }
0xbc: {  	s0 =	sor.u32 s1, s0  }
0xbd: {  	s0 =	sadd.s32 $0x8F2B, s0  }
0xbe: {  	[sflag:s0] =	ssyncadd.remote.s32 $0x1  }
0xbf: {  	_ =	sfence.sel $0xFFFF  }
0xc0: {  	[dreg:$0x0] =	wrdreg $0xFFFFFFFF;
	(pc) =	sbr.abs _section_cstart, $3  }
0xc1: {  	[dreg:$0x1] =	wrdreg $0xFFFFFFFF  }
0xc2: {  	_ =	task.clear_ibuf [dreg:s7], $0x2FFFF;
	_ =	strace $0x9FFFFFFF  }
0xc3: {  	(tm) =	ssettm $0x7FFFFFFF  }
tec
execute0_lowered:
.L_overlay_start_1:
0x0: {  	(tag) =	ssettag $0x1  }
0x1: {  	s4 =	rddreg [dreg:$0x0]  }
0x2: {  	s1 =	srdreg.scid;
	s6 =	rddreg [dreg:$0x1]  }
0x3: {  	s0 =	stileid.u32;
	s2 =	rddreg [dreg:$0x2]  }
0x4: {  	s3 =	simm.s32 $0x0;
	s11 =	simm.s32 $0x80;
	s12 =	simm.s32 $0x2800  }
0x5: {  	s13 =	simm.s32 $0x2;
	s14 =	simm.s32 $0x0;
	s5 =	sand.u32 $0x1, s1  }
0x6: {  	s28 =	sshll.u32 s0, $0x1;
	s8 =	smul.u32 $0x278, s0;
	[smem:$0x7FF] =	sst s3  }
0x7: {  	s1 =	sor.u32 s5, s28;
	s9 =	ssub.s32 $0x2, s5;
	s5 =	smul.u32 $0x2780, s5  }
0x8: {  	s7 =	smul.u32 $0x500, s1;
	s1 =	rddreg [dreg:$0x3];
	s10 =	sshrl.u32 s9, $0x1  }
0x9: {  	_ =	strace $0x80000047;
	s29 =	ssub.s32 s9, s10;
	s30 =	sadd.s32 s8, s5  }
0xa: {  	s5 =	sadd.s32 s8, s2;
	s8 =	simm.s32 $0x2880;
	s9 =	simm.s32 $0x3  }
0xb: {  	s10 =	simm.s32 $0x1;
	s4 =	sadd.s32 s7, s4;
	s31 =	sshrl.u32 s30, $0x3  }
0xc: {  	v0 =	vimm.f32 $1.000000000e+00;
	v1 =	vimm.f32 $0.0e+00;
	s7 =	smax.u32 s29, $0x1;
	s4 =	sadd.s32 $0x3800, s4;
	s6 =	sadd.s32 s6, s31  }
.LBB2_1:
0xd: {  	[tilespmem:s3], [sflag:$0x1] =	stream.linear.gather [hbm4b:s4+s3], $0x2800, $0x38;
	[tilespmem:$0x2D78] =	vst v63  }
0xe: {  	[tilespmem:$0x2800] =	vst v0  }
0xf: {  	[tilespmem:$0x2810] =	vst v0  }
0x10: {  	[tilespmem:$0x2820] =	vst v0  }
0x11: {  	[tilespmem:$0x2830] =	vst v0  }
0x12: {  	[tilespmem:$0x2840] =	vst v0  }
0x13: {  	[tilespmem:$0x2850] =	vst v0  }
0x14: {  	[tilespmem:$0x2860] =	vst v0  }
0x15: {  	[tilespmem:$0x2870] =	vst v0  }
0x16: {  	[tilespmem:$0x2880] =	vst v1  }
0x17: {  	[tilespmem:$0x2890] =	vst v1  }
0x18: {  	[tilespmem:$0x28A0] =	vst v1  }
0x19: {  	[tilespmem:$0x28B0] =	vst v1  }
0x1a: {  	[tilespmem:$0x28C0] =	vst v1  }
0x1b: {  	[tilespmem:$0x28D0] =	vst v1  }
0x1c: {  	[tilespmem:$0x28E0] =	vst v1  }
0x1d: {  	[tilespmem:$0x28F0] =	vst v1  }
0x1e: {  	[tilespmem:$0x2900] =	vst v1  }
0x1f: {  	[tilespmem:$0x2910] =	vst v1  }
0x20: {  	[tilespmem:$0x2920] =	vst v1  }
0x21: {  	[tilespmem:$0x2930] =	vst v1  }
0x22: {  	[tilespmem:$0x2940] =	vst v1  }
0x23: {  	[tilespmem:$0x2950] =	vst v1  }
0x24: {  	[tilespmem:$0x2960] =	vst v1  }
0x25: {  	[tilespmem:$0x2970] =	vst v1  }
0x26: {  	[tilespmem:$0x2980] =	vst v1  }
0x27: {  	[tilespmem:$0x2990] =	vst v1  }
0x28: {  	[tilespmem:$0x29A0] =	vst v1  }
0x29: {  	[tilespmem:$0x29B0] =	vst v1  }
0x2a: {  	[tilespmem:$0x29C0] =	vst v1  }
0x2b: {  	[tilespmem:$0x29D0] =	vst v1  }
0x2c: {  	[tilespmem:$0x29E0] =	vst v1  }
0x2d: {  	[tilespmem:$0x29F0] =	vst v1  }
0x2e: {  	[tilespmem:$0x2A00] =	vst v1  }
0x2f: {  	[tilespmem:$0x2A10] =	vst v1  }
0x30: {  	[tilespmem:$0x2A20] =	vst v1  }
0x31: {  	[tilespmem:$0x2A30] =	vst v1  }
0x32: {  	[tilespmem:$0x2A40] =	vst v1  }
0x33: {  	[tilespmem:$0x2A50] =	vst v1  }
0x34: {  	[tilespmem:$0x2A60] =	vst v1  }
0x35: {  	[tilespmem:$0x2A70] =	vst v1  }
0x36: {  	[tilespmem:$0x2A80] =	vst v1  }
0x37: {  	[tilespmem:$0x2A90] =	vst v1  }
0x38: {  	[tilespmem:$0x2AA0] =	vst v1  }
0x39: {  	[tilespmem:$0x2AB0] =	vst v1  }
0x3a: {  	[tilespmem:$0x2AC0] =	vst v1  }
0x3b: {  	[tilespmem:$0x2AD0] =	vst v1  }
0x3c: {  	[tilespmem:$0x2AE0] =	vst v1  }
0x3d: {  	[tilespmem:$0x2AF0] =	vst v1  }
0x3e: {  	[spmem:s5] =	stream.linear.scatter [tilespmem:s8], [sflag:$0x3], $0x278, $0x38;
	[tilespmem:$0x2D78] =	vst v63  }
0x3f: {  	_ =	swait.ge [sflag:s9], $0x278  }
0x40: {  	[sflag:s9] =	ssyncset.done $0x0  }
0x41: {  	[sflag:s9] =	ssyncadd.s32 $0xFFFFFD88  }
0x42: {  	_ =	swait.ge [sflag:s10], $0x2800  }
0x43: {  	[sflag:s10] =	ssyncset.done $0x0  }
0x44: {  	[sflag:s10] =	ssyncadd.s32 $0xFFFFD800  }
0x45: {  	s15 =	simm.s32 $0x0;
	[bflag:$0x0] =	sbarrier.arrive $0xFFFF  }
.LBB2_2:
0x46: {  	p0 =	sne.s32 s15, $0x9E00  }
.Ltmp0:
0x47: {  	_ = 	snop;
	(pc) =	sbr.rel @p0 .LBB2_2-.Ltmp0, $3  }
0x48: {  	_ =	sdelay $0x1  }
0x49: {  	s16 =	sshra.s32 s15, $0x2;
	s15 =	sadd.s32 $0x200, s15  }
0x4a: {  	[spmem:s2] =	stream.indirect.scatter.add.f32 [tilespmem:s12], [sflag:$0x2], $0x1, s16, s11, $0xb8;
	[tilespmem:$0x2D78] =	vst v63  }
0x4b: {  	_ =	swait.ge [sflag:s13], $0x80  }
0x4c: {  	s15 =	simm.s32 $0x4F;
	[sflag:s13] =	ssyncset.done $0x0  }
.LBB2_4:
0x4d: {  	p0 =	sne.s32 s15, $0x1;
	s15 =	sadd.s32 $0xFFFFFFFF, s15;
	[sflag:s13] =	ssyncadd.s32 $0xFFFFFF80  }
.Ltmp1:
0x4e: {  	(pc) =	sbr.rel @p0 .LBB2_4-.Ltmp1, $3  }
0x4f: {  	_ =	sdelay $0x1  }
0x50: {  	_ =	swait.ge [sflag:s13], $0x80  }
0x51: {  	[sflag:s13] =	ssyncset.done $0x0  }
0x52: {  	[sflag:s13] =	ssyncadd.s32 $0xFFFFFF80  }
0x53: {  	[bflag:$0x0] =	sbarrier.arrive $0xFFFF  }
0x54: {  	[tilespmem:s8], [sflag:$0x3] =	stream.linear.gather [spmem:s5], $0x278, $0x38;
	[tilespmem:$0x2D78] =	vst v63  }
0x55: {  	s14 =	sadd.s32 $0x1, s14;
	_ =	swait.ge [sflag:s9], $0x278  }
0x56: {  	p0 =	sne.s32 s14, s7;
	[sflag:s9] =	ssyncset.done $0x0  }
.Ltmp2:
0x57: {  	[sflag:s9] =	ssyncadd.s32 $0xFFFFFD88;
	(pc) =	sbr.rel @p0 .LBB2_1-.Ltmp2, $4  }
0x58: {  	[hbm4b:s6+s3] =	stream.linear.scatter [tilespmem:s8], [sflag:$0x3], $0x278, $0x38;
	[tilespmem:$0x2D78] =	vst v63  }
0x59: {  	_ =	swait.ge [sflag:s9], $0x278  }
0x5a: {  	[sflag:s9] =	ssyncset.done $0x0  }
0x5b: {  	[sflag:s9] =	ssyncadd.s32 $0xFFFFFD88  }
0x5c: {  	_ =	sfence.sel $0x180000  }
0x5d: {  	[bflag:$0x0] =	sbarrier.arrive $0xFFFF  }
0x5e: {  	p0 =	sne.s32 s0, $0x0;
	_ =	strace $0x90000047  }
0x5f: {  	s0 =	sadd.s32 @!p0 $0x100000, s1;
	[bflag:$0x2] =	sbarrier.arrive $0xFFFF  }
0x60: {  	[sflag:s0] =	ssyncadd.tile.s32 @!p0 $0x1;
	_ =	shalt  }
.Lfunc_end2:
_tile_overlayer_lowered:
.L_overlay_start_2:
0x61: {  	(tag) =	ssettag $0x2  }
0x62: {  	s0 =	rddreg [dreg:$0x0];
	s2 =	stileid.u32  }
0x63: {  	s1 =	rddreg [dreg:$0x1];
	p0 =	sne.s32 s2, $0x0  }
0x64: {  	s3 =	rddreg [dreg:$0x2];
	[bflag:$0x3] =	sbarrier.arrive $0xFFFF;
	s2 =	simm.s32 @!p0 $0x1C03  }
0x65: {  	[timem:s3], [sflag:s2] =	dma.local @!p0 [hbm:s0], s1  }
0x66: {  	s0 =	simm.s32 @!p0 $0x3  }
0x67: {  	_ =	swait.ge @!p0 [sflag:s0], s1  }
0x68: {  	s1 =	ssub.s32 @!p0 $0x0, s1;
	[sflag:s0] =	ssyncset.done @!p0 $0x0  }
0x69: {  	[sflag:s0] =	ssyncadd.s32 @!p0 s1  }
0x6a: {  	[bflag:$0x3] =	sbarrier.arrive $0xFFFF  }
0x6b: {  	_ =	shalt  }

</sc_bundles>
